<compile_context>
chip_gen: v7x
topology: tpu7x:2x2x1
jax: 0.10.2.dev20260603
libtpu: 0.0.44.dev20260713+nightly
codegen_flags: <defaults>
</compile_context>

<pallas_src>
import functools

import jax
import jax.numpy as jnp
from jax.experimental import pallas as pl
from jax.experimental.pallas import tpu as pltpu

B = 8


def _dense_relu_kernel(x_ref, w_ref, b_ref, o_ref):
    acc = jnp.dot(x_ref[...], w_ref[...], preferred_element_type=jnp.float32)
    o_ref[...] = jnp.maximum(acc + b_ref[...], 0.0)


def _dense_relu(x2d, W, b, block_rows=1024):
    R, Cin = x2d.shape
    Cout = W.shape[1]
    br = min(block_rows, max(8, R))
    Rp = ((R + br - 1) // br) * br
    if Rp != R:
        x2d = jnp.pad(x2d, ((0, Rp - R), (0, 0)))
    out = pl.pallas_call(
        _dense_relu_kernel,
        grid=(Rp // br,),
        in_specs=[
            pl.BlockSpec((br, Cin), lambda i: (i, 0)),
            pl.BlockSpec((Cin, Cout), lambda i: (0, 0)),
            pl.BlockSpec((1, Cout), lambda i: (0, 0)),
        ],
        out_specs=pl.BlockSpec((br, Cout), lambda i: (i, 0)),
        out_shape=jax.ShapeDtypeStruct((Rp, Cout), jnp.float32),
    )(x2d, W, b.reshape(1, Cout))
    return out[:R]


def _bq_kernel(q_ref, t_ref, qn_ref, tn_ref, o_ref, *, radius, K, Kp, N):
    q = q_ref[0]
    tT = t_ref[0]
    b = pl.program_id(0)
    dot = jax.lax.dot_general(q, tT, (((1,), (0,)), ((), ())),
                              preferred_element_type=jnp.float32)
    qn2 = qn_ref[0]
    tn2 = tn_ref[0]
    d = -2.0 * dot + qn2 + tn2
    mask = (d <= radius * radius).astype(jnp.float32)
    ch = min(128, N)
    row_i = jax.lax.broadcasted_iota(jnp.int32, (ch, ch), 0)
    col_i = jax.lax.broadcasted_iota(jnp.int32, (ch, ch), 1)
    ut = (row_i <= col_i).astype(jnp.float32)
    chunks = []
    carry = jnp.zeros((q.shape[0], 1), jnp.float32)
    for c in range(N // ch):
        blk = mask[:, c * ch:(c + 1) * ch]
        r = jnp.dot(blk, ut, preferred_element_type=jnp.float32) + carry
        carry = r[:, ch - 1:ch]
        chunks.append(r)
    rank = jnp.concatenate(chunks, axis=1)
    cols = []
    for k in range(K):
        cols.append(jnp.sum(jnp.where(rank <= float(k), 1.0, 0.0),
                            axis=-1, keepdims=True))
    idx = jnp.concatenate(cols, axis=1)
    first = idx[:, 0:1]
    idx = jnp.where(idx >= float(N), first, idx)
    if Kp > K:
        idx = jnp.concatenate(
            [idx, jnp.zeros((idx.shape[0], Kp - K), jnp.float32)], axis=1)
    o_ref[0] = idx.astype(jnp.int32) + b * N


def _pad8(x3):
    B_, M, _ = x3.shape
    return jnp.concatenate([x3, jnp.zeros((B_, M, 5), jnp.float32)], axis=-1)


def _ball_query_pallas(radius, K, Kp, table8, query8, qb=256):
    Bc, N, _ = table8.shape
    Q = query8.shape[1]
    qb = min(qb, Q)
    kern = functools.partial(_bq_kernel, radius=radius, K=K, Kp=Kp, N=N)
    qn2 = jnp.sum(query8[:, :, 0:3] ** 2, -1)[:, :, None]
    tn2 = jnp.sum(table8[:, :, 0:3] ** 2, -1)[:, None, :]
    return pl.pallas_call(
        kern,
        grid=(Bc, Q // qb),
        in_specs=[
            pl.BlockSpec((1, qb, 8), lambda b, i: (b, i, 0)),
            pl.BlockSpec((1, 8, N), lambda b, i: (b, 0, 0)),
            pl.BlockSpec((1, qb, 1), lambda b, i: (b, i, 0)),
            pl.BlockSpec((1, 1, N), lambda b, i: (b, 0, 0)),
        ],
        out_specs=pl.BlockSpec((1, qb, Kp), lambda b, i: (b, i, 0)),
        out_shape=jax.ShapeDtypeStruct((Bc, Q, Kp), jnp.int32),
    )(query8, jnp.transpose(table8, (0, 2, 1)), qn2, tn2)


def _gather_rows(table2d, gidx):
    return jnp.take(table2d, gidx, axis=0)


def _pool_kernel(g_ref, cq_ref, w1_ref, b1_ref, w2_ref, b2_ref,
                 mx_ref, av_ref, *, K, Kp, Cp):
    g = g_ref[0]
    cq = cq_ref[0]
    qb = g.shape[0]
    gx = g[:, :, 0:3]
    norm = gx - cq[:, None, 0:3]
    parts = [norm, gx]
    if Cp:
        parts.append(g[:, :, 8:8 + Cp])
    feat = jnp.concatenate(parts, axis=-1)
    cf = feat.shape[-1]
    h = feat.reshape(qb * Kp, cf)
    h = jnp.maximum(jnp.dot(h, w1_ref[...],
                            preferred_element_type=jnp.float32)
                    + b1_ref[...], 0.0)
    h = jnp.maximum(jnp.dot(h, w2_ref[...],
                            preferred_element_type=jnp.float32)
                    + b2_ref[...], 0.0)
    c2 = h.shape[1]
    h = h.reshape(qb, Kp, c2)
    mx = h[:, 0, :]
    sm = h[:, 0, :]
    for k in range(1, K):
        mx = jnp.maximum(mx, h[:, k, :])
        sm = sm + h[:, k, :]
    mx_ref[0] = mx
    av_ref[0] = sm / K


def _pool_mlp_pallas(G, Q8, W1, b1, W2, b2, K, qb=256):
    Bc, Q, Kp, Ct = G.shape
    Cp = Ct - 8
    C1 = W1.shape[1]
    C2 = W2.shape[1]
    qb = min(qb, Q)
    kern = functools.partial(_pool_kernel, K=K, Kp=Kp, Cp=Cp)
    mx, av = pl.pallas_call(
        kern,
        grid=(Bc, Q // qb),
        in_specs=[
            pl.BlockSpec((1, qb, Kp, Ct), lambda b, i: (b, i, 0, 0)),
            pl.BlockSpec((1, qb, 8), lambda b, i: (b, i, 0)),
            pl.BlockSpec(W1.shape, lambda b, i: (0, 0)),
            pl.BlockSpec((1, C1), lambda b, i: (0, 0)),
            pl.BlockSpec((C1, C2), lambda b, i: (0, 0)),
            pl.BlockSpec((1, C2), lambda b, i: (0, 0)),
        ],
        out_specs=[
            pl.BlockSpec((1, qb, C2), lambda b, i: (b, i, 0)),
            pl.BlockSpec((1, qb, C2), lambda b, i: (b, i, 0)),
        ],
        out_shape=[
            jax.ShapeDtypeStruct((Bc, Q, C2), jnp.float32),
            jax.ShapeDtypeStruct((Bc, Q, C2), jnp.float32),
        ],
    )(G, Q8, W1, b1.reshape(1, C1), W2, b2.reshape(1, C2))
    return mx, av


def _fps(xyz, npoint):
    Bc, Nc, _ = xyz.shape
    def step(state, _):
        distance, farthest = state
        centroid = jax.vmap(lambda p, i: p[i])(xyz, farthest)[:, None, :]
        dist = jnp.sum((xyz - centroid) ** 2, -1)
        distance = jnp.minimum(distance, dist)
        new_far = jnp.argmax(distance, -1).astype(jnp.int32)
        return (distance, new_far), farthest
    init = (jnp.full((Bc, Nc), 1e10, dtype=jnp.float32),
            jnp.zeros((Bc,), jnp.int32))
    _, idxs = jax.lax.scan(step, init, None, length=npoint)
    return jnp.transpose(idxs)


def _neighbor_layer(radius, K, Kp, table8, query8, feats, Ws, bs, qb=256):
    Bc, N, _ = table8.shape
    Q = query8.shape[1]
    if feats is not None:
        T = jnp.concatenate([table8, feats], axis=-1)
    else:
        T = table8
    Ct = T.shape[-1]
    idxg = _ball_query_pallas(radius, K, Kp, table8, query8, qb=qb)
    G = _gather_rows(T.reshape(Bc * N, Ct), idxg.reshape(-1))
    G = G.reshape(Bc, Q, Kp, Ct)
    return _pool_mlp_pallas(G, query8, Ws[0], bs[0], Ws[1], bs[1], K, qb=qb)


def _cos_loss(maxf, avgf):
    nm = jnp.sqrt(jnp.sum(maxf ** 2, -1)) * jnp.sqrt(jnp.sum(avgf ** 2, -1)) + 1e-8
    return jnp.mean(jnp.sum(maxf * avgf, -1) / nm)


def _batchnorm1d(x, g, b):
    m = jnp.mean(x, 0)
    v = jnp.var(x, 0)
    return (x - m) / jnp.sqrt(v + 1e-5) * g + b


def kernel(xyz, params):
    Bc = xyz.shape[0]
    N = xyz.shape[2]
    xyz_t = jnp.transpose(xyz, (0, 2, 1))
    x8 = _pad8(xyz_t)
    xyz_f = xyz_t.reshape(Bc * N, 3)

    mx, av = _neighbor_layer(0.2, 32, 32, x8, x8, None,
                             params['re_W'], params['re_b'])
    points = jnp.concatenate([mx, av], -1)

    fps1 = _fps(xyz_t, 512)
    g1 = (fps1 + jnp.arange(Bc, dtype=jnp.int32)[:, None] * N).reshape(-1)
    new_xyz1 = jnp.take(xyz_f, g1, axis=0).reshape(Bc, 512, 3)
    mx, av = _neighbor_layer(0.2, 32, 32, x8, _pad8(new_xyz1), points,
                             params['sa1_W'], params['sa1_b'])
    c1 = _cos_loss(mx, av)
    l1_pts = jnp.concatenate([mx, av], -1)

    l1_f = new_xyz1.reshape(Bc * 512, 3)
    fps2 = _fps(new_xyz1, 128)
    g2 = (fps2 + jnp.arange(Bc, dtype=jnp.int32)[:, None] * 512).reshape(-1)
    new_xyz2 = jnp.take(l1_f, g2, axis=0).reshape(Bc, 128, 3)
    mx, av = _neighbor_layer(0.4, 20, 24, _pad8(new_xyz1), _pad8(new_xyz2),
                             l1_pts, params['sa2_W'], params['sa2_b'], qb=128)
    c2 = _cos_loss(mx, av)
    l2_pts = jnp.concatenate([mx, av], -1)

    W3, b3 = params['sa3_W'][0], params['sa3_b'][0]
    feat3 = jnp.concatenate([new_xyz2, new_xyz2, l2_pts],
                            -1).reshape(Bc * 128, 518)
    h3 = _dense_relu(feat3, W3, b3).reshape(Bc, 128, 1024)
    x = jnp.max(h3, axis=1)

    x = jax.nn.leaky_relu(
        _batchnorm1d(x @ params['fc1_W'] + params['fc1_b'],
                     params['bn1_g'], params['bn1_b']), 0.2)
    x = jax.nn.leaky_relu(
        _batchnorm1d(x @ params['fc2_W'] + params['fc2_b'],
                     params['bn2_g'], params['bn2_b']), 0.2)
    x = x @ params['fc3_W'] + params['fc3_b']
    cos_loss = c1 + c2 + jnp.float32(0.0)
    return (x, cos_loss, jnp.asarray(512, jnp.int32), jnp.asarray(128, jnp.int32))

# --- scband reference (transcript-rebuilt; emitter-appended) ---
"""Pipeline reference for scband-get-model-79860621902607 (READ-ONLY COPY).

The authoritative reference and input builder live on the scoring server;
editing this copy changes nothing except your own understanding.
"""

import jax, jax.numpy as jnp
import numpy as np

B, N, NCLS = 8, 2048, 40


def square_distance(src, dst):
    d = -2.0 * jnp.einsum('bsc,bmc->bsm', src, dst)
    d = d + jnp.sum(src ** 2, -1)[:, :, None]
    d = d + jnp.sum(dst ** 2, -1)[:, None, :]
    return d


def index_points(points, idx):
    return jax.vmap(lambda p, i: p[i])(points, idx)


def ball_query(radius, nsample, xyz, new_xyz):
    Np = xyz.shape[1]
    sqr = square_distance(new_xyz, xyz)
    idx = jnp.broadcast_to(jnp.arange(Np, dtype=jnp.int32), sqr.shape)
    idx = jnp.where(sqr > radius * radius, Np, idx)
    idx = jnp.sort(idx, axis=-1)[:, :, :nsample]
    first = idx[:, :, :1]
    idx = jnp.where(idx == Np, first, idx)
    return idx


def fps(xyz, npoint):
    Bc, Nc, _ = xyz.shape
    def step(state, _):
        distance, farthest = state
        centroid = jax.vmap(lambda p, i: p[i])(xyz, farthest)[:, None, :]
        dist = jnp.sum((xyz - centroid) ** 2, -1)
        distance = jnp.minimum(distance, dist)
        new_far = jnp.argmax(distance, -1).astype(jnp.int32)
        return (distance, new_far), farthest
    init = (jnp.full((Bc, Nc), 1e10, dtype=jnp.float32), jnp.zeros((Bc,), jnp.int32))
    _, idxs = jax.lax.scan(step, init, None, length=npoint)
    return jnp.transpose(idxs)


def mlp_apply(x, Ws, bs):
    for W, b in zip(Ws, bs):
        x = jax.nn.relu(x @ W + b)
    return x


def relation_encoding(xyz_t, Ws, bs):
    idx = ball_query(0.2, 32, jax.lax.stop_gradient(xyz_t), jax.lax.stop_gradient(xyz_t))
    grouped = index_points(xyz_t, idx)
    norm = grouped - xyz_t[:, :, None, :]
    feat = jnp.concatenate([norm, grouped], -1)
    h = mlp_apply(feat, Ws, bs)
    maxf = jnp.max(h, axis=2)
    avgf = jnp.mean(h, axis=2)
    return jnp.concatenate([maxf, avgf], -1)


def set_abstraction(xyz_t, points_t, npoint, radius, nsample, Ws, bs, group_all):
    Bc = xyz_t.shape[0]
    if group_all:
        grouped_xyz = xyz_t[:, None]
        feat = jnp.concatenate([grouped_xyz, grouped_xyz, points_t[:, None]], -1)
        h = mlp_apply(feat, Ws, bs)
        new_points = jnp.max(h, axis=2)
        return jnp.zeros((Bc, 1, 3), jnp.float32), new_points, jnp.float32(0.0), xyz_t.shape[1]
    fps_idx = fps(jax.lax.stop_gradient(xyz_t), npoint)
    new_xyz = index_points(xyz_t, fps_idx)
    idx = ball_query(radius, nsample, jax.lax.stop_gradient(xyz_t), jax.lax.stop_gradient(new_xyz))
    grouped_xyz = index_points(xyz_t, idx)
    norm = grouped_xyz - new_xyz[:, :, None, :]
    grouped_pts = index_points(points_t, idx)
    feat = jnp.concatenate([norm, grouped_xyz, grouped_pts], -1)
    h = mlp_apply(feat, Ws, bs)
    maxf = jnp.max(h, 2)
    avgf = jnp.mean(h, 2)
    nm = jnp.sqrt(jnp.sum(maxf ** 2, -1)) * jnp.sqrt(jnp.sum(avgf ** 2, -1)) + 1e-8
    cos_loss = jnp.mean(jnp.sum(maxf * avgf, -1) / nm)
    new_points = jnp.concatenate([maxf, avgf], -1)
    return new_xyz, new_points, cos_loss, npoint


def batchnorm1d(x, g, b):
    m = jnp.mean(x, 0)
    v = jnp.var(x, 0)
    return (x - m) / jnp.sqrt(v + 1e-5) * g + b


def setup_inputs(seed: int = 0):
    key = jax.random.key(seed)
    ks = jax.random.split(key, 16)
    xyz = jax.random.uniform(ks[0], (B, 3, N), dtype=jnp.float32)
    def w(k, shape):
        return jax.random.normal(k, shape, dtype=jnp.float32) * 0.1
    params = {
        're_W': [w(ks[1], (6, 32)), w(ks[2], (32, 32))],
        're_b': [jnp.zeros(32), jnp.zeros(32)],
        'sa1_W': [w(ks[3], (70, 64)), w(ks[4], (64, 64))],
        'sa1_b': [jnp.zeros(64), jnp.zeros(64)],
        'sa2_W': [w(ks[5], (134, 128)), w(ks[6], (128, 256))],
        'sa2_b': [jnp.zeros(128), jnp.zeros(256)],
        'sa3_W': [w(ks[7], (518, 1024))],
        'sa3_b': [jnp.zeros(1024)],
        'fc1_W': w(ks[8], (1024, 512)), 'fc1_b': jnp.zeros(512),
        'bn1_g': jnp.ones(512), 'bn1_b': jnp.zeros(512),
        'fc2_W': w(ks[9], (512, 256)), 'fc2_b': jnp.zeros(256),
        'bn2_g': jnp.ones(256), 'bn2_b': jnp.zeros(256),
        'fc3_W': w(ks[10], (256, NCLS)), 'fc3_b': jnp.zeros(NCLS),
    }
    return {'xyz': xyz, 'params': params}


def reference(xyz, params):
    xyz_t = jnp.transpose(xyz, (0, 2, 1))
    points = relation_encoding(xyz_t, params['re_W'], params['re_b'])
    l1_xyz, l1_pts, c1, u1 = set_abstraction(xyz_t, points, 512, 0.2, 32, params['sa1_W'], params['sa1_b'], False)
    l2_xyz, l2_pts, c2, u2 = set_abstraction(l1_xyz, l1_pts, 128, 0.4, 20, params['sa2_W'], params['sa2_b'], False)
    l3_xyz, l3_pts, c3, _ = set_abstraction(l2_xyz, l2_pts, 1, None, 128, params['sa3_W'], params['sa3_b'], True)
    x = l3_pts.reshape(xyz.shape[0], 1024)
    x = jax.nn.leaky_relu(batchnorm1d(x @ params['fc1_W'] + params['fc1_b'], params['bn1_g'], params['bn1_b']), 0.2)
    x = jax.nn.leaky_relu(batchnorm1d(x @ params['fc2_W'] + params['fc2_b'], params['bn2_g'], params['bn2_b']), 0.2)
    x = x @ params['fc3_W'] + params['fc3_b']
    cos_loss = c1 + c2 + c3
    return (x, cos_loss, jnp.asarray(u1), jnp.asarray(u2))

if __name__ == "__main__":
    import jax
    _d = setup_inputs()
    print(jax.jit(kernel)(*tuple(_d.values())))

</pallas_src>

<mosaic_0001>
module attributes {stable_mosaic.version = 14 : i64} {
  func.func @_bq_kernel(%arg0: i32, %arg1: i32, %arg2: memref<1x256x8xf32, #tpu.memory_space<vmem>>, %arg3: memref<1x8x2048xf32, #tpu.memory_space<vmem>>, %arg4: memref<1x256x1xf32, #tpu.memory_space<vmem>>, %arg5: memref<1x1x2048xf32, #tpu.memory_space<vmem>>, %arg6: memref<1x256x32xi32, #tpu.memory_space<vmem>>) attributes {dimension_semantics = [#tpu.dimension_semantics<arbitrary>, #tpu.dimension_semantics<arbitrary>], iteration_bounds = array<i64: 8, 8>, scalar_prefetch = 0 : i64, scratch_operands = 0 : i64, tpu.core_type = #tpu.core_type<tc>, window_params = [{transform_indices = @transform_0, window_bounds = array<i64: 1, 256, 8>}, {transform_indices = @transform_1, window_bounds = array<i64: 1, 8, 2048>}, {transform_indices = @transform_2, window_bounds = array<i64: 1, 256, 1>}, {transform_indices = @transform_3, window_bounds = array<i64: 1, 1, 2048>}, {transform_indices = @transform_4, window_bounds = array<i64: 1, 256, 32>}]} {
    %get3A = arith.constant 0 : index
    %get3A_0 = arith.constant 0 : index
    %get3A_1 = arith.constant 0 : index
    %get3A_2 = vector.load %arg2[%get3A, %get3A_0, %get3A_1] : memref<1x256x8xf32, #tpu.memory_space<vmem>>, vector<1x256x8xf32>
    %get3A_3 = vector.shape_cast %get3A_2 : vector<1x256x8xf32> to vector<256x8xf32>
    %get3A_4 = arith.constant 0 : index
    %get3A_5 = arith.constant 0 : index
    %get3A_6 = arith.constant 0 : index
    %get3A_7 = vector.load %arg3[%get3A_4, %get3A_5, %get3A_6] : memref<1x8x2048xf32, #tpu.memory_space<vmem>>, vector<1x8x2048xf32>
    %get3A_8 = vector.shape_cast %get3A_7 : vector<1x8x2048xf32> to vector<8x2048xf32>
    %dot_general3A = arith.constant dense<0.000000e+00> : vector<256x2048xf32>
    %dot_general3A_9 = tpu.matmul %get3A_3, %get3A_8, %dot_general3A {dimension_numbers = #tpu.dot_dimension_numbers<[1], [0], [0], [1], [0, 0, 1, 1], [], []>, transpose_lhs_hint = false} : vector<256x8xf32>, vector<8x2048xf32>, vector<256x2048xf32> -> vector<256x2048xf32>
    %get3A_10 = arith.constant 0 : index
    %get3A_11 = arith.constant 0 : index
    %get3A_12 = arith.constant 0 : index
    %get3A_13 = vector.load %arg4[%get3A_10, %get3A_11, %get3A_12] : memref<1x256x1xf32, #tpu.memory_space<vmem>>, vector<1x256x1xf32>
    %get3A_14 = vector.shape_cast %get3A_13 : vector<1x256x1xf32> to vector<256x1xf32>
    %get3A_15 = arith.constant 0 : index
    %get3A_16 = arith.constant 0 : index
    %get3A_17 = arith.constant 0 : index
    %get3A_18 = vector.load %arg5[%get3A_15, %get3A_16, %get3A_17] : memref<1x1x2048xf32, #tpu.memory_space<vmem>>, vector<1x1x2048xf32>
    %get3A_19 = vector.shape_cast %get3A_18 : vector<1x1x2048xf32> to vector<1x2048xf32>
    %mul3A = arith.constant -2.000000e+00 : f32
    %mul3A_20 = vector.broadcast %mul3A : f32 to vector<256x2048xf32>
    %mul3A_21 = arith.mulf %mul3A_20, %dot_general3A_9 : vector<256x2048xf32>
    %add3A = vector.broadcast %get3A_14 : vector<256x1xf32> to vector<256x2048xf32>
    %add3A_22 = arith.addf %mul3A_21, %add3A : vector<256x2048xf32>
    %add3A_23 = vector.broadcast %get3A_19 : vector<1x2048xf32> to vector<256x2048xf32>
    %add3A_24 = arith.addf %add3A_22, %add3A_23 : vector<256x2048xf32>
    %le3A = arith.constant 4.000000e-02 : f32
    %le3A_25 = vector.broadcast %le3A : f32 to vector<256x2048xf32>
    %le3A_26 = arith.cmpf ole, %add3A_24, %le3A_25 : vector<256x2048xf32>
    %convert_element_type3A = arith.extui %le3A_26 : vector<256x2048xi1> to vector<256x2048xi32>
    %convert_element_type3A_27 = arith.sitofp %convert_element_type3A : vector<256x2048xi32> to vector<256x2048xf32>
    %iota3A = tpu.iota {dimensions = array<i32: 0>} : vector<128x128xi32>
    %iota3A_28 = tpu.iota {dimensions = array<i32: 1>} : vector<128x128xi32>
    %le3A_29 = arith.cmpi sle, %iota3A, %iota3A_28 : vector<128x128xi32>
    %convert_element_type3A_30 = arith.extui %le3A_29 : vector<128x128xi1> to vector<128x128xi32>
    %convert_element_type3A_31 = arith.sitofp %convert_element_type3A_30 : vector<128x128xi32> to vector<128x128xf32>
    %broadcast_in_dim3A = arith.constant 0.000000e+00 : f32
    %broadcast_in_dim3A_32 = vector.broadcast %broadcast_in_dim3A : f32 to vector<256x1xf32>
    %slice3A = vector.extract_strided_slice %convert_element_type3A_27 {offsets = [0, 0], sizes = [256, 128], strides = [1, 1]} : vector<256x2048xf32> to vector<256x128xf32>
    %dot_general3A_33 = arith.constant dense<0.000000e+00> : vector<256x128xf32>
    %dot_general3A_34 = tpu.matmul %slice3A, %convert_element_type3A_31, %dot_general3A_33 {dimension_numbers = #tpu.dot_dimension_numbers<[1], [0], [0], [1], [0, 0, 1, 1], [], []>, transpose_lhs_hint = false} : vector<256x128xf32>, vector<128x128xf32>, vector<256x128xf32> -> vector<256x128xf32>
    %add3A_35 = vector.broadcast %broadcast_in_dim3A_32 : vector<256x1xf32> to vector<256x128xf32>
    %add3A_36 = arith.addf %dot_general3A_34, %add3A_35 : vector<256x128xf32>
    %slice3A_37 = vector.extract_strided_slice %add3A_36 {offsets = [0, 127], sizes = [256, 1], strides = [1, 1]} : vector<256x128xf32> to vector<256x1xf32>
    %slice3A_38 = vector.extract_strided_slice %convert_element_type3A_27 {offsets = [0, 128], sizes = [256, 128], strides = [1, 1]} : vector<256x2048xf32> to vector<256x128xf32>
    %dot_general3A_39 = arith.constant dense<0.000000e+00> : vector<256x128xf32>
    %dot_general3A_40 = tpu.matmul %slice3A_38, %convert_element_type3A_31, %dot_general3A_39 {dimension_numbers = #tpu.dot_dimension_numbers<[1], [0], [0], [1], [0, 0, 1, 1], [], []>, transpose_lhs_hint = false} : vector<256x128xf32>, vector<128x128xf32>, vector<256x128xf32> -> vector<256x128xf32>
    %add3A_41 = vector.broadcast %slice3A_37 : vector<256x1xf32> to vector<256x128xf32>
    %add3A_42 = arith.addf %dot_general3A_40, %add3A_41 : vector<256x128xf32>
    %slice3A_43 = vector.extract_strided_slice %add3A_42 {offsets = [0, 127], sizes = [256, 1], strides = [1, 1]} : vector<256x128xf32> to vector<256x1xf32>
    %slice3A_44 = vector.extract_strided_slice %convert_element_type3A_27 {offsets = [0, 256], sizes = [256, 128], strides = [1, 1]} : vector<256x2048xf32> to vector<256x128xf32>
    %dot_general3A_45 = arith.constant dense<0.000000e+00> : vector<256x128xf32>
    %dot_general3A_46 = tpu.matmul %slice3A_44, %convert_element_type3A_31, %dot_general3A_45 {dimension_numbers = #tpu.dot_dimension_numbers<[1], [0], [0], [1], [0, 0, 1, 1], [], []>, transpose_lhs_hint = false} : vector<256x128xf32>, vector<128x128xf32>, vector<256x128xf32> -> vector<256x128xf32>
    %add3A_47 = vector.broadcast %slice3A_43 : vector<256x1xf32> to vector<256x128xf32>
    %add3A_48 = arith.addf %dot_general3A_46, %add3A_47 : vector<256x128xf32>
    %slice3A_49 = vector.extract_strided_slice %add3A_48 {offsets = [0, 127], sizes = [256, 1], strides = [1, 1]} : vector<256x128xf32> to vector<256x1xf32>
    %slice3A_50 = vector.extract_strided_slice %convert_element_type3A_27 {offsets = [0, 384], sizes = [256, 128], strides = [1, 1]} : vector<256x2048xf32> to vector<256x128xf32>
    %dot_general3A_51 = arith.constant dense<0.000000e+00> : vector<256x128xf32>
    %dot_general3A_52 = tpu.matmul %slice3A_50, %convert_element_type3A_31, %dot_general3A_51 {dimension_numbers = #tpu.dot_dimension_numbers<[1], [0], [0], [1], [0, 0, 1, 1], [], []>, transpose_lhs_hint = false} : vector<256x128xf32>, vector<128x128xf32>, vector<256x128xf32> -> vector<256x128xf32>
    %add3A_53 = vector.broadcast %slice3A_49 : vector<256x1xf32> to vector<256x128xf32>
    %add3A_54 = arith.addf %dot_general3A_52, %add3A_53 : vector<256x128xf32>
    %slice3A_55 = vector.extract_strided_slice %add3A_54 {offsets = [0, 127], sizes = [256, 1], strides = [1, 1]} : vector<256x128xf32> to vector<256x1xf32>
    %slice3A_56 = vector.extract_strided_slice %convert_element_type3A_27 {offsets = [0, 512], sizes = [256, 128], strides = [1, 1]} : vector<256x2048xf32> to vector<256x128xf32>
    %dot_general3A_57 = arith.constant dense<0.000000e+00> : vector<256x128xf32>
    %dot_general3A_58 = tpu.matmul %slice3A_56, %convert_element_type3A_31, %dot_general3A_57 {dimension_numbers = #tpu.dot_dimension_numbers<[1], [0], [0], [1], [0, 0, 1, 1], [], []>, transpose_lhs_hint = false} : vector<256x128xf32>, vector<128x128xf32>, vector<256x128xf32> -> vector<256x128xf32>
    %add3A_59 = vector.broadcast %slice3A_55 : vector<256x1xf32> to vector<256x128xf32>
    %add3A_60 = arith.addf %dot_general3A_58, %add3A_59 : vector<256x128xf32>
    %slice3A_61 = vector.extract_strided_slice %add3A_60 {offsets = [0, 127], sizes = [256, 1], strides = [1, 1]} : vector<256x128xf32> to vector<256x1xf32>
    %slice3A_62 = vector.extract_strided_slice %convert_element_type3A_27 {offsets = [0, 640], sizes = [256, 128], strides = [1, 1]} : vector<256x2048xf32> to vector<256x128xf32>
    %dot_general3A_63 = arith.constant dense<0.000000e+00> : vector<256x128xf32>
    %dot_general3A_64 = tpu.matmul %slice3A_62, %convert_element_type3A_31, %dot_general3A_63 {dimension_numbers = #tpu.dot_dimension_numbers<[1], [0], [0], [1], [0, 0, 1, 1], [], []>, transpose_lhs_hint = false} : vector<256x128xf32>, vector<128x128xf32>, vector<256x128xf32> -> vector<256x128xf32>
    %add3A_65 = vector.broadcast %slice3A_61 : vector<256x1xf32> to vector<256x128xf32>
    %add3A_66 = arith.addf %dot_general3A_64, %add3A_65 : vector<256x128xf32>
    %slice3A_67 = vector.extract_strided_slice %add3A_66 {offsets = [0, 127], sizes = [256, 1], strides = [1, 1]} : vector<256x128xf32> to vector<256x1xf32>
    %slice3A_68 = vector.extract_strided_slice %convert_element_type3A_27 {offsets = [0, 768], sizes = [256, 128], strides = [1, 1]} : vector<256x2048xf32> to vector<256x128xf32>
    %dot_general3A_69 = arith.constant dense<0.000000e+00> : vector<256x128xf32>
    %dot_general3A_70 = tpu.matmul %slice3A_68, %convert_element_type3A_31, %dot_general3A_69 {dimension_numbers = #tpu.dot_dimension_numbers<[1], [0], [0], [1], [0, 0, 1, 1], [], []>, transpose_lhs_hint = false} : vector<256x128xf32>, vector<128x128xf32>, vector<256x128xf32> -> vector<256x128xf32>
    %add3A_71 = vector.broadcast %slice3A_67 : vector<256x1xf32> to vector<256x128xf32>
    %add3A_72 = arith.addf %dot_general3A_70, %add3A_71 : vector<256x128xf32>
    %slice3A_73 = vector.extract_strided_slice %add3A_72 {offsets = [0, 127], sizes = [256, 1], strides = [1, 1]} : vector<256x128xf32> to vector<256x1xf32>
    %slice3A_74 = vector.extract_strided_slice %convert_element_type3A_27 {offsets = [0, 896], sizes = [256, 128], strides = [1, 1]} : vector<256x2048xf32> to vector<256x128xf32>
    %dot_general3A_75 = arith.constant dense<0.000000e+00> : vector<256x128xf32>
    %dot_general3A_76 = tpu.matmul %slice3A_74, %convert_element_type3A_31, %dot_general3A_75 {dimension_numbers = #tpu.dot_dimension_numbers<[1], [0], [0], [1], [0, 0, 1, 1], [], []>, transpose_lhs_hint = false} : vector<256x128xf32>, vector<128x128xf32>, vector<256x128xf32> -> vector<256x128xf32>
    %add3A_77 = vector.broadcast %slice3A_73 : vector<256x1xf32> to vector<256x128xf32>
    %add3A_78 = arith.addf %dot_general3A_76, %add3A_77 : vector<256x128xf32>
    %slice3A_79 = vector.extract_strided_slice %add3A_78 {offsets = [0, 127], sizes = [256, 1], strides = [1, 1]} : vector<256x128xf32> to vector<256x1xf32>
    %slice3A_80 = vector.extract_strided_slice %convert_element_type3A_27 {offsets = [0, 1024], sizes = [256, 128], strides = [1, 1]} : vector<256x2048xf32> to vector<256x128xf32>
    %dot_general3A_81 = arith.constant dense<0.000000e+00> : vector<256x128xf32>
    %dot_general3A_82 = tpu.matmul %slice3A_80, %convert_element_type3A_31, %dot_general3A_81 {dimension_numbers = #tpu.dot_dimension_numbers<[1], [0], [0], [1], [0, 0, 1, 1], [], []>, transpose_lhs_hint = false} : vector<256x128xf32>, vector<128x128xf32>, vector<256x128xf32> -> vector<256x128xf32>
    %add3A_83 = vector.broadcast %slice3A_79 : vector<256x1xf32> to vector<256x128xf32>
    %add3A_84 = arith.addf %dot_general3A_82, %add3A_83 : vector<256x128xf32>
    %slice3A_85 = vector.extract_strided_slice %add3A_84 {offsets = [0, 127], sizes = [256, 1], strides = [1, 1]} : vector<256x128xf32> to vector<256x1xf32>
    %slice3A_86 = vector.extract_strided_slice %convert_element_type3A_27 {offsets = [0, 1152], sizes = [256, 128], strides = [1, 1]} : vector<256x2048xf32> to vector<256x128xf32>
    %dot_general3A_87 = arith.constant dense<0.000000e+00> : vector<256x128xf32>
    %dot_general3A_88 = tpu.matmul %slice3A_86, %convert_element_type3A_31, %dot_general3A_87 {dimension_numbers = #tpu.dot_dimension_numbers<[1], [0], [0], [1], [0, 0, 1, 1], [], []>, transpose_lhs_hint = false} : vector<256x128xf32>, vector<128x128xf32>, vector<256x128xf32> -> vector<256x128xf32>
    %add3A_89 = vector.broadcast %slice3A_85 : vector<256x1xf32> to vector<256x128xf32>
    %add3A_90 = arith.addf %dot_general3A_88, %add3A_89 : vector<256x128xf32>
    %slice3A_91 = vector.extract_strided_slice %add3A_90 {offsets = [0, 127], sizes = [256, 1], strides = [1, 1]} : vector<256x128xf32> to vector<256x1xf32>
    %slice3A_92 = vector.extract_strided_slice %convert_element_type3A_27 {offsets = [0, 1280], sizes = [256, 128], strides = [1, 1]} : vector<256x2048xf32> to vector<256x128xf32>
    %dot_general3A_93 = arith.constant dense<0.000000e+00> : vector<256x128xf32>
    %dot_general3A_94 = tpu.matmul %slice3A_92, %convert_element_type3A_31, %dot_general3A_93 {dimension_numbers = #tpu.dot_dimension_numbers<[1], [0], [0], [1], [0, 0, 1, 1], [], []>, transpose_lhs_hint = false} : vector<256x128xf32>, vector<128x128xf32>, vector<256x128xf32> -> vector<256x128xf32>
    %add3A_95 = vector.broadcast %slice3A_91 : vector<256x1xf32> to vector<256x128xf32>
    %add3A_96 = arith.addf %dot_general3A_94, %add3A_95 : vector<256x128xf32>
    %slice3A_97 = vector.extract_strided_slice %add3A_96 {offsets = [0, 127], sizes = [256, 1], strides = [1, 1]} : vector<256x128xf32> to vector<256x1xf32>
    %slice3A_98 = vector.extract_strided_slice %convert_element_type3A_27 {offsets = [0, 1408], sizes = [256, 128], strides = [1, 1]} : vector<256x2048xf32> to vector<256x128xf32>
    %dot_general3A_99 = arith.constant dense<0.000000e+00> : vector<256x128xf32>
    %dot_general3A_100 = tpu.matmul %slice3A_98, %convert_element_type3A_31, %dot_general3A_99 {dimension_numbers = #tpu.dot_dimension_numbers<[1], [0], [0], [1], [0, 0, 1, 1], [], []>, transpose_lhs_hint = false} : vector<256x128xf32>, vector<128x128xf32>, vector<256x128xf32> -> vector<256x128xf32>
    %add3A_101 = vector.broadcast %slice3A_97 : vector<256x1xf32> to vector<256x128xf32>
    %add3A_102 = arith.addf %dot_general3A_100, %add3A_101 : vector<256x128xf32>
    %slice3A_103 = vector.extract_strided_slice %add3A_102 {offsets = [0, 127], sizes = [256, 1], strides = [1, 1]} : vector<256x128xf32> to vector<256x1xf32>
    %slice3A_104 = vector.extract_strided_slice %convert_element_type3A_27 {offsets = [0, 1536], sizes = [256, 128], strides = [1, 1]} : vector<256x2048xf32> to vector<256x128xf32>
    %dot_general3A_105 = arith.constant dense<0.000000e+00> : vector<256x128xf32>
    %dot_general3A_106 = tpu.matmul %slice3A_104, %convert_element_type3A_31, %dot_general3A_105 {dimension_numbers = #tpu.dot_dimension_numbers<[1], [0], [0], [1], [0, 0, 1, 1], [], []>, transpose_lhs_hint = false} : vector<256x128xf32>, vector<128x128xf32>, vector<256x128xf32> -> vector<256x128xf32>
    %add3A_107 = vector.broadcast %slice3A_103 : vector<256x1xf32> to vector<256x128xf32>
    %add3A_108 = arith.addf %dot_general3A_106, %add3A_107 : vector<256x128xf32>
    %slice3A_109 = vector.extract_strided_slice %add3A_108 {offsets = [0, 127], sizes = [256, 1], strides = [1, 1]} : vector<256x128xf32> to vector<256x1xf32>
    %slice3A_110 = vector.extract_strided_slice %convert_element_type3A_27 {offsets = [0, 1664], sizes = [256, 128], strides = [1, 1]} : vector<256x2048xf32> to vector<256x128xf32>
    %dot_general3A_111 = arith.constant dense<0.000000e+00> : vector<256x128xf32>
    %dot_general3A_112 = tpu.matmul %slice3A_110, %convert_element_type3A_31, %dot_general3A_111 {dimension_numbers = #tpu.dot_dimension_numbers<[1], [0], [0], [1], [0, 0, 1, 1], [], []>, transpose_lhs_hint = false} : vector<256x128xf32>, vector<128x128xf32>, vector<256x128xf32> -> vector<256x128xf32>
    %add3A_113 = vector.broadcast %slice3A_109 : vector<256x1xf32> to vector<256x128xf32>
    %add3A_114 = arith.addf %dot_general3A_112, %add3A_113 : vector<256x128xf32>
    %slice3A_115 = vector.extract_strided_slice %add3A_114 {offsets = [0, 127], sizes = [256, 1], strides = [1, 1]} : vector<256x128xf32> to vector<256x1xf32>
    %slice3A_116 = vector.extract_strided_slice %convert_element_type3A_27 {offsets = [0, 1792], sizes = [256, 128], strides = [1, 1]} : vector<256x2048xf32> to vector<256x128xf32>
    %dot_general3A_117 = arith.constant dense<0.000000e+00> : vector<256x128xf32>
    %dot_general3A_118 = tpu.matmul %slice3A_116, %convert_element_type3A_31, %dot_general3A_117 {dimension_numbers = #tpu.dot_dimension_numbers<[1], [0], [0], [1], [0, 0, 1, 1], [], []>, transpose_lhs_hint = false} : vector<256x128xf32>, vector<128x128xf32>, vector<256x128xf32> -> vector<256x128xf32>
    %add3A_119 = vector.broadcast %slice3A_115 : vector<256x1xf32> to vector<256x128xf32>
    %add3A_120 = arith.addf %dot_general3A_118, %add3A_119 : vector<256x128xf32>
    %slice3A_121 = vector.extract_strided_slice %add3A_120 {offsets = [0, 127], sizes = [256, 1], strides = [1, 1]} : vector<256x128xf32> to vector<256x1xf32>
    %slice3A_122 = vector.extract_strided_slice %convert_element_type3A_27 {offsets = [0, 1920], sizes = [256, 128], strides = [1, 1]} : vector<256x2048xf32> to vector<256x128xf32>
    %dot_general3A_123 = arith.constant dense<0.000000e+00> : vector<256x128xf32>
    %dot_general3A_124 = tpu.matmul %slice3A_122, %convert_element_type3A_31, %dot_general3A_123 {dimension_numbers = #tpu.dot_dimension_numbers<[1], [0], [0], [1], [0, 0, 1, 1], [], []>, transpose_lhs_hint = false} : vector<256x128xf32>, vector<128x128xf32>, vector<256x128xf32> -> vector<256x128xf32>
    %add3A_125 = vector.broadcast %slice3A_121 : vector<256x1xf32> to vector<256x128xf32>
    %add3A_126 = arith.addf %dot_general3A_124, %add3A_125 : vector<256x128xf32>
    %concatenate3A = tpu.concatenate %add3A_36, %add3A_42, %add3A_48, %add3A_54, %add3A_60, %add3A_66, %add3A_72, %add3A_78, %add3A_84, %add3A_90, %add3A_96, %add3A_102, %add3A_108, %add3A_114, %add3A_120, %add3A_126 in 1 : vector<256x128xf32>, vector<256x128xf32>, vector<256x128xf32>, vector<256x128xf32>, vector<256x128xf32>, vector<256x128xf32>, vector<256x128xf32>, vector<256x128xf32>, vector<256x128xf32>, vector<256x128xf32>, vector<256x128xf32>, vector<256x128xf32>, vector<256x128xf32>, vector<256x128xf32>, vector<256x128xf32>, vector<256x128xf32> -> vector<256x2048xf32>
    %le3A_127 = arith.constant 0.000000e+00 : f32
    %le3A_128 = vector.broadcast %le3A_127 : f32 to vector<256x2048xf32>
    %le3A_129 = arith.cmpf ole, %concatenate3A, %le3A_128 : vector<256x2048xf32>
    %jit3A = arith.constant 1.000000e+00 : f32
    %jit3A_130 = arith.constant 0.000000e+00 : f32
    %broadcast_in_dim3A_131 = vector.broadcast %jit3A : f32 to vector<256x2048xf32>
    %broadcast_in_dim3A_132 = vector.broadcast %jit3A_130 : f32 to vector<256x2048xf32>
    %select_n3A = arith.select %le3A_129, %broadcast_in_dim3A_131, %broadcast_in_dim3A_132 : vector<256x2048xi1>, vector<256x2048xf32>
    %reduce_sum3A = arith.constant dense<0.000000e+00> : vector<256xf32>
    %reduce_sum3A_133 = vector.multi_reduction <add>, %select_n3A, %reduce_sum3A [1] : vector<256x2048xf32> to vector<256xf32>
    %broadcast_in_dim3A_134 = vector.shape_cast %reduce_sum3A_133 : vector<256xf32> to vector<256x1xf32>
    %le3A_135 = arith.constant 1.000000e+00 : f32
    %le3A_136 = vector.broadcast %le3A_135 : f32 to vector<256x2048xf32>
    %le3A_137 = arith.cmpf ole, %concatenate3A, %le3A_136 : vector<256x2048xf32>
    %jit3A_138 = arith.constant 1.000000e+00 : f32
    %jit3A_139 = arith.constant 0.000000e+00 : f32
    %broadcast_in_dim3A_140 = vector.broadcast %jit3A_138 : f32 to vector<256x2048xf32>
    %broadcast_in_dim3A_141 = vector.broadcast %jit3A_139 : f32 to vector<256x2048xf32>
    %select_n3A_142 = arith.select %le3A_137, %broadcast_in_dim3A_140, %broadcast_in_dim3A_141 : vector<256x2048xi1>, vector<256x2048xf32>
    %reduce_sum3A_143 = arith.constant dense<0.000000e+00> : vector<256xf32>
    %reduce_sum3A_144 = vector.multi_reduction <add>, %select_n3A_142, %reduce_sum3A_143 [1] : vector<256x2048xf32> to vector<256xf32>
    %broadcast_in_dim3A_145 = vector.shape_cast %reduce_sum3A_144 : vector<256xf32> to vector<256x1xf32>
    %le3A_146 = arith.constant 2.000000e+00 : f32
    %le3A_147 = vector.broadcast %le3A_146 : f32 to vector<256x2048xf32>
    %le3A_148 = arith.cmpf ole, %concatenate3A, %le3A_147 : vector<256x2048xf32>
    %jit3A_149 = arith.constant 1.000000e+00 : f32
    %jit3A_150 = arith.constant 0.000000e+00 : f32
    %broadcast_in_dim3A_151 = vector.broadcast %jit3A_149 : f32 to vector<256x2048xf32>
    %broadcast_in_dim3A_152 = vector.broadcast %jit3A_150 : f32 to vector<256x2048xf32>
    %select_n3A_153 = arith.select %le3A_148, %broadcast_in_dim3A_151, %broadcast_in_dim3A_152 : vector<256x2048xi1>, vector<256x2048xf32>
    %reduce_sum3A_154 = arith.constant dense<0.000000e+00> : vector<256xf32>
    %reduce_sum3A_155 = vector.multi_reduction <add>, %select_n3A_153, %reduce_sum3A_154 [1] : vector<256x2048xf32> to vector<256xf32>
    %broadcast_in_dim3A_156 = vector.shape_cast %reduce_sum3A_155 : vector<256xf32> to vector<256x1xf32>
    %le3A_157 = arith.constant 3.000000e+00 : f32
    %le3A_158 = vector.broadcast %le3A_157 : f32 to vector<256x2048xf32>
    %le3A_159 = arith.cmpf ole, %concatenate3A, %le3A_158 : vector<256x2048xf32>
    %jit3A_160 = arith.constant 1.000000e+00 : f32
    %jit3A_161 = arith.constant 0.000000e+00 : f32
    %broadcast_in_dim3A_162 = vector.broadcast %jit3A_160 : f32 to vector<256x2048xf32>
    %broadcast_in_dim3A_163 = vector.broadcast %jit3A_161 : f32 to vector<256x2048xf32>
    %select_n3A_164 = arith.select %le3A_159, %broadcast_in_dim3A_162, %broadcast_in_dim3A_163 : vector<256x2048xi1>, vector<256x2048xf32>
    %reduce_sum3A_165 = arith.constant dense<0.000000e+00> : vector<256xf32>
    %reduce_sum3A_166 = vector.multi_reduction <add>, %select_n3A_164, %reduce_sum3A_165 [1] : vector<256x2048xf32> to vector<256xf32>
    %broadcast_in_dim3A_167 = vector.shape_cast %reduce_sum3A_166 : vector<256xf32> to vector<256x1xf32>
    %le3A_168 = arith.constant 4.000000e+00 : f32
    %le3A_169 = vector.broadcast %le3A_168 : f32 to vector<256x2048xf32>
    %le3A_170 = arith.cmpf ole, %concatenate3A, %le3A_169 : vector<256x2048xf32>
    %jit3A_171 = arith.constant 1.000000e+00 : f32
    %jit3A_172 = arith.constant 0.000000e+00 : f32
    %broadcast_in_dim3A_173 = vector.broadcast %jit3A_171 : f32 to vector<256x2048xf32>
    %broadcast_in_dim3A_174 = vector.broadcast %jit3A_172 : f32 to vector<256x2048xf32>
    %select_n3A_175 = arith.select %le3A_170, %broadcast_in_dim3A_173, %broadcast_in_dim3A_174 : vector<256x2048xi1>, vector<256x2048xf32>
    %reduce_sum3A_176 = arith.constant dense<0.000000e+00> : vector<256xf32>
    %reduce_sum3A_177 = vector.multi_reduction <add>, %select_n3A_175, %reduce_sum3A_176 [1] : vector<256x2048xf32> to vector<256xf32>
    %broadcast_in_dim3A_178 = vector.shape_cast %reduce_sum3A_177 : vector<256xf32> to vector<256x1xf32>
    %le3A_179 = arith.constant 5.000000e+00 : f32
    %le3A_180 = vector.broadcast %le3A_179 : f32 to vector<256x2048xf32>
    %le3A_181 = arith.cmpf ole, %concatenate3A, %le3A_180 : vector<256x2048xf32>
    %jit3A_182 = arith.constant 1.000000e+00 : f32
    %jit3A_183 = arith.constant 0.000000e+00 : f32
    %broadcast_in_dim3A_184 = vector.broadcast %jit3A_182 : f32 to vector<256x2048xf32>
    %broadcast_in_dim3A_185 = vector.broadcast %jit3A_183 : f32 to vector<256x2048xf32>
    %select_n3A_186 = arith.select %le3A_181, %broadcast_in_dim3A_184, %broadcast_in_dim3A_185 : vector<256x2048xi1>, vector<256x2048xf32>
    %reduce_sum3A_187 = arith.constant dense<0.000000e+00> : vector<256xf32>
    %reduce_sum3A_188 = vector.multi_reduction <add>, %select_n3A_186, %reduce_sum3A_187 [1] : vector<256x2048xf32> to vector<256xf32>
    %broadcast_in_dim3A_189 = vector.shape_cast %reduce_sum3A_188 : vector<256xf32> to vector<256x1xf32>
    %le3A_190 = arith.constant 6.000000e+00 : f32
    %le3A_191 = vector.broadcast %le3A_190 : f32 to vector<256x2048xf32>
    %le3A_192 = arith.cmpf ole, %concatenate3A, %le3A_191 : vector<256x2048xf32>
    %jit3A_193 = arith.constant 1.000000e+00 : f32
    %jit3A_194 = arith.constant 0.000000e+00 : f32
    %broadcast_in_dim3A_195 = vector.broadcast %jit3A_193 : f32 to vector<256x2048xf32>
    %broadcast_in_dim3A_196 = vector.broadcast %jit3A_194 : f32 to vector<256x2048xf32>
    %select_n3A_197 = arith.select %le3A_192, %broadcast_in_dim3A_195, %broadcast_in_dim3A_196 : vector<256x2048xi1>, vector<256x2048xf32>
    %reduce_sum3A_198 = arith.constant dense<0.000000e+00> : vector<256xf32>
    %reduce_sum3A_199 = vector.multi_reduction <add>, %select_n3A_197, %reduce_sum3A_198 [1] : vector<256x2048xf32> to vector<256xf32>
    %broadcast_in_dim3A_200 = vector.shape_cast %reduce_sum3A_199 : vector<256xf32> to vector<256x1xf32>
    %le3A_201 = arith.constant 7.000000e+00 : f32
    %le3A_202 = vector.broadcast %le3A_201 : f32 to vector<256x2048xf32>
    %le3A_203 = arith.cmpf ole, %concatenate3A, %le3A_202 : vector<256x2048xf32>
    %jit3A_204 = arith.constant 1.000000e+00 : f32
    %jit3A_205 = arith.constant 0.000000e+00 : f32
    %broadcast_in_dim3A_206 = vector.broadcast %jit3A_204 : f32 to vector<256x2048xf32>
    %broadcast_in_dim3A_207 = vector.broadcast %jit3A_205 : f32 to vector<256x2048xf32>
    %select_n3A_208 = arith.select %le3A_203, %broadcast_in_dim3A_206, %broadcast_in_dim3A_207 : vector<256x2048xi1>, vector<256x2048xf32>
    %reduce_sum3A_209 = arith.constant dense<0.000000e+00> : vector<256xf32>
    %reduce_sum3A_210 = vector.multi_reduction <add>, %select_n3A_208, %reduce_sum3A_209 [1] : vector<256x2048xf32> to vector<256xf32>
    %broadcast_in_dim3A_211 = vector.shape_cast %reduce_sum3A_210 : vector<256xf32> to vector<256x1xf32>
    %le3A_212 = arith.constant 8.000000e+00 : f32
    %le3A_213 = vector.broadcast %le3A_212 : f32 to vector<256x2048xf32>
    %le3A_214 = arith.cmpf ole, %concatenate3A, %le3A_213 : vector<256x2048xf32>
    %jit3A_215 = arith.constant 1.000000e+00 : f32
    %jit3A_216 = arith.constant 0.000000e+00 : f32
    %broadcast_in_dim3A_217 = vector.broadcast %jit3A_215 : f32 to vector<256x2048xf32>
    %broadcast_in_dim3A_218 = vector.broadcast %jit3A_216 : f32 to vector<256x2048xf32>
    %select_n3A_219 = arith.select %le3A_214, %broadcast_in_dim3A_217, %broadcast_in_dim3A_218 : vector<256x2048xi1>, vector<256x2048xf32>
    %reduce_sum3A_220 = arith.constant dense<0.000000e+00> : vector<256xf32>
    %reduce_sum3A_221 = vector.multi_reduction <add>, %select_n3A_219, %reduce_sum3A_220 [1] : vector<256x2048xf32> to vector<256xf32>
    %broadcast_in_dim3A_222 = vector.shape_cast %reduce_sum3A_221 : vector<256xf32> to vector<256x1xf32>
    %le3A_223 = arith.constant 9.000000e+00 : f32
    %le3A_224 = vector.broadcast %le3A_223 : f32 to vector<256x2048xf32>
    %le3A_225 = arith.cmpf ole, %concatenate3A, %le3A_224 : vector<256x2048xf32>
    %jit3A_226 = arith.constant 1.000000e+00 : f32
    %jit3A_227 = arith.constant 0.000000e+00 : f32
    %broadcast_in_dim3A_228 = vector.broadcast %jit3A_226 : f32 to vector<256x2048xf32>
    %broadcast_in_dim3A_229 = vector.broadcast %jit3A_227 : f32 to vector<256x2048xf32>
    %select_n3A_230 = arith.select %le3A_225, %broadcast_in_dim3A_228, %broadcast_in_dim3A_229 : vector<256x2048xi1>, vector<256x2048xf32>
    %reduce_sum3A_231 = arith.constant dense<0.000000e+00> : vector<256xf32>
    %reduce_sum3A_232 = vector.multi_reduction <add>, %select_n3A_230, %reduce_sum3A_231 [1] : vector<256x2048xf32> to vector<256xf32>
    %broadcast_in_dim3A_233 = vector.shape_cast %reduce_sum3A_232 : vector<256xf32> to vector<256x1xf32>
    %le3A_234 = arith.constant 1.000000e+01 : f32
    %le3A_235 = vector.broadcast %le3A_234 : f32 to vector<256x2048xf32>
    %le3A_236 = arith.cmpf ole, %concatenate3A, %le3A_235 : vector<256x2048xf32>
    %jit3A_237 = arith.constant 1.000000e+00 : f32
    %jit3A_238 = arith.constant 0.000000e+00 : f32
    %broadcast_in_dim3A_239 = vector.broadcast %jit3A_237 : f32 to vector<256x2048xf32>
    %broadcast_in_dim3A_240 = vector.broadcast %jit3A_238 : f32 to vector<256x2048xf32>
    %select_n3A_241 = arith.select %le3A_236, %broadcast_in_dim3A_239, %broadcast_in_dim3A_240 : vector<256x2048xi1>, vector<256x2048xf32>
    %reduce_sum3A_242 = arith.constant dense<0.000000e+00> : vector<256xf32>
    %reduce_sum3A_243 = vector.multi_reduction <add>, %select_n3A_241, %reduce_sum3A_242 [1] : vector<256x2048xf32> to vector<256xf32>
    %broadcast_in_dim3A_244 = vector.shape_cast %reduce_sum3A_243 : vector<256xf32> to vector<256x1xf32>
    %le3A_245 = arith.constant 1.100000e+01 : f32
    %le3A_246 = vector.broadcast %le3A_245 : f32 to vector<256x2048xf32>
    %le3A_247 = arith.cmpf ole, %concatenate3A, %le3A_246 : vector<256x2048xf32>
    %jit3A_248 = arith.constant 1.000000e+00 : f32
    %jit3A_249 = arith.constant 0.000000e+00 : f32
    %broadcast_in_dim3A_250 = vector.broadcast %jit3A_248 : f32 to vector<256x2048xf32>
    %broadcast_in_dim3A_251 = vector.broadcast %jit3A_249 : f32 to vector<256x2048xf32>
    %select_n3A_252 = arith.select %le3A_247, %broadcast_in_dim3A_250, %broadcast_in_dim3A_251 : vector<256x2048xi1>, vector<256x2048xf32>
    %reduce_sum3A_253 = arith.constant dense<0.000000e+00> : vector<256xf32>
    %reduce_sum3A_254 = vector.multi_reduction <add>, %select_n3A_252, %reduce_sum3A_253 [1] : vector<256x2048xf32> to vector<256xf32>
    %broadcast_in_dim3A_255 = vector.shape_cast %reduce_sum3A_254 : vector<256xf32> to vector<256x1xf32>
    %le3A_256 = arith.constant 1.200000e+01 : f32
    %le3A_257 = vector.broadcast %le3A_256 : f32 to vector<256x2048xf32>
    %le3A_258 = arith.cmpf ole, %concatenate3A, %le3A_257 : vector<256x2048xf32>
    %jit3A_259 = arith.constant 1.000000e+00 : f32
    %jit3A_260 = arith.constant 0.000000e+00 : f32
    %broadcast_in_dim3A_261 = vector.broadcast %jit3A_259 : f32 to vector<256x2048xf32>
    %broadcast_in_dim3A_262 = vector.broadcast %jit3A_260 : f32 to vector<256x2048xf32>
    %select_n3A_263 = arith.select %le3A_258, %broadcast_in_dim3A_261, %broadcast_in_dim3A_262 : vector<256x2048xi1>, vector<256x2048xf32>
    %reduce_sum3A_264 = arith.constant dense<0.000000e+00> : vector<256xf32>
    %reduce_sum3A_265 = vector.multi_reduction <add>, %select_n3A_263, %reduce_sum3A_264 [1] : vector<256x2048xf32> to vector<256xf32>
    %broadcast_in_dim3A_266 = vector.shape_cast %reduce_sum3A_265 : vector<256xf32> to vector<256x1xf32>
    %le3A_267 = arith.constant 1.300000e+01 : f32
    %le3A_268 = vector.broadcast %le3A_267 : f32 to vector<256x2048xf32>
    %le3A_269 = arith.cmpf ole, %concatenate3A, %le3A_268 : vector<256x2048xf32>
    %jit3A_270 = arith.constant 1.000000e+00 : f32
    %jit3A_271 = arith.constant 0.000000e+00 : f32
    %broadcast_in_dim3A_272 = vector.broadcast %jit3A_270 : f32 to vector<256x2048xf32>
    %broadcast_in_dim3A_273 = vector.broadcast %jit3A_271 : f32 to vector<256x2048xf32>
    %select_n3A_274 = arith.select %le3A_269, %broadcast_in_dim3A_272, %broadcast_in_dim3A_273 : vector<256x2048xi1>, vector<256x2048xf32>
    %reduce_sum3A_275 = arith.constant dense<0.000000e+00> : vector<256xf32>
    %reduce_sum3A_276 = vector.multi_reduction <add>, %select_n3A_274, %reduce_sum3A_275 [1] : vector<256x2048xf32> to vector<256xf32>
    %broadcast_in_dim3A_277 = vector.shape_cast %reduce_sum3A_276 : vector<256xf32> to vector<256x1xf32>
    %le3A_278 = arith.constant 1.400000e+01 : f32
    %le3A_279 = vector.broadcast %le3A_278 : f32 to vector<256x2048xf32>
    %le3A_280 = arith.cmpf ole, %concatenate3A, %le3A_279 : vector<256x2048xf32>
    %jit3A_281 = arith.constant 1.000000e+00 : f32
    %jit3A_282 = arith.constant 0.000000e+00 : f32
    %broadcast_in_dim3A_283 = vector.broadcast %jit3A_281 : f32 to vector<256x2048xf32>
    %broadcast_in_dim3A_284 = vector.broadcast %jit3A_282 : f32 to vector<256x2048xf32>
    %select_n3A_285 = arith.select %le3A_280, %broadcast_in_dim3A_283, %broadcast_in_dim3A_284 : vector<256x2048xi1>, vector<256x2048xf32>
    %reduce_sum3A_286 = arith.constant dense<0.000000e+00> : vector<256xf32>
    %reduce_sum3A_287 = vector.multi_reduction <add>, %select_n3A_285, %reduce_sum3A_286 [1] : vector<256x2048xf32> to vector<256xf32>
    %broadcast_in_dim3A_288 = vector.shape_cast %reduce_sum3A_287 : vector<256xf32> to vector<256x1xf32>
    %le3A_289 = arith.constant 1.500000e+01 : f32
    %le3A_290 = vector.broadcast %le3A_289 : f32 to vector<256x2048xf32>
    %le3A_291 = arith.cmpf ole, %concatenate3A, %le3A_290 : vector<256x2048xf32>
    %jit3A_292 = arith.constant 1.000000e+00 : f32
    %jit3A_293 = arith.constant 0.000000e+00 : f32
    %broadcast_in_dim3A_294 = vector.broadcast %jit3A_292 : f32 to vector<256x2048xf32>
    %broadcast_in_dim3A_295 = vector.broadcast %jit3A_293 : f32 to vector<256x2048xf32>
    %select_n3A_296 = arith.select %le3A_291, %broadcast_in_dim3A_294, %broadcast_in_dim3A_295 : vector<256x2048xi1>, vector<256x2048xf32>
    %reduce_sum3A_297 = arith.constant dense<0.000000e+00> : vector<256xf32>
    %reduce_sum3A_298 = vector.multi_reduction <add>, %select_n3A_296, %reduce_sum3A_297 [1] : vector<256x2048xf32> to vector<256xf32>
    %broadcast_in_dim3A_299 = vector.shape_cast %reduce_sum3A_298 : vector<256xf32> to vector<256x1xf32>
    %le3A_300 = arith.constant 1.600000e+01 : f32
    %le3A_301 = vector.broadcast %le3A_300 : f32 to vector<256x2048xf32>
    %le3A_302 = arith.cmpf ole, %concatenate3A, %le3A_301 : vector<256x2048xf32>
    %jit3A_303 = arith.constant 1.000000e+00 : f32
    %jit3A_304 = arith.constant 0.000000e+00 : f32
    %broadcast_in_dim3A_305 = vector.broadcast %jit3A_303 : f32 to vector<256x2048xf32>
    %broadcast_in_dim3A_306 = vector.broadcast %jit3A_304 : f32 to vector<256x2048xf32>
    %select_n3A_307 = arith.select %le3A_302, %broadcast_in_dim3A_305, %broadcast_in_dim3A_306 : vector<256x2048xi1>, vector<256x2048xf32>
    %reduce_sum3A_308 = arith.constant dense<0.000000e+00> : vector<256xf32>
    %reduce_sum3A_309 = vector.multi_reduction <add>, %select_n3A_307, %reduce_sum3A_308 [1] : vector<256x2048xf32> to vector<256xf32>
    %broadcast_in_dim3A_310 = vector.shape_cast %reduce_sum3A_309 : vector<256xf32> to vector<256x1xf32>
    %le3A_311 = arith.constant 1.700000e+01 : f32
    %le3A_312 = vector.broadcast %le3A_311 : f32 to vector<256x2048xf32>
    %le3A_313 = arith.cmpf ole, %concatenate3A, %le3A_312 : vector<256x2048xf32>
    %jit3A_314 = arith.constant 1.000000e+00 : f32
    %jit3A_315 = arith.constant 0.000000e+00 : f32
    %broadcast_in_dim3A_316 = vector.broadcast %jit3A_314 : f32 to vector<256x2048xf32>
    %broadcast_in_dim3A_317 = vector.broadcast %jit3A_315 : f32 to vector<256x2048xf32>
    %select_n3A_318 = arith.select %le3A_313, %broadcast_in_dim3A_316, %broadcast_in_dim3A_317 : vector<256x2048xi1>, vector<256x2048xf32>
    %reduce_sum3A_319 = arith.constant dense<0.000000e+00> : vector<256xf32>
    %reduce_sum3A_320 = vector.multi_reduction <add>, %select_n3A_318, %reduce_sum3A_319 [1] : vector<256x2048xf32> to vector<256xf32>
    %broadcast_in_dim3A_321 = vector.shape_cast %reduce_sum3A_320 : vector<256xf32> to vector<256x1xf32>
    %le3A_322 = arith.constant 1.800000e+01 : f32
    %le3A_323 = vector.broadcast %le3A_322 : f32 to vector<256x2048xf32>
    %le3A_324 = arith.cmpf ole, %concatenate3A, %le3A_323 : vector<256x2048xf32>
    %jit3A_325 = arith.constant 1.000000e+00 : f32
    %jit3A_326 = arith.constant 0.000000e+00 : f32
    %broadcast_in_dim3A_327 = vector.broadcast %jit3A_325 : f32 to vector<256x2048xf32>
    %broadcast_in_dim3A_328 = vector.broadcast %jit3A_326 : f32 to vector<256x2048xf32>
    %select_n3A_329 = arith.select %le3A_324, %broadcast_in_dim3A_327, %broadcast_in_dim3A_328 : vector<256x2048xi1>, vector<256x2048xf32>
    %reduce_sum3A_330 = arith.constant dense<0.000000e+00> : vector<256xf32>
    %reduce_sum3A_331 = vector.multi_reduction <add>, %select_n3A_329, %reduce_sum3A_330 [1] : vector<256x2048xf32> to vector<256xf32>
    %broadcast_in_dim3A_332 = vector.shape_cast %reduce_sum3A_331 : vector<256xf32> to vector<256x1xf32>
    %le3A_333 = arith.constant 1.900000e+01 : f32
    %le3A_334 = vector.broadcast %le3A_333 : f32 to vector<256x2048xf32>
    %le3A_335 = arith.cmpf ole, %concatenate3A, %le3A_334 : vector<256x2048xf32>
    %jit3A_336 = arith.constant 1.000000e+00 : f32
    %jit3A_337 = arith.constant 0.000000e+00 : f32
    %broadcast_in_dim3A_338 = vector.broadcast %jit3A_336 : f32 to vector<256x2048xf32>
    %broadcast_in_dim3A_339 = vector.broadcast %jit3A_337 : f32 to vector<256x2048xf32>
    %select_n3A_340 = arith.select %le3A_335, %broadcast_in_dim3A_338, %broadcast_in_dim3A_339 : vector<256x2048xi1>, vector<256x2048xf32>
    %reduce_sum3A_341 = arith.constant dense<0.000000e+00> : vector<256xf32>
    %reduce_sum3A_342 = vector.multi_reduction <add>, %select_n3A_340, %reduce_sum3A_341 [1] : vector<256x2048xf32> to vector<256xf32>
    %broadcast_in_dim3A_343 = vector.shape_cast %reduce_sum3A_342 : vector<256xf32> to vector<256x1xf32>
    %le3A_344 = arith.constant 2.000000e+01 : f32
    %le3A_345 = vector.broadcast %le3A_344 : f32 to vector<256x2048xf32>
    %le3A_346 = arith.cmpf ole, %concatenate3A, %le3A_345 : vector<256x2048xf32>
    %jit3A_347 = arith.constant 1.000000e+00 : f32
    %jit3A_348 = arith.constant 0.000000e+00 : f32
    %broadcast_in_dim3A_349 = vector.broadcast %jit3A_347 : f32 to vector<256x2048xf32>
    %broadcast_in_dim3A_350 = vector.broadcast %jit3A_348 : f32 to vector<256x2048xf32>
    %select_n3A_351 = arith.select %le3A_346, %broadcast_in_dim3A_349, %broadcast_in_dim3A_350 : vector<256x2048xi1>, vector<256x2048xf32>
    %reduce_sum3A_352 = arith.constant dense<0.000000e+00> : vector<256xf32>
    %reduce_sum3A_353 = vector.multi_reduction <add>, %select_n3A_351, %reduce_sum3A_352 [1] : vector<256x2048xf32> to vector<256xf32>
    %broadcast_in_dim3A_354 = vector.shape_cast %reduce_sum3A_353 : vector<256xf32> to vector<256x1xf32>
    %le3A_355 = arith.constant 2.100000e+01 : f32
    %le3A_356 = vector.broadcast %le3A_355 : f32 to vector<256x2048xf32>
    %le3A_357 = arith.cmpf ole, %concatenate3A, %le3A_356 : vector<256x2048xf32>
    %jit3A_358 = arith.constant 1.000000e+00 : f32
    %jit3A_359 = arith.constant 0.000000e+00 : f32
    %broadcast_in_dim3A_360 = vector.broadcast %jit3A_358 : f32 to vector<256x2048xf32>
    %broadcast_in_dim3A_361 = vector.broadcast %jit3A_359 : f32 to vector<256x2048xf32>
    %select_n3A_362 = arith.select %le3A_357, %broadcast_in_dim3A_360, %broadcast_in_dim3A_361 : vector<256x2048xi1>, vector<256x2048xf32>
    %reduce_sum3A_363 = arith.constant dense<0.000000e+00> : vector<256xf32>
    %reduce_sum3A_364 = vector.multi_reduction <add>, %select_n3A_362, %reduce_sum3A_363 [1] : vector<256x2048xf32> to vector<256xf32>
    %broadcast_in_dim3A_365 = vector.shape_cast %reduce_sum3A_364 : vector<256xf32> to vector<256x1xf32>
    %le3A_366 = arith.constant 2.200000e+01 : f32
    %le3A_367 = vector.broadcast %le3A_366 : f32 to vector<256x2048xf32>
    %le3A_368 = arith.cmpf ole, %concatenate3A, %le3A_367 : vector<256x2048xf32>
    %jit3A_369 = arith.constant 1.000000e+00 : f32
    %jit3A_370 = arith.constant 0.000000e+00 : f32
    %broadcast_in_dim3A_371 = vector.broadcast %jit3A_369 : f32 to vector<256x2048xf32>
    %broadcast_in_dim3A_372 = vector.broadcast %jit3A_370 : f32 to vector<256x2048xf32>
    %select_n3A_373 = arith.select %le3A_368, %broadcast_in_dim3A_371, %broadcast_in_dim3A_372 : vector<256x2048xi1>, vector<256x2048xf32>
    %reduce_sum3A_374 = arith.constant dense<0.000000e+00> : vector<256xf32>
    %reduce_sum3A_375 = vector.multi_reduction <add>, %select_n3A_373, %reduce_sum3A_374 [1] : vector<256x2048xf32> to vector<256xf32>
    %broadcast_in_dim3A_376 = vector.shape_cast %reduce_sum3A_375 : vector<256xf32> to vector<256x1xf32>
    %le3A_377 = arith.constant 2.300000e+01 : f32
    %le3A_378 = vector.broadcast %le3A_377 : f32 to vector<256x2048xf32>
    %le3A_379 = arith.cmpf ole, %concatenate3A, %le3A_378 : vector<256x2048xf32>
    %jit3A_380 = arith.constant 1.000000e+00 : f32
    %jit3A_381 = arith.constant 0.000000e+00 : f32
    %broadcast_in_dim3A_382 = vector.broadcast %jit3A_380 : f32 to vector<256x2048xf32>
    %broadcast_in_dim3A_383 = vector.broadcast %jit3A_381 : f32 to vector<256x2048xf32>
    %select_n3A_384 = arith.select %le3A_379, %broadcast_in_dim3A_382, %broadcast_in_dim3A_383 : vector<256x2048xi1>, vector<256x2048xf32>
    %reduce_sum3A_385 = arith.constant dense<0.000000e+00> : vector<256xf32>
    %reduce_sum3A_386 = vector.multi_reduction <add>, %select_n3A_384, %reduce_sum3A_385 [1] : vector<256x2048xf32> to vector<256xf32>
    %broadcast_in_dim3A_387 = vector.shape_cast %reduce_sum3A_386 : vector<256xf32> to vector<256x1xf32>
    %le3A_388 = arith.constant 2.400000e+01 : f32
    %le3A_389 = vector.broadcast %le3A_388 : f32 to vector<256x2048xf32>
    %le3A_390 = arith.cmpf ole, %concatenate3A, %le3A_389 : vector<256x2048xf32>
    %jit3A_391 = arith.constant 1.000000e+00 : f32
    %jit3A_392 = arith.constant 0.000000e+00 : f32
    %broadcast_in_dim3A_393 = vector.broadcast %jit3A_391 : f32 to vector<256x2048xf32>
    %broadcast_in_dim3A_394 = vector.broadcast %jit3A_392 : f32 to vector<256x2048xf32>
    %select_n3A_395 = arith.select %le3A_390, %broadcast_in_dim3A_393, %broadcast_in_dim3A_394 : vector<256x2048xi1>, vector<256x2048xf32>
    %reduce_sum3A_396 = arith.constant dense<0.000000e+00> : vector<256xf32>
    %reduce_sum3A_397 = vector.multi_reduction <add>, %select_n3A_395, %reduce_sum3A_396 [1] : vector<256x2048xf32> to vector<256xf32>
    %broadcast_in_dim3A_398 = vector.shape_cast %reduce_sum3A_397 : vector<256xf32> to vector<256x1xf32>
    %le3A_399 = arith.constant 2.500000e+01 : f32
    %le3A_400 = vector.broadcast %le3A_399 : f32 to vector<256x2048xf32>
    %le3A_401 = arith.cmpf ole, %concatenate3A, %le3A_400 : vector<256x2048xf32>
    %jit3A_402 = arith.constant 1.000000e+00 : f32
    %jit3A_403 = arith.constant 0.000000e+00 : f32
    %broadcast_in_dim3A_404 = vector.broadcast %jit3A_402 : f32 to vector<256x2048xf32>
    %broadcast_in_dim3A_405 = vector.broadcast %jit3A_403 : f32 to vector<256x2048xf32>
    %select_n3A_406 = arith.select %le3A_401, %broadcast_in_dim3A_404, %broadcast_in_dim3A_405 : vector<256x2048xi1>, vector<256x2048xf32>
    %reduce_sum3A_407 = arith.constant dense<0.000000e+00> : vector<256xf32>
    %reduce_sum3A_408 = vector.multi_reduction <add>, %select_n3A_406, %reduce_sum3A_407 [1] : vector<256x2048xf32> to vector<256xf32>
    %broadcast_in_dim3A_409 = vector.shape_cast %reduce_sum3A_408 : vector<256xf32> to vector<256x1xf32>
    %le3A_410 = arith.constant 2.600000e+01 : f32
    %le3A_411 = vector.broadcast %le3A_410 : f32 to vector<256x2048xf32>
    %le3A_412 = arith.cmpf ole, %concatenate3A, %le3A_411 : vector<256x2048xf32>
    %jit3A_413 = arith.constant 1.000000e+00 : f32
    %jit3A_414 = arith.constant 0.000000e+00 : f32
    %broadcast_in_dim3A_415 = vector.broadcast %jit3A_413 : f32 to vector<256x2048xf32>
    %broadcast_in_dim3A_416 = vector.broadcast %jit3A_414 : f32 to vector<256x2048xf32>
    %select_n3A_417 = arith.select %le3A_412, %broadcast_in_dim3A_415, %broadcast_in_dim3A_416 : vector<256x2048xi1>, vector<256x2048xf32>
    %reduce_sum3A_418 = arith.constant dense<0.000000e+00> : vector<256xf32>
    %reduce_sum3A_419 = vector.multi_reduction <add>, %select_n3A_417, %reduce_sum3A_418 [1] : vector<256x2048xf32> to vector<256xf32>
    %broadcast_in_dim3A_420 = vector.shape_cast %reduce_sum3A_419 : vector<256xf32> to vector<256x1xf32>
    %le3A_421 = arith.constant 2.700000e+01 : f32
    %le3A_422 = vector.broadcast %le3A_421 : f32 to vector<256x2048xf32>
    %le3A_423 = arith.cmpf ole, %concatenate3A, %le3A_422 : vector<256x2048xf32>
    %jit3A_424 = arith.constant 1.000000e+00 : f32
    %jit3A_425 = arith.constant 0.000000e+00 : f32
    %broadcast_in_dim3A_426 = vector.broadcast %jit3A_424 : f32 to vector<256x2048xf32>
    %broadcast_in_dim3A_427 = vector.broadcast %jit3A_425 : f32 to vector<256x2048xf32>
    %select_n3A_428 = arith.select %le3A_423, %broadcast_in_dim3A_426, %broadcast_in_dim3A_427 : vector<256x2048xi1>, vector<256x2048xf32>
    %reduce_sum3A_429 = arith.constant dense<0.000000e+00> : vector<256xf32>
    %reduce_sum3A_430 = vector.multi_reduction <add>, %select_n3A_428, %reduce_sum3A_429 [1] : vector<256x2048xf32> to vector<256xf32>
    %broadcast_in_dim3A_431 = vector.shape_cast %reduce_sum3A_430 : vector<256xf32> to vector<256x1xf32>
    %le3A_432 = arith.constant 2.800000e+01 : f32
    %le3A_433 = vector.broadcast %le3A_432 : f32 to vector<256x2048xf32>
    %le3A_434 = arith.cmpf ole, %concatenate3A, %le3A_433 : vector<256x2048xf32>
    %jit3A_435 = arith.constant 1.000000e+00 : f32
    %jit3A_436 = arith.constant 0.000000e+00 : f32
    %broadcast_in_dim3A_437 = vector.broadcast %jit3A_435 : f32 to vector<256x2048xf32>
    %broadcast_in_dim3A_438 = vector.broadcast %jit3A_436 : f32 to vector<256x2048xf32>
    %select_n3A_439 = arith.select %le3A_434, %broadcast_in_dim3A_437, %broadcast_in_dim3A_438 : vector<256x2048xi1>, vector<256x2048xf32>
    %reduce_sum3A_440 = arith.constant dense<0.000000e+00> : vector<256xf32>
    %reduce_sum3A_441 = vector.multi_reduction <add>, %select_n3A_439, %reduce_sum3A_440 [1] : vector<256x2048xf32> to vector<256xf32>
    %broadcast_in_dim3A_442 = vector.shape_cast %reduce_sum3A_441 : vector<256xf32> to vector<256x1xf32>
    %le3A_443 = arith.constant 2.900000e+01 : f32
    %le3A_444 = vector.broadcast %le3A_443 : f32 to vector<256x2048xf32>
    %le3A_445 = arith.cmpf ole, %concatenate3A, %le3A_444 : vector<256x2048xf32>
    %jit3A_446 = arith.constant 1.000000e+00 : f32
    %jit3A_447 = arith.constant 0.000000e+00 : f32
    %broadcast_in_dim3A_448 = vector.broadcast %jit3A_446 : f32 to vector<256x2048xf32>
    %broadcast_in_dim3A_449 = vector.broadcast %jit3A_447 : f32 to vector<256x2048xf32>
    %select_n3A_450 = arith.select %le3A_445, %broadcast_in_dim3A_448, %broadcast_in_dim3A_449 : vector<256x2048xi1>, vector<256x2048xf32>
    %reduce_sum3A_451 = arith.constant dense<0.000000e+00> : vector<256xf32>
    %reduce_sum3A_452 = vector.multi_reduction <add>, %select_n3A_450, %reduce_sum3A_451 [1] : vector<256x2048xf32> to vector<256xf32>
    %broadcast_in_dim3A_453 = vector.shape_cast %reduce_sum3A_452 : vector<256xf32> to vector<256x1xf32>
    %le3A_454 = arith.constant 3.000000e+01 : f32
    %le3A_455 = vector.broadcast %le3A_454 : f32 to vector<256x2048xf32>
    %le3A_456 = arith.cmpf ole, %concatenate3A, %le3A_455 : vector<256x2048xf32>
    %jit3A_457 = arith.constant 1.000000e+00 : f32
    %jit3A_458 = arith.constant 0.000000e+00 : f32
    %broadcast_in_dim3A_459 = vector.broadcast %jit3A_457 : f32 to vector<256x2048xf32>
    %broadcast_in_dim3A_460 = vector.broadcast %jit3A_458 : f32 to vector<256x2048xf32>
    %select_n3A_461 = arith.select %le3A_456, %broadcast_in_dim3A_459, %broadcast_in_dim3A_460 : vector<256x2048xi1>, vector<256x2048xf32>
    %reduce_sum3A_462 = arith.constant dense<0.000000e+00> : vector<256xf32>
    %reduce_sum3A_463 = vector.multi_reduction <add>, %select_n3A_461, %reduce_sum3A_462 [1] : vector<256x2048xf32> to vector<256xf32>
    %broadcast_in_dim3A_464 = vector.shape_cast %reduce_sum3A_463 : vector<256xf32> to vector<256x1xf32>
    %le3A_465 = arith.constant 3.100000e+01 : f32
    %le3A_466 = vector.broadcast %le3A_465 : f32 to vector<256x2048xf32>
    %le3A_467 = arith.cmpf ole, %concatenate3A, %le3A_466 : vector<256x2048xf32>
    %jit3A_468 = arith.constant 1.000000e+00 : f32
    %jit3A_469 = arith.constant 0.000000e+00 : f32
    %broadcast_in_dim3A_470 = vector.broadcast %jit3A_468 : f32 to vector<256x2048xf32>
    %broadcast_in_dim3A_471 = vector.broadcast %jit3A_469 : f32 to vector<256x2048xf32>
    %select_n3A_472 = arith.select %le3A_467, %broadcast_in_dim3A_470, %broadcast_in_dim3A_471 : vector<256x2048xi1>, vector<256x2048xf32>
    %reduce_sum3A_473 = arith.constant dense<0.000000e+00> : vector<256xf32>
    %reduce_sum3A_474 = vector.multi_reduction <add>, %select_n3A_472, %reduce_sum3A_473 [1] : vector<256x2048xf32> to vector<256xf32>
    %broadcast_in_dim3A_475 = vector.shape_cast %reduce_sum3A_474 : vector<256xf32> to vector<256x1xf32>
    %concatenate3A_476 = tpu.concatenate %broadcast_in_dim3A_134, %broadcast_in_dim3A_145, %broadcast_in_dim3A_156, %broadcast_in_dim3A_167, %broadcast_in_dim3A_178, %broadcast_in_dim3A_189, %broadcast_in_dim3A_200, %broadcast_in_dim3A_211, %broadcast_in_dim3A_222, %broadcast_in_dim3A_233, %broadcast_in_dim3A_244, %broadcast_in_dim3A_255, %broadcast_in_dim3A_266, %broadcast_in_dim3A_277, %broadcast_in_dim3A_288, %broadcast_in_dim3A_299, %broadcast_in_dim3A_310, %broadcast_in_dim3A_321, %broadcast_in_dim3A_332, %broadcast_in_dim3A_343, %broadcast_in_dim3A_354, %broadcast_in_dim3A_365, %broadcast_in_dim3A_376, %broadcast_in_dim3A_387, %broadcast_in_dim3A_398, %broadcast_in_dim3A_409, %broadcast_in_dim3A_420, %broadcast_in_dim3A_431, %broadcast_in_dim3A_442, %broadcast_in_dim3A_453, %broadcast_in_dim3A_464, %broadcast_in_dim3A_475 in 1 : vector<256x1xf32>, vector<256x1xf32>, vector<256x1xf32>, vector<256x1xf32>, vector<256x1xf32>, vector<256x1xf32>, vector<256x1xf32>, vector<256x1xf32>, vector<256x1xf32>, vector<256x1xf32>, vector<256x1xf32>, vector<256x1xf32>, vector<256x1xf32>, vector<256x1xf32>, vector<256x1xf32>, vector<256x1xf32>, vector<256x1xf32>, vector<256x1xf32>, vector<256x1xf32>, vector<256x1xf32>, vector<256x1xf32>, vector<256x1xf32>, vector<256x1xf32>, vector<256x1xf32>, vector<256x1xf32>, vector<256x1xf32>, vector<256x1xf32>, vector<256x1xf32>, vector<256x1xf32>, vector<256x1xf32>, vector<256x1xf32>, vector<256x1xf32> -> vector<256x32xf32>
    %slice3A_477 = vector.extract_strided_slice %concatenate3A_476 {offsets = [0, 0], sizes = [256, 1], strides = [1, 1]} : vector<256x32xf32> to vector<256x1xf32>
    %ge3A = arith.constant 2.048000e+03 : f32
    %ge3A_478 = vector.broadcast %ge3A : f32 to vector<256x32xf32>
    %ge3A_479 = arith.cmpf oge, %concatenate3A_476, %ge3A_478 : vector<256x32xf32>
    %broadcast_in_dim3A_480 = vector.shape_cast %slice3A_477 : vector<256x1xf32> to vector<256x1xf32>
    %broadcast_in_dim3A_481 = vector.broadcast %broadcast_in_dim3A_480 : vector<256x1xf32> to vector<256x32xf32>
    %select_n3A_482 = arith.select %ge3A_479, %broadcast_in_dim3A_481, %concatenate3A_476 : vector<256x32xi1>, vector<256x32xf32>
    %convert_element_type3A_483 = arith.fptosi %select_n3A_482 : vector<256x32xf32> to vector<256x32xi32>
    %mul3A_484 = arith.constant 2048 : i32
    %mul3A_485 = arith.muli %arg0, %mul3A_484 : i32
    %add3A_486 = vector.broadcast %mul3A_485 : i32 to vector<256x32xi32>
    %add3A_487 = arith.addi %convert_element_type3A_483, %add3A_486 : vector<256x32xi32>
    %swap3A = arith.constant 0 : index
    %swap3A_488 = arith.constant 0 : index
    %swap3A_489 = arith.constant 0 : index
    %swap3A_490 = vector.load %arg6[%swap3A, %swap3A_488, %swap3A_489] : memref<1x256x32xi32, #tpu.memory_space<vmem>>, vector<1x256x32xi32>
    %swap3A_491 = vector.shape_cast %swap3A_490 : vector<1x256x32xi32> to vector<256x32xi32>
    %swap3A_492 = vector.shape_cast %add3A_487 : vector<256x32xi32> to vector<1x256x32xi32>
    tpu.vector_store %arg6[%swap3A, %swap3A_488, %swap3A_489], %swap3A_492 {strides = array<i32>} : memref<1x256x32xi32, #tpu.memory_space<vmem>>, vector<1x256x32xi32>,
    return
  }
  func.func @transform_0(%arg0: i32, %arg1: i32) -> (i32, i32, i32) {
    %c0_i32 = arith.constant 0 : i32
    %c0_i32_0 = arith.constant 0 : i32
    return %arg0, %arg1, %c0_i32 : i32, i32, i32
  }
  func.func @transform_1(%arg0: i32, %arg1: i32) -> (i32, i32, i32) {
    %c0_i32 = arith.constant 0 : i32
    %c0_i32_0 = arith.constant 0 : i32
    %c0_i32_1 = arith.constant 0 : i32
    return %arg0, %c0_i32, %c0_i32_0 : i32, i32, i32
  }
  func.func @transform_2(%arg0: i32, %arg1: i32) -> (i32, i32, i32) {
    %c0_i32 = arith.constant 0 : i32
    %c0_i32_0 = arith.constant 0 : i32
    return %arg0, %arg1, %c0_i32 : i32, i32, i32
  }
  func.func @transform_3(%arg0: i32, %arg1: i32) -> (i32, i32, i32) {
    %c0_i32 = arith.constant 0 : i32
    %c0_i32_0 = arith.constant 0 : i32
    %c0_i32_1 = arith.constant 0 : i32
    return %arg0, %c0_i32, %c0_i32_0 : i32, i32, i32
  }
  func.func @transform_4(%arg0: i32, %arg1: i32) -> (i32, i32, i32) {
    %c0_i32 = arith.constant 0 : i32
    %c0_i32_0 = arith.constant 0 : i32
    return %arg0, %arg1, %c0_i32 : i32, i32, i32
  }
}

module attributes {stable_mosaic.version = 14 : i64} {
  func.func @_pool_kernel(%arg0: i32, %arg1: i32, %arg2: memref<1x256x32x8xf32, #tpu.memory_space<vmem>>, %arg3: memref<1x256x8xf32, #tpu.memory_space<vmem>>, %arg4: memref<6x32xf32, #tpu.memory_space<vmem>>, %arg5: memref<1x32xf32, #tpu.memory_space<vmem>>, %arg6: memref<32x32xf32, #tpu.memory_space<vmem>>, %arg7: memref<1x32xf32, #tpu.memory_space<vmem>>, %arg8: memref<1x256x32xf32, #tpu.memory_space<vmem>>, %arg9: memref<1x256x32xf32, #tpu.memory_space<vmem>>) attributes {dimension_semantics = [#tpu.dimension_semantics<arbitrary>, #tpu.dimension_semantics<arbitrary>], iteration_bounds = array<i64: 8, 8>, scalar_prefetch = 0 : i64, scratch_operands = 0 : i64, tpu.core_type = #tpu.core_type<tc>, window_params = [{transform_indices = @transform_0, window_bounds = array<i64: 1, 256, 32, 8>}, {transform_indices = @transform_1, window_bounds = array<i64: 1, 256, 8>}, {pipeline_mode = #tpu.pipeline_mode<synchronous>, transform_indices = @transform_2, window_bounds = array<i64: 6, 32>}, {pipeline_mode = #tpu.pipeline_mode<synchronous>, transform_indices = @transform_3, window_bounds = array<i64: 1, 32>}, {pipeline_mode = #tpu.pipeline_mode<synchronous>, transform_indices = @transform_4, window_bounds = array<i64: 32, 32>}, {pipeline_mode = #tpu.pipeline_mode<synchronous>, transform_indices = @transform_5, window_bounds = array<i64: 1, 32>}, {transform_indices = @transform_6, window_bounds = array<i64: 1, 256, 32>}, {transform_indices = @transform_7, window_bounds = array<i64: 1, 256, 32>}]} {
    %get3A = arith.constant 0 : index
    %get3A_0 = arith.constant 0 : index
    %get3A_1 = arith.constant 0 : index
    %get3A_2 = arith.constant 0 : index
    %get3A_3 = vector.load %arg2[%get3A, %get3A_0, %get3A_1, %get3A_2] : memref<1x256x32x8xf32, #tpu.memory_space<vmem>>, vector<1x256x32x8xf32>
    %get3A_4 = vector.shape_cast %get3A_3 : vector<1x256x32x8xf32> to vector<256x32x8xf32>
    %get3A_5 = arith.constant 0 : index
    %get3A_6 = arith.constant 0 : index
    %get3A_7 = arith.constant 0 : index
    %get3A_8 = vector.load %arg3[%get3A_5, %get3A_6, %get3A_7] : memref<1x256x8xf32, #tpu.memory_space<vmem>>, vector<1x256x8xf32>
    %get3A_9 = vector.shape_cast %get3A_8 : vector<1x256x8xf32> to vector<256x8xf32>
    %slice3A = vector.extract_strided_slice %get3A_4 {offsets = [0, 0, 0], sizes = [256, 32, 3], strides = [1, 1, 1]} : vector<256x32x8xf32> to vector<256x32x3xf32>
    %slice3A_10 = vector.extract_strided_slice %get3A_9 {offsets = [0, 0], sizes = [256, 3], strides = [1, 1]} : vector<256x8xf32> to vector<256x3xf32>
    %broadcast_in_dim3A = vector.shape_cast %slice3A_10 : vector<256x3xf32> to vector<256x1x3xf32>
    %sub3A = vector.broadcast %broadcast_in_dim3A : vector<256x1x3xf32> to vector<256x32x3xf32>
    %sub3A_11 = arith.subf %slice3A, %sub3A : vector<256x32x3xf32>
    %concatenate3A = tpu.concatenate %sub3A_11, %slice3A in 2 : vector<256x32x3xf32>, vector<256x32x3xf32> -> vector<256x32x6xf32>
    %reshape3A = vector.shape_cast %concatenate3A : vector<256x32x6xf32> to vector<8192x6xf32>
    %get3A_12 = arith.constant 0 : index
    %get3A_13 = arith.constant 0 : index
    %get3A_14 = vector.load %arg4[%get3A_12, %get3A_13] : memref<6x32xf32, #tpu.memory_space<vmem>>, vector<6x32xf32>
    %dot_general3A = arith.constant dense<0.000000e+00> : vector<8192x32xf32>
    %dot_general3A_15 = tpu.matmul %reshape3A, %get3A_14, %dot_general3A {dimension_numbers = #tpu.dot_dimension_numbers<[1], [0], [0], [1], [0, 0, 1, 1], [], []>, transpose_lhs_hint = false} : vector<8192x6xf32>, vector<6x32xf32>, vector<8192x32xf32> -> vector<8192x32xf32>
    %get3A_16 = arith.constant 0 : index
    %get3A_17 = arith.constant 0 : index
    %get3A_18 = vector.load %arg5[%get3A_16, %get3A_17] : memref<1x32xf32, #tpu.memory_space<vmem>>, vector<1x32xf32>
    %add3A = vector.broadcast %get3A_18 : vector<1x32xf32> to vector<8192x32xf32>
    %add3A_19 = arith.addf %dot_general3A_15, %add3A : vector<8192x32xf32>
    %max3A = arith.constant 0.000000e+00 : f32
    %max3A_20 = vector.broadcast %max3A : f32 to vector<8192x32xf32>
    %max3A_21 = arith.maximumf %add3A_19, %max3A_20 : vector<8192x32xf32>
    %get3A_22 = arith.constant 0 : index
    %get3A_23 = arith.constant 0 : index
    %get3A_24 = vector.load %arg6[%get3A_22, %get3A_23] : memref<32x32xf32, #tpu.memory_space<vmem>>, vector<32x32xf32>
    %dot_general3A_25 = arith.constant dense<0.000000e+00> : vector<8192x32xf32>
    %dot_general3A_26 = tpu.matmul %max3A_21, %get3A_24, %dot_general3A_25 {dimension_numbers = #tpu.dot_dimension_numbers<[1], [0], [0], [1], [0, 0, 1, 1], [], []>, transpose_lhs_hint = false} : vector<8192x32xf32>, vector<32x32xf32>, vector<8192x32xf32> -> vector<8192x32xf32>
    %get3A_27 = arith.constant 0 : index
    %get3A_28 = arith.constant 0 : index
    %get3A_29 = vector.load %arg7[%get3A_27, %get3A_28] : memref<1x32xf32, #tpu.memory_space<vmem>>, vector<1x32xf32>
    %add3A_30 = vector.broadcast %get3A_29 : vector<1x32xf32> to vector<8192x32xf32>
    %add3A_31 = arith.addf %dot_general3A_26, %add3A_30 : vector<8192x32xf32>
    %max3A_32 = arith.constant 0.000000e+00 : f32
    %max3A_33 = vector.broadcast %max3A_32 : f32 to vector<8192x32xf32>
    %max3A_34 = arith.maximumf %add3A_31, %max3A_33 : vector<8192x32xf32>
    %reshape3A_35 = vector.shape_cast %max3A_34 : vector<8192x32xf32> to vector<256x32x32xf32>
    %slice3A_36 = vector.extract_strided_slice %reshape3A_35 {offsets = [0, 0, 0], sizes = [256, 1, 32], strides = [1, 1, 1]} : vector<256x32x32xf32> to vector<256x1x32xf32>
    %squeeze3A = vector.shape_cast %slice3A_36 : vector<256x1x32xf32> to vector<256x32xf32>
    %slice3A_37 = vector.extract_strided_slice %reshape3A_35 {offsets = [0, 0, 0], sizes = [256, 1, 32], strides = [1, 1, 1]} : vector<256x32x32xf32> to vector<256x1x32xf32>
    %squeeze3A_38 = vector.shape_cast %slice3A_37 : vector<256x1x32xf32> to vector<256x32xf32>
    %slice3A_39 = vector.extract_strided_slice %reshape3A_35 {offsets = [0, 1, 0], sizes = [256, 1, 32], strides = [1, 1, 1]} : vector<256x32x32xf32> to vector<256x1x32xf32>
    %squeeze3A_40 = vector.shape_cast %slice3A_39 : vector<256x1x32xf32> to vector<256x32xf32>
    %max3A_41 = arith.maximumf %squeeze3A, %squeeze3A_40 : vector<256x32xf32>
    %slice3A_42 = vector.extract_strided_slice %reshape3A_35 {offsets = [0, 1, 0], sizes = [256, 1, 32], strides = [1, 1, 1]} : vector<256x32x32xf32> to vector<256x1x32xf32>
    %squeeze3A_43 = vector.shape_cast %slice3A_42 : vector<256x1x32xf32> to vector<256x32xf32>
    %add3A_44 = arith.addf %squeeze3A_38, %squeeze3A_43 : vector<256x32xf32>
    %slice3A_45 = vector.extract_strided_slice %reshape3A_35 {offsets = [0, 2, 0], sizes = [256, 1, 32], strides = [1, 1, 1]} : vector<256x32x32xf32> to vector<256x1x32xf32>
    %squeeze3A_46 = vector.shape_cast %slice3A_45 : vector<256x1x32xf32> to vector<256x32xf32>
    %max3A_47 = arith.maximumf %max3A_41, %squeeze3A_46 : vector<256x32xf32>
    %slice3A_48 = vector.extract_strided_slice %reshape3A_35 {offsets = [0, 2, 0], sizes = [256, 1, 32], strides = [1, 1, 1]} : vector<256x32x32xf32> to vector<256x1x32xf32>
    %squeeze3A_49 = vector.shape_cast %slice3A_48 : vector<256x1x32xf32> to vector<256x32xf32>
    %add3A_50 = arith.addf %add3A_44, %squeeze3A_49 : vector<256x32xf32>
    %slice3A_51 = vector.extract_strided_slice %reshape3A_35 {offsets = [0, 3, 0], sizes = [256, 1, 32], strides = [1, 1, 1]} : vector<256x32x32xf32> to vector<256x1x32xf32>
    %squeeze3A_52 = vector.shape_cast %slice3A_51 : vector<256x1x32xf32> to vector<256x32xf32>
    %max3A_53 = arith.maximumf %max3A_47, %squeeze3A_52 : vector<256x32xf32>
    %slice3A_54 = vector.extract_strided_slice %reshape3A_35 {offsets = [0, 3, 0], sizes = [256, 1, 32], strides = [1, 1, 1]} : vector<256x32x32xf32> to vector<256x1x32xf32>
    %squeeze3A_55 = vector.shape_cast %slice3A_54 : vector<256x1x32xf32> to vector<256x32xf32>
    %add3A_56 = arith.addf %add3A_50, %squeeze3A_55 : vector<256x32xf32>
    %slice3A_57 = vector.extract_strided_slice %reshape3A_35 {offsets = [0, 4, 0], sizes = [256, 1, 32], strides = [1, 1, 1]} : vector<256x32x32xf32> to vector<256x1x32xf32>
    %squeeze3A_58 = vector.shape_cast %slice3A_57 : vector<256x1x32xf32> to vector<256x32xf32>
    %max3A_59 = arith.maximumf %max3A_53, %squeeze3A_58 : vector<256x32xf32>
    %slice3A_60 = vector.extract_strided_slice %reshape3A_35 {offsets = [0, 4, 0], sizes = [256, 1, 32], strides = [1, 1, 1]} : vector<256x32x32xf32> to vector<256x1x32xf32>
    %squeeze3A_61 = vector.shape_cast %slice3A_60 : vector<256x1x32xf32> to vector<256x32xf32>
    %add3A_62 = arith.addf %add3A_56, %squeeze3A_61 : vector<256x32xf32>
    %slice3A_63 = vector.extract_strided_slice %reshape3A_35 {offsets = [0, 5, 0], sizes = [256, 1, 32], strides = [1, 1, 1]} : vector<256x32x32xf32> to vector<256x1x32xf32>
    %squeeze3A_64 = vector.shape_cast %slice3A_63 : vector<256x1x32xf32> to vector<256x32xf32>
    %max3A_65 = arith.maximumf %max3A_59, %squeeze3A_64 : vector<256x32xf32>
    %slice3A_66 = vector.extract_strided_slice %reshape3A_35 {offsets = [0, 5, 0], sizes = [256, 1, 32], strides = [1, 1, 1]} : vector<256x32x32xf32> to vector<256x1x32xf32>
    %squeeze3A_67 = vector.shape_cast %slice3A_66 : vector<256x1x32xf32> to vector<256x32xf32>
    %add3A_68 = arith.addf %add3A_62, %squeeze3A_67 : vector<256x32xf32>
    %slice3A_69 = vector.extract_strided_slice %reshape3A_35 {offsets = [0, 6, 0], sizes = [256, 1, 32], strides = [1, 1, 1]} : vector<256x32x32xf32> to vector<256x1x32xf32>
    %squeeze3A_70 = vector.shape_cast %slice3A_69 : vector<256x1x32xf32> to vector<256x32xf32>
    %max3A_71 = arith.maximumf %max3A_65, %squeeze3A_70 : vector<256x32xf32>
    %slice3A_72 = vector.extract_strided_slice %reshape3A_35 {offsets = [0, 6, 0], sizes = [256, 1, 32], strides = [1, 1, 1]} : vector<256x32x32xf32> to vector<256x1x32xf32>
    %squeeze3A_73 = vector.shape_cast %slice3A_72 : vector<256x1x32xf32> to vector<256x32xf32>
    %add3A_74 = arith.addf %add3A_68, %squeeze3A_73 : vector<256x32xf32>
    %slice3A_75 = vector.extract_strided_slice %reshape3A_35 {offsets = [0, 7, 0], sizes = [256, 1, 32], strides = [1, 1, 1]} : vector<256x32x32xf32> to vector<256x1x32xf32>
    %squeeze3A_76 = vector.shape_cast %slice3A_75 : vector<256x1x32xf32> to vector<256x32xf32>
    %max3A_77 = arith.maximumf %max3A_71, %squeeze3A_76 : vector<256x32xf32>
    %slice3A_78 = vector.extract_strided_slice %reshape3A_35 {offsets = [0, 7, 0], sizes = [256, 1, 32], strides = [1, 1, 1]} : vector<256x32x32xf32> to vector<256x1x32xf32>
    %squeeze3A_79 = vector.shape_cast %slice3A_78 : vector<256x1x32xf32> to vector<256x32xf32>
    %add3A_80 = arith.addf %add3A_74, %squeeze3A_79 : vector<256x32xf32>
    %slice3A_81 = vector.extract_strided_slice %reshape3A_35 {offsets = [0, 8, 0], sizes = [256, 1, 32], strides = [1, 1, 1]} : vector<256x32x32xf32> to vector<256x1x32xf32>
    %squeeze3A_82 = vector.shape_cast %slice3A_81 : vector<256x1x32xf32> to vector<256x32xf32>
    %max3A_83 = arith.maximumf %max3A_77, %squeeze3A_82 : vector<256x32xf32>
    %slice3A_84 = vector.extract_strided_slice %reshape3A_35 {offsets = [0, 8, 0], sizes = [256, 1, 32], strides = [1, 1, 1]} : vector<256x32x32xf32> to vector<256x1x32xf32>
    %squeeze3A_85 = vector.shape_cast %slice3A_84 : vector<256x1x32xf32> to vector<256x32xf32>
    %add3A_86 = arith.addf %add3A_80, %squeeze3A_85 : vector<256x32xf32>
    %slice3A_87 = vector.extract_strided_slice %reshape3A_35 {offsets = [0, 9, 0], sizes = [256, 1, 32], strides = [1, 1, 1]} : vector<256x32x32xf32> to vector<256x1x32xf32>
    %squeeze3A_88 = vector.shape_cast %slice3A_87 : vector<256x1x32xf32> to vector<256x32xf32>
    %max3A_89 = arith.maximumf %max3A_83, %squeeze3A_88 : vector<256x32xf32>
    %slice3A_90 = vector.extract_strided_slice %reshape3A_35 {offsets = [0, 9, 0], sizes = [256, 1, 32], strides = [1, 1, 1]} : vector<256x32x32xf32> to vector<256x1x32xf32>
    %squeeze3A_91 = vector.shape_cast %slice3A_90 : vector<256x1x32xf32> to vector<256x32xf32>
    %add3A_92 = arith.addf %add3A_86, %squeeze3A_91 : vector<256x32xf32>
    %slice3A_93 = vector.extract_strided_slice %reshape3A_35 {offsets = [0, 10, 0], sizes = [256, 1, 32], strides = [1, 1, 1]} : vector<256x32x32xf32> to vector<256x1x32xf32>
    %squeeze3A_94 = vector.shape_cast %slice3A_93 : vector<256x1x32xf32> to vector<256x32xf32>
    %max3A_95 = arith.maximumf %max3A_89, %squeeze3A_94 : vector<256x32xf32>
    %slice3A_96 = vector.extract_strided_slice %reshape3A_35 {offsets = [0, 10, 0], sizes = [256, 1, 32], strides = [1, 1, 1]} : vector<256x32x32xf32> to vector<256x1x32xf32>
    %squeeze3A_97 = vector.shape_cast %slice3A_96 : vector<256x1x32xf32> to vector<256x32xf32>
    %add3A_98 = arith.addf %add3A_92, %squeeze3A_97 : vector<256x32xf32>
    %slice3A_99 = vector.extract_strided_slice %reshape3A_35 {offsets = [0, 11, 0], sizes = [256, 1, 32], strides = [1, 1, 1]} : vector<256x32x32xf32> to vector<256x1x32xf32>
    %squeeze3A_100 = vector.shape_cast %slice3A_99 : vector<256x1x32xf32> to vector<256x32xf32>
    %max3A_101 = arith.maximumf %max3A_95, %squeeze3A_100 : vector<256x32xf32>
    %slice3A_102 = vector.extract_strided_slice %reshape3A_35 {offsets = [0, 11, 0], sizes = [256, 1, 32], strides = [1, 1, 1]} : vector<256x32x32xf32> to vector<256x1x32xf32>
    %squeeze3A_103 = vector.shape_cast %slice3A_102 : vector<256x1x32xf32> to vector<256x32xf32>
    %add3A_104 = arith.addf %add3A_98, %squeeze3A_103 : vector<256x32xf32>
    %slice3A_105 = vector.extract_strided_slice %reshape3A_35 {offsets = [0, 12, 0], sizes = [256, 1, 32], strides = [1, 1, 1]} : vector<256x32x32xf32> to vector<256x1x32xf32>
    %squeeze3A_106 = vector.shape_cast %slice3A_105 : vector<256x1x32xf32> to vector<256x32xf32>
    %max3A_107 = arith.maximumf %max3A_101, %squeeze3A_106 : vector<256x32xf32>
    %slice3A_108 = vector.extract_strided_slice %reshape3A_35 {offsets = [0, 12, 0], sizes = [256, 1, 32], strides = [1, 1, 1]} : vector<256x32x32xf32> to vector<256x1x32xf32>
    %squeeze3A_109 = vector.shape_cast %slice3A_108 : vector<256x1x32xf32> to vector<256x32xf32>
    %add3A_110 = arith.addf %add3A_104, %squeeze3A_109 : vector<256x32xf32>
    %slice3A_111 = vector.extract_strided_slice %reshape3A_35 {offsets = [0, 13, 0], sizes = [256, 1, 32], strides = [1, 1, 1]} : vector<256x32x32xf32> to vector<256x1x32xf32>
    %squeeze3A_112 = vector.shape_cast %slice3A_111 : vector<256x1x32xf32> to vector<256x32xf32>
    %max3A_113 = arith.maximumf %max3A_107, %squeeze3A_112 : vector<256x32xf32>
    %slice3A_114 = vector.extract_strided_slice %reshape3A_35 {offsets = [0, 13, 0], sizes = [256, 1, 32], strides = [1, 1, 1]} : vector<256x32x32xf32> to vector<256x1x32xf32>
    %squeeze3A_115 = vector.shape_cast %slice3A_114 : vector<256x1x32xf32> to vector<256x32xf32>
    %add3A_116 = arith.addf %add3A_110, %squeeze3A_115 : vector<256x32xf32>
    %slice3A_117 = vector.extract_strided_slice %reshape3A_35 {offsets = [0, 14, 0], sizes = [256, 1, 32], strides = [1, 1, 1]} : vector<256x32x32xf32> to vector<256x1x32xf32>
    %squeeze3A_118 = vector.shape_cast %slice3A_117 : vector<256x1x32xf32> to vector<256x32xf32>
    %max3A_119 = arith.maximumf %max3A_113, %squeeze3A_118 : vector<256x32xf32>
    %slice3A_120 = vector.extract_strided_slice %reshape3A_35 {offsets = [0, 14, 0], sizes = [256, 1, 32], strides = [1, 1, 1]} : vector<256x32x32xf32> to vector<256x1x32xf32>
    %squeeze3A_121 = vector.shape_cast %slice3A_120 : vector<256x1x32xf32> to vector<256x32xf32>
    %add3A_122 = arith.addf %add3A_116, %squeeze3A_121 : vector<256x32xf32>
    %slice3A_123 = vector.extract_strided_slice %reshape3A_35 {offsets = [0, 15, 0], sizes = [256, 1, 32], strides = [1, 1, 1]} : vector<256x32x32xf32> to vector<256x1x32xf32>
    %squeeze3A_124 = vector.shape_cast %slice3A_123 : vector<256x1x32xf32> to vector<256x32xf32>
    %max3A_125 = arith.maximumf %max3A_119, %squeeze3A_124 : vector<256x32xf32>
    %slice3A_126 = vector.extract_strided_slice %reshape3A_35 {offsets = [0, 15, 0], sizes = [256, 1, 32], strides = [1, 1, 1]} : vector<256x32x32xf32> to vector<256x1x32xf32>
    %squeeze3A_127 = vector.shape_cast %slice3A_126 : vector<256x1x32xf32> to vector<256x32xf32>
    %add3A_128 = arith.addf %add3A_122, %squeeze3A_127 : vector<256x32xf32>
    %slice3A_129 = vector.extract_strided_slice %reshape3A_35 {offsets = [0, 16, 0], sizes = [256, 1, 32], strides = [1, 1, 1]} : vector<256x32x32xf32> to vector<256x1x32xf32>
    %squeeze3A_130 = vector.shape_cast %slice3A_129 : vector<256x1x32xf32> to vector<256x32xf32>
    %max3A_131 = arith.maximumf %max3A_125, %squeeze3A_130 : vector<256x32xf32>
    %slice3A_132 = vector.extract_strided_slice %reshape3A_35 {offsets = [0, 16, 0], sizes = [256, 1, 32], strides = [1, 1, 1]} : vector<256x32x32xf32> to vector<256x1x32xf32>
    %squeeze3A_133 = vector.shape_cast %slice3A_132 : vector<256x1x32xf32> to vector<256x32xf32>
    %add3A_134 = arith.addf %add3A_128, %squeeze3A_133 : vector<256x32xf32>
    %slice3A_135 = vector.extract_strided_slice %reshape3A_35 {offsets = [0, 17, 0], sizes = [256, 1, 32], strides = [1, 1, 1]} : vector<256x32x32xf32> to vector<256x1x32xf32>
    %squeeze3A_136 = vector.shape_cast %slice3A_135 : vector<256x1x32xf32> to vector<256x32xf32>
    %max3A_137 = arith.maximumf %max3A_131, %squeeze3A_136 : vector<256x32xf32>
    %slice3A_138 = vector.extract_strided_slice %reshape3A_35 {offsets = [0, 17, 0], sizes = [256, 1, 32], strides = [1, 1, 1]} : vector<256x32x32xf32> to vector<256x1x32xf32>
    %squeeze3A_139 = vector.shape_cast %slice3A_138 : vector<256x1x32xf32> to vector<256x32xf32>
    %add3A_140 = arith.addf %add3A_134, %squeeze3A_139 : vector<256x32xf32>
    %slice3A_141 = vector.extract_strided_slice %reshape3A_35 {offsets = [0, 18, 0], sizes = [256, 1, 32], strides = [1, 1, 1]} : vector<256x32x32xf32> to vector<256x1x32xf32>
    %squeeze3A_142 = vector.shape_cast %slice3A_141 : vector<256x1x32xf32> to vector<256x32xf32>
    %max3A_143 = arith.maximumf %max3A_137, %squeeze3A_142 : vector<256x32xf32>
    %slice3A_144 = vector.extract_strided_slice %reshape3A_35 {offsets = [0, 18, 0], sizes = [256, 1, 32], strides = [1, 1, 1]} : vector<256x32x32xf32> to vector<256x1x32xf32>
    %squeeze3A_145 = vector.shape_cast %slice3A_144 : vector<256x1x32xf32> to vector<256x32xf32>
    %add3A_146 = arith.addf %add3A_140, %squeeze3A_145 : vector<256x32xf32>
    %slice3A_147 = vector.extract_strided_slice %reshape3A_35 {offsets = [0, 19, 0], sizes = [256, 1, 32], strides = [1, 1, 1]} : vector<256x32x32xf32> to vector<256x1x32xf32>
    %squeeze3A_148 = vector.shape_cast %slice3A_147 : vector<256x1x32xf32> to vector<256x32xf32>
    %max3A_149 = arith.maximumf %max3A_143, %squeeze3A_148 : vector<256x32xf32>
    %slice3A_150 = vector.extract_strided_slice %reshape3A_35 {offsets = [0, 19, 0], sizes = [256, 1, 32], strides = [1, 1, 1]} : vector<256x32x32xf32> to vector<256x1x32xf32>
    %squeeze3A_151 = vector.shape_cast %slice3A_150 : vector<256x1x32xf32> to vector<256x32xf32>
    %add3A_152 = arith.addf %add3A_146, %squeeze3A_151 : vector<256x32xf32>
    %slice3A_153 = vector.extract_strided_slice %reshape3A_35 {offsets = [0, 20, 0], sizes = [256, 1, 32], strides = [1, 1, 1]} : vector<256x32x32xf32> to vector<256x1x32xf32>
    %squeeze3A_154 = vector.shape_cast %slice3A_153 : vector<256x1x32xf32> to vector<256x32xf32>
    %max3A_155 = arith.maximumf %max3A_149, %squeeze3A_154 : vector<256x32xf32>
    %slice3A_156 = vector.extract_strided_slice %reshape3A_35 {offsets = [0, 20, 0], sizes = [256, 1, 32], strides = [1, 1, 1]} : vector<256x32x32xf32> to vector<256x1x32xf32>
    %squeeze3A_157 = vector.shape_cast %slice3A_156 : vector<256x1x32xf32> to vector<256x32xf32>
    %add3A_158 = arith.addf %add3A_152, %squeeze3A_157 : vector<256x32xf32>
    %slice3A_159 = vector.extract_strided_slice %reshape3A_35 {offsets = [0, 21, 0], sizes = [256, 1, 32], strides = [1, 1, 1]} : vector<256x32x32xf32> to vector<256x1x32xf32>
    %squeeze3A_160 = vector.shape_cast %slice3A_159 : vector<256x1x32xf32> to vector<256x32xf32>
    %max3A_161 = arith.maximumf %max3A_155, %squeeze3A_160 : vector<256x32xf32>
    %slice3A_162 = vector.extract_strided_slice %reshape3A_35 {offsets = [0, 21, 0], sizes = [256, 1, 32], strides = [1, 1, 1]} : vector<256x32x32xf32> to vector<256x1x32xf32>
    %squeeze3A_163 = vector.shape_cast %slice3A_162 : vector<256x1x32xf32> to vector<256x32xf32>
    %add3A_164 = arith.addf %add3A_158, %squeeze3A_163 : vector<256x32xf32>
    %slice3A_165 = vector.extract_strided_slice %reshape3A_35 {offsets = [0, 22, 0], sizes = [256, 1, 32], strides = [1, 1, 1]} : vector<256x32x32xf32> to vector<256x1x32xf32>
    %squeeze3A_166 = vector.shape_cast %slice3A_165 : vector<256x1x32xf32> to vector<256x32xf32>
    %max3A_167 = arith.maximumf %max3A_161, %squeeze3A_166 : vector<256x32xf32>
    %slice3A_168 = vector.extract_strided_slice %reshape3A_35 {offsets = [0, 22, 0], sizes = [256, 1, 32], strides = [1, 1, 1]} : vector<256x32x32xf32> to vector<256x1x32xf32>
    %squeeze3A_169 = vector.shape_cast %slice3A_168 : vector<256x1x32xf32> to vector<256x32xf32>
    %add3A_170 = arith.addf %add3A_164, %squeeze3A_169 : vector<256x32xf32>
    %slice3A_171 = vector.extract_strided_slice %reshape3A_35 {offsets = [0, 23, 0], sizes = [256, 1, 32], strides = [1, 1, 1]} : vector<256x32x32xf32> to vector<256x1x32xf32>
    %squeeze3A_172 = vector.shape_cast %slice3A_171 : vector<256x1x32xf32> to vector<256x32xf32>
    %max3A_173 = arith.maximumf %max3A_167, %squeeze3A_172 : vector<256x32xf32>
    %slice3A_174 = vector.extract_strided_slice %reshape3A_35 {offsets = [0, 23, 0], sizes = [256, 1, 32], strides = [1, 1, 1]} : vector<256x32x32xf32> to vector<256x1x32xf32>
    %squeeze3A_175 = vector.shape_cast %slice3A_174 : vector<256x1x32xf32> to vector<256x32xf32>
    %add3A_176 = arith.addf %add3A_170, %squeeze3A_175 : vector<256x32xf32>
    %slice3A_177 = vector.extract_strided_slice %reshape3A_35 {offsets = [0, 24, 0], sizes = [256, 1, 32], strides = [1, 1, 1]} : vector<256x32x32xf32> to vector<256x1x32xf32>
    %squeeze3A_178 = vector.shape_cast %slice3A_177 : vector<256x1x32xf32> to vector<256x32xf32>
    %max3A_179 = arith.maximumf %max3A_173, %squeeze3A_178 : vector<256x32xf32>
    %slice3A_180 = vector.extract_strided_slice %reshape3A_35 {offsets = [0, 24, 0], sizes = [256, 1, 32], strides = [1, 1, 1]} : vector<256x32x32xf32> to vector<256x1x32xf32>
    %squeeze3A_181 = vector.shape_cast %slice3A_180 : vector<256x1x32xf32> to vector<256x32xf32>
    %add3A_182 = arith.addf %add3A_176, %squeeze3A_181 : vector<256x32xf32>
    %slice3A_183 = vector.extract_strided_slice %reshape3A_35 {offsets = [0, 25, 0], sizes = [256, 1, 32], strides = [1, 1, 1]} : vector<256x32x32xf32> to vector<256x1x32xf32>
    %squeeze3A_184 = vector.shape_cast %slice3A_183 : vector<256x1x32xf32> to vector<256x32xf32>
    %max3A_185 = arith.maximumf %max3A_179, %squeeze3A_184 : vector<256x32xf32>
    %slice3A_186 = vector.extract_strided_slice %reshape3A_35 {offsets = [0, 25, 0], sizes = [256, 1, 32], strides = [1, 1, 1]} : vector<256x32x32xf32> to vector<256x1x32xf32>
    %squeeze3A_187 = vector.shape_cast %slice3A_186 : vector<256x1x32xf32> to vector<256x32xf32>
    %add3A_188 = arith.addf %add3A_182, %squeeze3A_187 : vector<256x32xf32>
    %slice3A_189 = vector.extract_strided_slice %reshape3A_35 {offsets = [0, 26, 0], sizes = [256, 1, 32], strides = [1, 1, 1]} : vector<256x32x32xf32> to vector<256x1x32xf32>
    %squeeze3A_190 = vector.shape_cast %slice3A_189 : vector<256x1x32xf32> to vector<256x32xf32>
    %max3A_191 = arith.maximumf %max3A_185, %squeeze3A_190 : vector<256x32xf32>
    %slice3A_192 = vector.extract_strided_slice %reshape3A_35 {offsets = [0, 26, 0], sizes = [256, 1, 32], strides = [1, 1, 1]} : vector<256x32x32xf32> to vector<256x1x32xf32>
    %squeeze3A_193 = vector.shape_cast %slice3A_192 : vector<256x1x32xf32> to vector<256x32xf32>
    %add3A_194 = arith.addf %add3A_188, %squeeze3A_193 : vector<256x32xf32>
    %slice3A_195 = vector.extract_strided_slice %reshape3A_35 {offsets = [0, 27, 0], sizes = [256, 1, 32], strides = [1, 1, 1]} : vector<256x32x32xf32> to vector<256x1x32xf32>
    %squeeze3A_196 = vector.shape_cast %slice3A_195 : vector<256x1x32xf32> to vector<256x32xf32>
    %max3A_197 = arith.maximumf %max3A_191, %squeeze3A_196 : vector<256x32xf32>
    %slice3A_198 = vector.extract_strided_slice %reshape3A_35 {offsets = [0, 27, 0], sizes = [256, 1, 32], strides = [1, 1, 1]} : vector<256x32x32xf32> to vector<256x1x32xf32>
    %squeeze3A_199 = vector.shape_cast %slice3A_198 : vector<256x1x32xf32> to vector<256x32xf32>
    %add3A_200 = arith.addf %add3A_194, %squeeze3A_199 : vector<256x32xf32>
    %slice3A_201 = vector.extract_strided_slice %reshape3A_35 {offsets = [0, 28, 0], sizes = [256, 1, 32], strides = [1, 1, 1]} : vector<256x32x32xf32> to vector<256x1x32xf32>
    %squeeze3A_202 = vector.shape_cast %slice3A_201 : vector<256x1x32xf32> to vector<256x32xf32>
    %max3A_203 = arith.maximumf %max3A_197, %squeeze3A_202 : vector<256x32xf32>
    %slice3A_204 = vector.extract_strided_slice %reshape3A_35 {offsets = [0, 28, 0], sizes = [256, 1, 32], strides = [1, 1, 1]} : vector<256x32x32xf32> to vector<256x1x32xf32>
    %squeeze3A_205 = vector.shape_cast %slice3A_204 : vector<256x1x32xf32> to vector<256x32xf32>
    %add3A_206 = arith.addf %add3A_200, %squeeze3A_205 : vector<256x32xf32>
    %slice3A_207 = vector.extract_strided_slice %reshape3A_35 {offsets = [0, 29, 0], sizes = [256, 1, 32], strides = [1, 1, 1]} : vector<256x32x32xf32> to vector<256x1x32xf32>
    %squeeze3A_208 = vector.shape_cast %slice3A_207 : vector<256x1x32xf32> to vector<256x32xf32>
    %max3A_209 = arith.maximumf %max3A_203, %squeeze3A_208 : vector<256x32xf32>
    %slice3A_210 = vector.extract_strided_slice %reshape3A_35 {offsets = [0, 29, 0], sizes = [256, 1, 32], strides = [1, 1, 1]} : vector<256x32x32xf32> to vector<256x1x32xf32>
    %squeeze3A_211 = vector.shape_cast %slice3A_210 : vector<256x1x32xf32> to vector<256x32xf32>
    %add3A_212 = arith.addf %add3A_206, %squeeze3A_211 : vector<256x32xf32>
    %slice3A_213 = vector.extract_strided_slice %reshape3A_35 {offsets = [0, 30, 0], sizes = [256, 1, 32], strides = [1, 1, 1]} : vector<256x32x32xf32> to vector<256x1x32xf32>
    %squeeze3A_214 = vector.shape_cast %slice3A_213 : vector<256x1x32xf32> to vector<256x32xf32>
    %max3A_215 = arith.maximumf %max3A_209, %squeeze3A_214 : vector<256x32xf32>
    %slice3A_216 = vector.extract_strided_slice %reshape3A_35 {offsets = [0, 30, 0], sizes = [256, 1, 32], strides = [1, 1, 1]} : vector<256x32x32xf32> to vector<256x1x32xf32>
    %squeeze3A_217 = vector.shape_cast %slice3A_216 : vector<256x1x32xf32> to vector<256x32xf32>
    %add3A_218 = arith.addf %add3A_212, %squeeze3A_217 : vector<256x32xf32>
    %slice3A_219 = vector.extract_strided_slice %reshape3A_35 {offsets = [0, 31, 0], sizes = [256, 1, 32], strides = [1, 1, 1]} : vector<256x32x32xf32> to vector<256x1x32xf32>
    %squeeze3A_220 = vector.shape_cast %slice3A_219 : vector<256x1x32xf32> to vector<256x32xf32>
    %max3A_221 = arith.maximumf %max3A_215, %squeeze3A_220 : vector<256x32xf32>
    %slice3A_222 = vector.extract_strided_slice %reshape3A_35 {offsets = [0, 31, 0], sizes = [256, 1, 32], strides = [1, 1, 1]} : vector<256x32x32xf32> to vector<256x1x32xf32>
    %squeeze3A_223 = vector.shape_cast %slice3A_222 : vector<256x1x32xf32> to vector<256x32xf32>
    %add3A_224 = arith.addf %add3A_218, %squeeze3A_223 : vector<256x32xf32>
    %swap3A = arith.constant 0 : index
    %swap3A_225 = arith.constant 0 : index
    %swap3A_226 = arith.constant 0 : index
    %swap3A_227 = vector.load %arg8[%swap3A, %swap3A_225, %swap3A_226] : memref<1x256x32xf32, #tpu.memory_space<vmem>>, vector<1x256x32xf32>
    %swap3A_228 = vector.shape_cast %swap3A_227 : vector<1x256x32xf32> to vector<256x32xf32>
    %swap3A_229 = vector.shape_cast %max3A_221 : vector<256x32xf32> to vector<1x256x32xf32>
    tpu.vector_store %arg8[%swap3A, %swap3A_225, %swap3A_226], %swap3A_229 {strides = array<i32>} : memref<1x256x32xf32, #tpu.memory_space<vmem>>, vector<1x256x32xf32>,
    %div3A = arith.constant 3.200000e+01 : f32
    %div3A_230 = vector.broadcast %div3A : f32 to vector<256x32xf32>
    %div3A_231 = arith.divf %add3A_224, %div3A_230 : vector<256x32xf32>
    %swap3A_232 = arith.constant 0 : index
    %swap3A_233 = arith.constant 0 : index
    %swap3A_234 = arith.constant 0 : index
    %swap3A_235 = vector.load %arg9[%swap3A_232, %swap3A_233, %swap3A_234] : memref<1x256x32xf32, #tpu.memory_space<vmem>>, vector<1x256x32xf32>
    %swap3A_236 = vector.shape_cast %swap3A_235 : vector<1x256x32xf32> to vector<256x32xf32>
    %swap3A_237 = vector.shape_cast %div3A_231 : vector<256x32xf32> to vector<1x256x32xf32>
    tpu.vector_store %arg9[%swap3A_232, %swap3A_233, %swap3A_234], %swap3A_237 {strides = array<i32>} : memref<1x256x32xf32, #tpu.memory_space<vmem>>, vector<1x256x32xf32>,
    return
  }
  func.func @transform_0(%arg0: i32, %arg1: i32) -> (i32, i32, i32, i32) {
    %c0_i32 = arith.constant 0 : i32
    %c0_i32_0 = arith.constant 0 : i32
    %c0_i32_1 = arith.constant 0 : i32
    return %arg0, %arg1, %c0_i32, %c0_i32_0 : i32, i32, i32, i32
  }
  func.func @transform_1(%arg0: i32, %arg1: i32) -> (i32, i32, i32) {
    %c0_i32 = arith.constant 0 : i32
    %c0_i32_0 = arith.constant 0 : i32
    return %arg0, %arg1, %c0_i32 : i32, i32, i32
  }
  func.func @transform_2(%arg0: i32, %arg1: i32) -> (i32, i32) {
    %c0_i32 = arith.constant 0 : i32
    %c0_i32_0 = arith.constant 0 : i32
    %c0_i32_1 = arith.constant 0 : i32
    return %c0_i32, %c0_i32_0 : i32, i32
  }
  func.func @transform_3(%arg0: i32, %arg1: i32) -> (i32, i32) {
    %c0_i32 = arith.constant 0 : i32
    %c0_i32_0 = arith.constant 0 : i32
    %c0_i32_1 = arith.constant 0 : i32
    return %c0_i32, %c0_i32_0 : i32, i32
  }
  func.func @transform_4(%arg0: i32, %arg1: i32) -> (i32, i32) {
    %c0_i32 = arith.constant 0 : i32
    %c0_i32_0 = arith.constant 0 : i32
    %c0_i32_1 = arith.constant 0 : i32
    return %c0_i32, %c0_i32_0 : i32, i32
  }
  func.func @transform_5(%arg0: i32, %arg1: i32) -> (i32, i32) {
    %c0_i32 = arith.constant 0 : i32
    %c0_i32_0 = arith.constant 0 : i32
    %c0_i32_1 = arith.constant 0 : i32
    return %c0_i32, %c0_i32_0 : i32, i32
  }
  func.func @transform_6(%arg0: i32, %arg1: i32) -> (i32, i32, i32) {
    %c0_i32 = arith.constant 0 : i32
    %c0_i32_0 = arith.constant 0 : i32
    return %arg0, %arg1, %c0_i32 : i32, i32, i32
  }
  func.func @transform_7(%arg0: i32, %arg1: i32) -> (i32, i32, i32) {
    %c0_i32 = arith.constant 0 : i32
    %c0_i32_0 = arith.constant 0 : i32
    return %arg0, %arg1, %c0_i32 : i32, i32, i32
  }
}

module attributes {stable_mosaic.version = 14 : i64} {
  func.func @_bq_kernel(%arg0: i32, %arg1: i32, %arg2: memref<1x256x8xf32, #tpu.memory_space<vmem>>, %arg3: memref<1x8x2048xf32, #tpu.memory_space<vmem>>, %arg4: memref<1x256x1xf32, #tpu.memory_space<vmem>>, %arg5: memref<1x1x2048xf32, #tpu.memory_space<vmem>>, %arg6: memref<1x256x32xi32, #tpu.memory_space<vmem>>) attributes {dimension_semantics = [#tpu.dimension_semantics<arbitrary>, #tpu.dimension_semantics<arbitrary>], iteration_bounds = array<i64: 8, 2>, scalar_prefetch = 0 : i64, scratch_operands = 0 : i64, tpu.core_type = #tpu.core_type<tc>, window_params = [{transform_indices = @transform_0, window_bounds = array<i64: 1, 256, 8>}, {transform_indices = @transform_1, window_bounds = array<i64: 1, 8, 2048>}, {transform_indices = @transform_2, window_bounds = array<i64: 1, 256, 1>}, {transform_indices = @transform_3, window_bounds = array<i64: 1, 1, 2048>}, {transform_indices = @transform_4, window_bounds = array<i64: 1, 256, 32>}]} {
    %get3A = arith.constant 0 : index
    %get3A_0 = arith.constant 0 : index
    %get3A_1 = arith.constant 0 : index
    %get3A_2 = vector.load %arg2[%get3A, %get3A_0, %get3A_1] : memref<1x256x8xf32, #tpu.memory_space<vmem>>, vector<1x256x8xf32>
    %get3A_3 = vector.shape_cast %get3A_2 : vector<1x256x8xf32> to vector<256x8xf32>
    %get3A_4 = arith.constant 0 : index
    %get3A_5 = arith.constant 0 : index
    %get3A_6 = arith.constant 0 : index
    %get3A_7 = vector.load %arg3[%get3A_4, %get3A_5, %get3A_6] : memref<1x8x2048xf32, #tpu.memory_space<vmem>>, vector<1x8x2048xf32>
    %get3A_8 = vector.shape_cast %get3A_7 : vector<1x8x2048xf32> to vector<8x2048xf32>
    %dot_general3A = arith.constant dense<0.000000e+00> : vector<256x2048xf32>
    %dot_general3A_9 = tpu.matmul %get3A_3, %get3A_8, %dot_general3A {dimension_numbers = #tpu.dot_dimension_numbers<[1], [0], [0], [1], [0, 0, 1, 1], [], []>, transpose_lhs_hint = false} : vector<256x8xf32>, vector<8x2048xf32>, vector<256x2048xf32> -> vector<256x2048xf32>
    %get3A_10 = arith.constant 0 : index
    %get3A_11 = arith.constant 0 : index
    %get3A_12 = arith.constant 0 : index
    %get3A_13 = vector.load %arg4[%get3A_10, %get3A_11, %get3A_12] : memref<1x256x1xf32, #tpu.memory_space<vmem>>, vector<1x256x1xf32>
    %get3A_14 = vector.shape_cast %get3A_13 : vector<1x256x1xf32> to vector<256x1xf32>
    %get3A_15 = arith.constant 0 : index
    %get3A_16 = arith.constant 0 : index
    %get3A_17 = arith.constant 0 : index
    %get3A_18 = vector.load %arg5[%get3A_15, %get3A_16, %get3A_17] : memref<1x1x2048xf32, #tpu.memory_space<vmem>>, vector<1x1x2048xf32>
    %get3A_19 = vector.shape_cast %get3A_18 : vector<1x1x2048xf32> to vector<1x2048xf32>
    %mul3A = arith.constant -2.000000e+00 : f32
    %mul3A_20 = vector.broadcast %mul3A : f32 to vector<256x2048xf32>
    %mul3A_21 = arith.mulf %mul3A_20, %dot_general3A_9 : vector<256x2048xf32>
    %add3A = vector.broadcast %get3A_14 : vector<256x1xf32> to vector<256x2048xf32>
    %add3A_22 = arith.addf %mul3A_21, %add3A : vector<256x2048xf32>
    %add3A_23 = vector.broadcast %get3A_19 : vector<1x2048xf32> to vector<256x2048xf32>
    %add3A_24 = arith.addf %add3A_22, %add3A_23 : vector<256x2048xf32>
    %le3A = arith.constant 4.000000e-02 : f32
    %le3A_25 = vector.broadcast %le3A : f32 to vector<256x2048xf32>
    %le3A_26 = arith.cmpf ole, %add3A_24, %le3A_25 : vector<256x2048xf32>
    %convert_element_type3A = arith.extui %le3A_26 : vector<256x2048xi1> to vector<256x2048xi32>
    %convert_element_type3A_27 = arith.sitofp %convert_element_type3A : vector<256x2048xi32> to vector<256x2048xf32>
    %iota3A = tpu.iota {dimensions = array<i32: 0>} : vector<128x128xi32>
    %iota3A_28 = tpu.iota {dimensions = array<i32: 1>} : vector<128x128xi32>
    %le3A_29 = arith.cmpi sle, %iota3A, %iota3A_28 : vector<128x128xi32>
    %convert_element_type3A_30 = arith.extui %le3A_29 : vector<128x128xi1> to vector<128x128xi32>
    %convert_element_type3A_31 = arith.sitofp %convert_element_type3A_30 : vector<128x128xi32> to vector<128x128xf32>
    %broadcast_in_dim3A = arith.constant 0.000000e+00 : f32
    %broadcast_in_dim3A_32 = vector.broadcast %broadcast_in_dim3A : f32 to vector<256x1xf32>
    %slice3A = vector.extract_strided_slice %convert_element_type3A_27 {offsets = [0, 0], sizes = [256, 128], strides = [1, 1]} : vector<256x2048xf32> to vector<256x128xf32>
    %dot_general3A_33 = arith.constant dense<0.000000e+00> : vector<256x128xf32>
    %dot_general3A_34 = tpu.matmul %slice3A, %convert_element_type3A_31, %dot_general3A_33 {dimension_numbers = #tpu.dot_dimension_numbers<[1], [0], [0], [1], [0, 0, 1, 1], [], []>, transpose_lhs_hint = false} : vector<256x128xf32>, vector<128x128xf32>, vector<256x128xf32> -> vector<256x128xf32>
    %add3A_35 = vector.broadcast %broadcast_in_dim3A_32 : vector<256x1xf32> to vector<256x128xf32>
    %add3A_36 = arith.addf %dot_general3A_34, %add3A_35 : vector<256x128xf32>
    %slice3A_37 = vector.extract_strided_slice %add3A_36 {offsets = [0, 127], sizes = [256, 1], strides = [1, 1]} : vector<256x128xf32> to vector<256x1xf32>
    %slice3A_38 = vector.extract_strided_slice %convert_element_type3A_27 {offsets = [0, 128], sizes = [256, 128], strides = [1, 1]} : vector<256x2048xf32> to vector<256x128xf32>
    %dot_general3A_39 = arith.constant dense<0.000000e+00> : vector<256x128xf32>
    %dot_general3A_40 = tpu.matmul %slice3A_38, %convert_element_type3A_31, %dot_general3A_39 {dimension_numbers = #tpu.dot_dimension_numbers<[1], [0], [0], [1], [0, 0, 1, 1], [], []>, transpose_lhs_hint = false} : vector<256x128xf32>, vector<128x128xf32>, vector<256x128xf32> -> vector<256x128xf32>
    %add3A_41 = vector.broadcast %slice3A_37 : vector<256x1xf32> to vector<256x128xf32>
    %add3A_42 = arith.addf %dot_general3A_40, %add3A_41 : vector<256x128xf32>
    %slice3A_43 = vector.extract_strided_slice %add3A_42 {offsets = [0, 127], sizes = [256, 1], strides = [1, 1]} : vector<256x128xf32> to vector<256x1xf32>
    %slice3A_44 = vector.extract_strided_slice %convert_element_type3A_27 {offsets = [0, 256], sizes = [256, 128], strides = [1, 1]} : vector<256x2048xf32> to vector<256x128xf32>
    %dot_general3A_45 = arith.constant dense<0.000000e+00> : vector<256x128xf32>
    %dot_general3A_46 = tpu.matmul %slice3A_44, %convert_element_type3A_31, %dot_general3A_45 {dimension_numbers = #tpu.dot_dimension_numbers<[1], [0], [0], [1], [0, 0, 1, 1], [], []>, transpose_lhs_hint = false} : vector<256x128xf32>, vector<128x128xf32>, vector<256x128xf32> -> vector<256x128xf32>
    %add3A_47 = vector.broadcast %slice3A_43 : vector<256x1xf32> to vector<256x128xf32>
    %add3A_48 = arith.addf %dot_general3A_46, %add3A_47 : vector<256x128xf32>
    %slice3A_49 = vector.extract_strided_slice %add3A_48 {offsets = [0, 127], sizes = [256, 1], strides = [1, 1]} : vector<256x128xf32> to vector<256x1xf32>
    %slice3A_50 = vector.extract_strided_slice %convert_element_type3A_27 {offsets = [0, 384], sizes = [256, 128], strides = [1, 1]} : vector<256x2048xf32> to vector<256x128xf32>
    %dot_general3A_51 = arith.constant dense<0.000000e+00> : vector<256x128xf32>
    %dot_general3A_52 = tpu.matmul %slice3A_50, %convert_element_type3A_31, %dot_general3A_51 {dimension_numbers = #tpu.dot_dimension_numbers<[1], [0], [0], [1], [0, 0, 1, 1], [], []>, transpose_lhs_hint = false} : vector<256x128xf32>, vector<128x128xf32>, vector<256x128xf32> -> vector<256x128xf32>
    %add3A_53 = vector.broadcast %slice3A_49 : vector<256x1xf32> to vector<256x128xf32>
    %add3A_54 = arith.addf %dot_general3A_52, %add3A_53 : vector<256x128xf32>
    %slice3A_55 = vector.extract_strided_slice %add3A_54 {offsets = [0, 127], sizes = [256, 1], strides = [1, 1]} : vector<256x128xf32> to vector<256x1xf32>
    %slice3A_56 = vector.extract_strided_slice %convert_element_type3A_27 {offsets = [0, 512], sizes = [256, 128], strides = [1, 1]} : vector<256x2048xf32> to vector<256x128xf32>
    %dot_general3A_57 = arith.constant dense<0.000000e+00> : vector<256x128xf32>
    %dot_general3A_58 = tpu.matmul %slice3A_56, %convert_element_type3A_31, %dot_general3A_57 {dimension_numbers = #tpu.dot_dimension_numbers<[1], [0], [0], [1], [0, 0, 1, 1], [], []>, transpose_lhs_hint = false} : vector<256x128xf32>, vector<128x128xf32>, vector<256x128xf32> -> vector<256x128xf32>
    %add3A_59 = vector.broadcast %slice3A_55 : vector<256x1xf32> to vector<256x128xf32>
    %add3A_60 = arith.addf %dot_general3A_58, %add3A_59 : vector<256x128xf32>
    %slice3A_61 = vector.extract_strided_slice %add3A_60 {offsets = [0, 127], sizes = [256, 1], strides = [1, 1]} : vector<256x128xf32> to vector<256x1xf32>
    %slice3A_62 = vector.extract_strided_slice %convert_element_type3A_27 {offsets = [0, 640], sizes = [256, 128], strides = [1, 1]} : vector<256x2048xf32> to vector<256x128xf32>
    %dot_general3A_63 = arith.constant dense<0.000000e+00> : vector<256x128xf32>
    %dot_general3A_64 = tpu.matmul %slice3A_62, %convert_element_type3A_31, %dot_general3A_63 {dimension_numbers = #tpu.dot_dimension_numbers<[1], [0], [0], [1], [0, 0, 1, 1], [], []>, transpose_lhs_hint = false} : vector<256x128xf32>, vector<128x128xf32>, vector<256x128xf32> -> vector<256x128xf32>
    %add3A_65 = vector.broadcast %slice3A_61 : vector<256x1xf32> to vector<256x128xf32>
    %add3A_66 = arith.addf %dot_general3A_64, %add3A_65 : vector<256x128xf32>
    %slice3A_67 = vector.extract_strided_slice %add3A_66 {offsets = [0, 127], sizes = [256, 1], strides = [1, 1]} : vector<256x128xf32> to vector<256x1xf32>
    %slice3A_68 = vector.extract_strided_slice %convert_element_type3A_27 {offsets = [0, 768], sizes = [256, 128], strides = [1, 1]} : vector<256x2048xf32> to vector<256x128xf32>
    %dot_general3A_69 = arith.constant dense<0.000000e+00> : vector<256x128xf32>
    %dot_general3A_70 = tpu.matmul %slice3A_68, %convert_element_type3A_31, %dot_general3A_69 {dimension_numbers = #tpu.dot_dimension_numbers<[1], [0], [0], [1], [0, 0, 1, 1], [], []>, transpose_lhs_hint = false} : vector<256x128xf32>, vector<128x128xf32>, vector<256x128xf32> -> vector<256x128xf32>
    %add3A_71 = vector.broadcast %slice3A_67 : vector<256x1xf32> to vector<256x128xf32>
    %add3A_72 = arith.addf %dot_general3A_70, %add3A_71 : vector<256x128xf32>
    %slice3A_73 = vector.extract_strided_slice %add3A_72 {offsets = [0, 127], sizes = [256, 1], strides = [1, 1]} : vector<256x128xf32> to vector<256x1xf32>
    %slice3A_74 = vector.extract_strided_slice %convert_element_type3A_27 {offsets = [0, 896], sizes = [256, 128], strides = [1, 1]} : vector<256x2048xf32> to vector<256x128xf32>
    %dot_general3A_75 = arith.constant dense<0.000000e+00> : vector<256x128xf32>
    %dot_general3A_76 = tpu.matmul %slice3A_74, %convert_element_type3A_31, %dot_general3A_75 {dimension_numbers = #tpu.dot_dimension_numbers<[1], [0], [0], [1], [0, 0, 1, 1], [], []>, transpose_lhs_hint = false} : vector<256x128xf32>, vector<128x128xf32>, vector<256x128xf32> -> vector<256x128xf32>
    %add3A_77 = vector.broadcast %slice3A_73 : vector<256x1xf32> to vector<256x128xf32>
    %add3A_78 = arith.addf %dot_general3A_76, %add3A_77 : vector<256x128xf32>
    %slice3A_79 = vector.extract_strided_slice %add3A_78 {offsets = [0, 127], sizes = [256, 1], strides = [1, 1]} : vector<256x128xf32> to vector<256x1xf32>
    %slice3A_80 = vector.extract_strided_slice %convert_element_type3A_27 {offsets = [0, 1024], sizes = [256, 128], strides = [1, 1]} : vector<256x2048xf32> to vector<256x128xf32>
    %dot_general3A_81 = arith.constant dense<0.000000e+00> : vector<256x128xf32>
    %dot_general3A_82 = tpu.matmul %slice3A_80, %convert_element_type3A_31, %dot_general3A_81 {dimension_numbers = #tpu.dot_dimension_numbers<[1], [0], [0], [1], [0, 0, 1, 1], [], []>, transpose_lhs_hint = false} : vector<256x128xf32>, vector<128x128xf32>, vector<256x128xf32> -> vector<256x128xf32>
    %add3A_83 = vector.broadcast %slice3A_79 : vector<256x1xf32> to vector<256x128xf32>
    %add3A_84 = arith.addf %dot_general3A_82, %add3A_83 : vector<256x128xf32>
    %slice3A_85 = vector.extract_strided_slice %add3A_84 {offsets = [0, 127], sizes = [256, 1], strides = [1, 1]} : vector<256x128xf32> to vector<256x1xf32>
    %slice3A_86 = vector.extract_strided_slice %convert_element_type3A_27 {offsets = [0, 1152], sizes = [256, 128], strides = [1, 1]} : vector<256x2048xf32> to vector<256x128xf32>
    %dot_general3A_87 = arith.constant dense<0.000000e+00> : vector<256x128xf32>
    %dot_general3A_88 = tpu.matmul %slice3A_86, %convert_element_type3A_31, %dot_general3A_87 {dimension_numbers = #tpu.dot_dimension_numbers<[1], [0], [0], [1], [0, 0, 1, 1], [], []>, transpose_lhs_hint = false} : vector<256x128xf32>, vector<128x128xf32>, vector<256x128xf32> -> vector<256x128xf32>
    %add3A_89 = vector.broadcast %slice3A_85 : vector<256x1xf32> to vector<256x128xf32>
    %add3A_90 = arith.addf %dot_general3A_88, %add3A_89 : vector<256x128xf32>
    %slice3A_91 = vector.extract_strided_slice %add3A_90 {offsets = [0, 127], sizes = [256, 1], strides = [1, 1]} : vector<256x128xf32> to vector<256x1xf32>
    %slice3A_92 = vector.extract_strided_slice %convert_element_type3A_27 {offsets = [0, 1280], sizes = [256, 128], strides = [1, 1]} : vector<256x2048xf32> to vector<256x128xf32>
    %dot_general3A_93 = arith.constant dense<0.000000e+00> : vector<256x128xf32>
    %dot_general3A_94 = tpu.matmul %slice3A_92, %convert_element_type3A_31, %dot_general3A_93 {dimension_numbers = #tpu.dot_dimension_numbers<[1], [0], [0], [1], [0, 0, 1, 1], [], []>, transpose_lhs_hint = false} : vector<256x128xf32>, vector<128x128xf32>, vector<256x128xf32> -> vector<256x128xf32>
    %add3A_95 = vector.broadcast %slice3A_91 : vector<256x1xf32> to vector<256x128xf32>
    %add3A_96 = arith.addf %dot_general3A_94, %add3A_95 : vector<256x128xf32>
    %slice3A_97 = vector.extract_strided_slice %add3A_96 {offsets = [0, 127], sizes = [256, 1], strides = [1, 1]} : vector<256x128xf32> to vector<256x1xf32>
    %slice3A_98 = vector.extract_strided_slice %convert_element_type3A_27 {offsets = [0, 1408], sizes = [256, 128], strides = [1, 1]} : vector<256x2048xf32> to vector<256x128xf32>
    %dot_general3A_99 = arith.constant dense<0.000000e+00> : vector<256x128xf32>
    %dot_general3A_100 = tpu.matmul %slice3A_98, %convert_element_type3A_31, %dot_general3A_99 {dimension_numbers = #tpu.dot_dimension_numbers<[1], [0], [0], [1], [0, 0, 1, 1], [], []>, transpose_lhs_hint = false} : vector<256x128xf32>, vector<128x128xf32>, vector<256x128xf32> -> vector<256x128xf32>
    %add3A_101 = vector.broadcast %slice3A_97 : vector<256x1xf32> to vector<256x128xf32>
    %add3A_102 = arith.addf %dot_general3A_100, %add3A_101 : vector<256x128xf32>
    %slice3A_103 = vector.extract_strided_slice %add3A_102 {offsets = [0, 127], sizes = [256, 1], strides = [1, 1]} : vector<256x128xf32> to vector<256x1xf32>
    %slice3A_104 = vector.extract_strided_slice %convert_element_type3A_27 {offsets = [0, 1536], sizes = [256, 128], strides = [1, 1]} : vector<256x2048xf32> to vector<256x128xf32>
    %dot_general3A_105 = arith.constant dense<0.000000e+00> : vector<256x128xf32>
    %dot_general3A_106 = tpu.matmul %slice3A_104, %convert_element_type3A_31, %dot_general3A_105 {dimension_numbers = #tpu.dot_dimension_numbers<[1], [0], [0], [1], [0, 0, 1, 1], [], []>, transpose_lhs_hint = false} : vector<256x128xf32>, vector<128x128xf32>, vector<256x128xf32> -> vector<256x128xf32>
    %add3A_107 = vector.broadcast %slice3A_103 : vector<256x1xf32> to vector<256x128xf32>
    %add3A_108 = arith.addf %dot_general3A_106, %add3A_107 : vector<256x128xf32>
    %slice3A_109 = vector.extract_strided_slice %add3A_108 {offsets = [0, 127], sizes = [256, 1], strides = [1, 1]} : vector<256x128xf32> to vector<256x1xf32>
    %slice3A_110 = vector.extract_strided_slice %convert_element_type3A_27 {offsets = [0, 1664], sizes = [256, 128], strides = [1, 1]} : vector<256x2048xf32> to vector<256x128xf32>
    %dot_general3A_111 = arith.constant dense<0.000000e+00> : vector<256x128xf32>
    %dot_general3A_112 = tpu.matmul %slice3A_110, %convert_element_type3A_31, %dot_general3A_111 {dimension_numbers = #tpu.dot_dimension_numbers<[1], [0], [0], [1], [0, 0, 1, 1], [], []>, transpose_lhs_hint = false} : vector<256x128xf32>, vector<128x128xf32>, vector<256x128xf32> -> vector<256x128xf32>
    %add3A_113 = vector.broadcast %slice3A_109 : vector<256x1xf32> to vector<256x128xf32>
    %add3A_114 = arith.addf %dot_general3A_112, %add3A_113 : vector<256x128xf32>
    %slice3A_115 = vector.extract_strided_slice %add3A_114 {offsets = [0, 127], sizes = [256, 1], strides = [1, 1]} : vector<256x128xf32> to vector<256x1xf32>
    %slice3A_116 = vector.extract_strided_slice %convert_element_type3A_27 {offsets = [0, 1792], sizes = [256, 128], strides = [1, 1]} : vector<256x2048xf32> to vector<256x128xf32>
    %dot_general3A_117 = arith.constant dense<0.000000e+00> : vector<256x128xf32>
    %dot_general3A_118 = tpu.matmul %slice3A_116, %convert_element_type3A_31, %dot_general3A_117 {dimension_numbers = #tpu.dot_dimension_numbers<[1], [0], [0], [1], [0, 0, 1, 1], [], []>, transpose_lhs_hint = false} : vector<256x128xf32>, vector<128x128xf32>, vector<256x128xf32> -> vector<256x128xf32>
    %add3A_119 = vector.broadcast %slice3A_115 : vector<256x1xf32> to vector<256x128xf32>
    %add3A_120 = arith.addf %dot_general3A_118, %add3A_119 : vector<256x128xf32>
    %slice3A_121 = vector.extract_strided_slice %add3A_120 {offsets = [0, 127], sizes = [256, 1], strides = [1, 1]} : vector<256x128xf32> to vector<256x1xf32>
    %slice3A_122 = vector.extract_strided_slice %convert_element_type3A_27 {offsets = [0, 1920], sizes = [256, 128], strides = [1, 1]} : vector<256x2048xf32> to vector<256x128xf32>
    %dot_general3A_123 = arith.constant dense<0.000000e+00> : vector<256x128xf32>
    %dot_general3A_124 = tpu.matmul %slice3A_122, %convert_element_type3A_31, %dot_general3A_123 {dimension_numbers = #tpu.dot_dimension_numbers<[1], [0], [0], [1], [0, 0, 1, 1], [], []>, transpose_lhs_hint = false} : vector<256x128xf32>, vector<128x128xf32>, vector<256x128xf32> -> vector<256x128xf32>
    %add3A_125 = vector.broadcast %slice3A_121 : vector<256x1xf32> to vector<256x128xf32>
    %add3A_126 = arith.addf %dot_general3A_124, %add3A_125 : vector<256x128xf32>
    %concatenate3A = tpu.concatenate %add3A_36, %add3A_42, %add3A_48, %add3A_54, %add3A_60, %add3A_66, %add3A_72, %add3A_78, %add3A_84, %add3A_90, %add3A_96, %add3A_102, %add3A_108, %add3A_114, %add3A_120, %add3A_126 in 1 : vector<256x128xf32>, vector<256x128xf32>, vector<256x128xf32>, vector<256x128xf32>, vector<256x128xf32>, vector<256x128xf32>, vector<256x128xf32>, vector<256x128xf32>, vector<256x128xf32>, vector<256x128xf32>, vector<256x128xf32>, vector<256x128xf32>, vector<256x128xf32>, vector<256x128xf32>, vector<256x128xf32>, vector<256x128xf32> -> vector<256x2048xf32>
    %le3A_127 = arith.constant 0.000000e+00 : f32
    %le3A_128 = vector.broadcast %le3A_127 : f32 to vector<256x2048xf32>
    %le3A_129 = arith.cmpf ole, %concatenate3A, %le3A_128 : vector<256x2048xf32>
    %jit3A = arith.constant 1.000000e+00 : f32
    %jit3A_130 = arith.constant 0.000000e+00 : f32
    %broadcast_in_dim3A_131 = vector.broadcast %jit3A : f32 to vector<256x2048xf32>
    %broadcast_in_dim3A_132 = vector.broadcast %jit3A_130 : f32 to vector<256x2048xf32>
    %select_n3A = arith.select %le3A_129, %broadcast_in_dim3A_131, %broadcast_in_dim3A_132 : vector<256x2048xi1>, vector<256x2048xf32>
    %reduce_sum3A = arith.constant dense<0.000000e+00> : vector<256xf32>
    %reduce_sum3A_133 = vector.multi_reduction <add>, %select_n3A, %reduce_sum3A [1] : vector<256x2048xf32> to vector<256xf32>
    %broadcast_in_dim3A_134 = vector.shape_cast %reduce_sum3A_133 : vector<256xf32> to vector<256x1xf32>
    %le3A_135 = arith.constant 1.000000e+00 : f32
    %le3A_136 = vector.broadcast %le3A_135 : f32 to vector<256x2048xf32>
    %le3A_137 = arith.cmpf ole, %concatenate3A, %le3A_136 : vector<256x2048xf32>
    %jit3A_138 = arith.constant 1.000000e+00 : f32
    %jit3A_139 = arith.constant 0.000000e+00 : f32
    %broadcast_in_dim3A_140 = vector.broadcast %jit3A_138 : f32 to vector<256x2048xf32>
    %broadcast_in_dim3A_141 = vector.broadcast %jit3A_139 : f32 to vector<256x2048xf32>
    %select_n3A_142 = arith.select %le3A_137, %broadcast_in_dim3A_140, %broadcast_in_dim3A_141 : vector<256x2048xi1>, vector<256x2048xf32>
    %reduce_sum3A_143 = arith.constant dense<0.000000e+00> : vector<256xf32>
    %reduce_sum3A_144 = vector.multi_reduction <add>, %select_n3A_142, %reduce_sum3A_143 [1] : vector<256x2048xf32> to vector<256xf32>
    %broadcast_in_dim3A_145 = vector.shape_cast %reduce_sum3A_144 : vector<256xf32> to vector<256x1xf32>
    %le3A_146 = arith.constant 2.000000e+00 : f32
    %le3A_147 = vector.broadcast %le3A_146 : f32 to vector<256x2048xf32>
    %le3A_148 = arith.cmpf ole, %concatenate3A, %le3A_147 : vector<256x2048xf32>
    %jit3A_149 = arith.constant 1.000000e+00 : f32
    %jit3A_150 = arith.constant 0.000000e+00 : f32
    %broadcast_in_dim3A_151 = vector.broadcast %jit3A_149 : f32 to vector<256x2048xf32>
    %broadcast_in_dim3A_152 = vector.broadcast %jit3A_150 : f32 to vector<256x2048xf32>
    %select_n3A_153 = arith.select %le3A_148, %broadcast_in_dim3A_151, %broadcast_in_dim3A_152 : vector<256x2048xi1>, vector<256x2048xf32>
    %reduce_sum3A_154 = arith.constant dense<0.000000e+00> : vector<256xf32>
    %reduce_sum3A_155 = vector.multi_reduction <add>, %select_n3A_153, %reduce_sum3A_154 [1] : vector<256x2048xf32> to vector<256xf32>
    %broadcast_in_dim3A_156 = vector.shape_cast %reduce_sum3A_155 : vector<256xf32> to vector<256x1xf32>
    %le3A_157 = arith.constant 3.000000e+00 : f32
    %le3A_158 = vector.broadcast %le3A_157 : f32 to vector<256x2048xf32>
    %le3A_159 = arith.cmpf ole, %concatenate3A, %le3A_158 : vector<256x2048xf32>
    %jit3A_160 = arith.constant 1.000000e+00 : f32
    %jit3A_161 = arith.constant 0.000000e+00 : f32
    %broadcast_in_dim3A_162 = vector.broadcast %jit3A_160 : f32 to vector<256x2048xf32>
    %broadcast_in_dim3A_163 = vector.broadcast %jit3A_161 : f32 to vector<256x2048xf32>
    %select_n3A_164 = arith.select %le3A_159, %broadcast_in_dim3A_162, %broadcast_in_dim3A_163 : vector<256x2048xi1>, vector<256x2048xf32>
    %reduce_sum3A_165 = arith.constant dense<0.000000e+00> : vector<256xf32>
    %reduce_sum3A_166 = vector.multi_reduction <add>, %select_n3A_164, %reduce_sum3A_165 [1] : vector<256x2048xf32> to vector<256xf32>
    %broadcast_in_dim3A_167 = vector.shape_cast %reduce_sum3A_166 : vector<256xf32> to vector<256x1xf32>
    %le3A_168 = arith.constant 4.000000e+00 : f32
    %le3A_169 = vector.broadcast %le3A_168 : f32 to vector<256x2048xf32>
    %le3A_170 = arith.cmpf ole, %concatenate3A, %le3A_169 : vector<256x2048xf32>
    %jit3A_171 = arith.constant 1.000000e+00 : f32
    %jit3A_172 = arith.constant 0.000000e+00 : f32
    %broadcast_in_dim3A_173 = vector.broadcast %jit3A_171 : f32 to vector<256x2048xf32>
    %broadcast_in_dim3A_174 = vector.broadcast %jit3A_172 : f32 to vector<256x2048xf32>
    %select_n3A_175 = arith.select %le3A_170, %broadcast_in_dim3A_173, %broadcast_in_dim3A_174 : vector<256x2048xi1>, vector<256x2048xf32>
    %reduce_sum3A_176 = arith.constant dense<0.000000e+00> : vector<256xf32>
    %reduce_sum3A_177 = vector.multi_reduction <add>, %select_n3A_175, %reduce_sum3A_176 [1] : vector<256x2048xf32> to vector<256xf32>
    %broadcast_in_dim3A_178 = vector.shape_cast %reduce_sum3A_177 : vector<256xf32> to vector<256x1xf32>
    %le3A_179 = arith.constant 5.000000e+00 : f32
    %le3A_180 = vector.broadcast %le3A_179 : f32 to vector<256x2048xf32>
    %le3A_181 = arith.cmpf ole, %concatenate3A, %le3A_180 : vector<256x2048xf32>
    %jit3A_182 = arith.constant 1.000000e+00 : f32
    %jit3A_183 = arith.constant 0.000000e+00 : f32
    %broadcast_in_dim3A_184 = vector.broadcast %jit3A_182 : f32 to vector<256x2048xf32>
    %broadcast_in_dim3A_185 = vector.broadcast %jit3A_183 : f32 to vector<256x2048xf32>
    %select_n3A_186 = arith.select %le3A_181, %broadcast_in_dim3A_184, %broadcast_in_dim3A_185 : vector<256x2048xi1>, vector<256x2048xf32>
    %reduce_sum3A_187 = arith.constant dense<0.000000e+00> : vector<256xf32>
    %reduce_sum3A_188 = vector.multi_reduction <add>, %select_n3A_186, %reduce_sum3A_187 [1] : vector<256x2048xf32> to vector<256xf32>
    %broadcast_in_dim3A_189 = vector.shape_cast %reduce_sum3A_188 : vector<256xf32> to vector<256x1xf32>
    %le3A_190 = arith.constant 6.000000e+00 : f32
    %le3A_191 = vector.broadcast %le3A_190 : f32 to vector<256x2048xf32>
    %le3A_192 = arith.cmpf ole, %concatenate3A, %le3A_191 : vector<256x2048xf32>
    %jit3A_193 = arith.constant 1.000000e+00 : f32
    %jit3A_194 = arith.constant 0.000000e+00 : f32
    %broadcast_in_dim3A_195 = vector.broadcast %jit3A_193 : f32 to vector<256x2048xf32>
    %broadcast_in_dim3A_196 = vector.broadcast %jit3A_194 : f32 to vector<256x2048xf32>
    %select_n3A_197 = arith.select %le3A_192, %broadcast_in_dim3A_195, %broadcast_in_dim3A_196 : vector<256x2048xi1>, vector<256x2048xf32>
    %reduce_sum3A_198 = arith.constant dense<0.000000e+00> : vector<256xf32>
    %reduce_sum3A_199 = vector.multi_reduction <add>, %select_n3A_197, %reduce_sum3A_198 [1] : vector<256x2048xf32> to vector<256xf32>
    %broadcast_in_dim3A_200 = vector.shape_cast %reduce_sum3A_199 : vector<256xf32> to vector<256x1xf32>
    %le3A_201 = arith.constant 7.000000e+00 : f32
    %le3A_202 = vector.broadcast %le3A_201 : f32 to vector<256x2048xf32>
    %le3A_203 = arith.cmpf ole, %concatenate3A, %le3A_202 : vector<256x2048xf32>
    %jit3A_204 = arith.constant 1.000000e+00 : f32
    %jit3A_205 = arith.constant 0.000000e+00 : f32
    %broadcast_in_dim3A_206 = vector.broadcast %jit3A_204 : f32 to vector<256x2048xf32>
    %broadcast_in_dim3A_207 = vector.broadcast %jit3A_205 : f32 to vector<256x2048xf32>
    %select_n3A_208 = arith.select %le3A_203, %broadcast_in_dim3A_206, %broadcast_in_dim3A_207 : vector<256x2048xi1>, vector<256x2048xf32>
    %reduce_sum3A_209 = arith.constant dense<0.000000e+00> : vector<256xf32>
    %reduce_sum3A_210 = vector.multi_reduction <add>, %select_n3A_208, %reduce_sum3A_209 [1] : vector<256x2048xf32> to vector<256xf32>
    %broadcast_in_dim3A_211 = vector.shape_cast %reduce_sum3A_210 : vector<256xf32> to vector<256x1xf32>
    %le3A_212 = arith.constant 8.000000e+00 : f32
    %le3A_213 = vector.broadcast %le3A_212 : f32 to vector<256x2048xf32>
    %le3A_214 = arith.cmpf ole, %concatenate3A, %le3A_213 : vector<256x2048xf32>
    %jit3A_215 = arith.constant 1.000000e+00 : f32
    %jit3A_216 = arith.constant 0.000000e+00 : f32
    %broadcast_in_dim3A_217 = vector.broadcast %jit3A_215 : f32 to vector<256x2048xf32>
    %broadcast_in_dim3A_218 = vector.broadcast %jit3A_216 : f32 to vector<256x2048xf32>
    %select_n3A_219 = arith.select %le3A_214, %broadcast_in_dim3A_217, %broadcast_in_dim3A_218 : vector<256x2048xi1>, vector<256x2048xf32>
    %reduce_sum3A_220 = arith.constant dense<0.000000e+00> : vector<256xf32>
    %reduce_sum3A_221 = vector.multi_reduction <add>, %select_n3A_219, %reduce_sum3A_220 [1] : vector<256x2048xf32> to vector<256xf32>
    %broadcast_in_dim3A_222 = vector.shape_cast %reduce_sum3A_221 : vector<256xf32> to vector<256x1xf32>
    %le3A_223 = arith.constant 9.000000e+00 : f32
    %le3A_224 = vector.broadcast %le3A_223 : f32 to vector<256x2048xf32>
    %le3A_225 = arith.cmpf ole, %concatenate3A, %le3A_224 : vector<256x2048xf32>
    %jit3A_226 = arith.constant 1.000000e+00 : f32
    %jit3A_227 = arith.constant 0.000000e+00 : f32
    %broadcast_in_dim3A_228 = vector.broadcast %jit3A_226 : f32 to vector<256x2048xf32>
    %broadcast_in_dim3A_229 = vector.broadcast %jit3A_227 : f32 to vector<256x2048xf32>
    %select_n3A_230 = arith.select %le3A_225, %broadcast_in_dim3A_228, %broadcast_in_dim3A_229 : vector<256x2048xi1>, vector<256x2048xf32>
    %reduce_sum3A_231 = arith.constant dense<0.000000e+00> : vector<256xf32>
    %reduce_sum3A_232 = vector.multi_reduction <add>, %select_n3A_230, %reduce_sum3A_231 [1] : vector<256x2048xf32> to vector<256xf32>
    %broadcast_in_dim3A_233 = vector.shape_cast %reduce_sum3A_232 : vector<256xf32> to vector<256x1xf32>
    %le3A_234 = arith.constant 1.000000e+01 : f32
    %le3A_235 = vector.broadcast %le3A_234 : f32 to vector<256x2048xf32>
    %le3A_236 = arith.cmpf ole, %concatenate3A, %le3A_235 : vector<256x2048xf32>
    %jit3A_237 = arith.constant 1.000000e+00 : f32
    %jit3A_238 = arith.constant 0.000000e+00 : f32
    %broadcast_in_dim3A_239 = vector.broadcast %jit3A_237 : f32 to vector<256x2048xf32>
    %broadcast_in_dim3A_240 = vector.broadcast %jit3A_238 : f32 to vector<256x2048xf32>
    %select_n3A_241 = arith.select %le3A_236, %broadcast_in_dim3A_239, %broadcast_in_dim3A_240 : vector<256x2048xi1>, vector<256x2048xf32>
    %reduce_sum3A_242 = arith.constant dense<0.000000e+00> : vector<256xf32>
    %reduce_sum3A_243 = vector.multi_reduction <add>, %select_n3A_241, %reduce_sum3A_242 [1] : vector<256x2048xf32> to vector<256xf32>
    %broadcast_in_dim3A_244 = vector.shape_cast %reduce_sum3A_243 : vector<256xf32> to vector<256x1xf32>
    %le3A_245 = arith.constant 1.100000e+01 : f32
    %le3A_246 = vector.broadcast %le3A_245 : f32 to vector<256x2048xf32>
    %le3A_247 = arith.cmpf ole, %concatenate3A, %le3A_246 : vector<256x2048xf32>
    %jit3A_248 = arith.constant 1.000000e+00 : f32
    %jit3A_249 = arith.constant 0.000000e+00 : f32
    %broadcast_in_dim3A_250 = vector.broadcast %jit3A_248 : f32 to vector<256x2048xf32>
    %broadcast_in_dim3A_251 = vector.broadcast %jit3A_249 : f32 to vector<256x2048xf32>
    %select_n3A_252 = arith.select %le3A_247, %broadcast_in_dim3A_250, %broadcast_in_dim3A_251 : vector<256x2048xi1>, vector<256x2048xf32>
    %reduce_sum3A_253 = arith.constant dense<0.000000e+00> : vector<256xf32>
    %reduce_sum3A_254 = vector.multi_reduction <add>, %select_n3A_252, %reduce_sum3A_253 [1] : vector<256x2048xf32> to vector<256xf32>
    %broadcast_in_dim3A_255 = vector.shape_cast %reduce_sum3A_254 : vector<256xf32> to vector<256x1xf32>
    %le3A_256 = arith.constant 1.200000e+01 : f32
    %le3A_257 = vector.broadcast %le3A_256 : f32 to vector<256x2048xf32>
    %le3A_258 = arith.cmpf ole, %concatenate3A, %le3A_257 : vector<256x2048xf32>
    %jit3A_259 = arith.constant 1.000000e+00 : f32
    %jit3A_260 = arith.constant 0.000000e+00 : f32
    %broadcast_in_dim3A_261 = vector.broadcast %jit3A_259 : f32 to vector<256x2048xf32>
    %broadcast_in_dim3A_262 = vector.broadcast %jit3A_260 : f32 to vector<256x2048xf32>
    %select_n3A_263 = arith.select %le3A_258, %broadcast_in_dim3A_261, %broadcast_in_dim3A_262 : vector<256x2048xi1>, vector<256x2048xf32>
    %reduce_sum3A_264 = arith.constant dense<0.000000e+00> : vector<256xf32>
    %reduce_sum3A_265 = vector.multi_reduction <add>, %select_n3A_263, %reduce_sum3A_264 [1] : vector<256x2048xf32> to vector<256xf32>
    %broadcast_in_dim3A_266 = vector.shape_cast %reduce_sum3A_265 : vector<256xf32> to vector<256x1xf32>
    %le3A_267 = arith.constant 1.300000e+01 : f32
    %le3A_268 = vector.broadcast %le3A_267 : f32 to vector<256x2048xf32>
    %le3A_269 = arith.cmpf ole, %concatenate3A, %le3A_268 : vector<256x2048xf32>
    %jit3A_270 = arith.constant 1.000000e+00 : f32
    %jit3A_271 = arith.constant 0.000000e+00 : f32
    %broadcast_in_dim3A_272 = vector.broadcast %jit3A_270 : f32 to vector<256x2048xf32>
    %broadcast_in_dim3A_273 = vector.broadcast %jit3A_271 : f32 to vector<256x2048xf32>
    %select_n3A_274 = arith.select %le3A_269, %broadcast_in_dim3A_272, %broadcast_in_dim3A_273 : vector<256x2048xi1>, vector<256x2048xf32>
    %reduce_sum3A_275 = arith.constant dense<0.000000e+00> : vector<256xf32>
    %reduce_sum3A_276 = vector.multi_reduction <add>, %select_n3A_274, %reduce_sum3A_275 [1] : vector<256x2048xf32> to vector<256xf32>
    %broadcast_in_dim3A_277 = vector.shape_cast %reduce_sum3A_276 : vector<256xf32> to vector<256x1xf32>
    %le3A_278 = arith.constant 1.400000e+01 : f32
    %le3A_279 = vector.broadcast %le3A_278 : f32 to vector<256x2048xf32>
    %le3A_280 = arith.cmpf ole, %concatenate3A, %le3A_279 : vector<256x2048xf32>
    %jit3A_281 = arith.constant 1.000000e+00 : f32
    %jit3A_282 = arith.constant 0.000000e+00 : f32
    %broadcast_in_dim3A_283 = vector.broadcast %jit3A_281 : f32 to vector<256x2048xf32>
    %broadcast_in_dim3A_284 = vector.broadcast %jit3A_282 : f32 to vector<256x2048xf32>
    %select_n3A_285 = arith.select %le3A_280, %broadcast_in_dim3A_283, %broadcast_in_dim3A_284 : vector<256x2048xi1>, vector<256x2048xf32>
    %reduce_sum3A_286 = arith.constant dense<0.000000e+00> : vector<256xf32>
    %reduce_sum3A_287 = vector.multi_reduction <add>, %select_n3A_285, %reduce_sum3A_286 [1] : vector<256x2048xf32> to vector<256xf32>
    %broadcast_in_dim3A_288 = vector.shape_cast %reduce_sum3A_287 : vector<256xf32> to vector<256x1xf32>
    %le3A_289 = arith.constant 1.500000e+01 : f32
    %le3A_290 = vector.broadcast %le3A_289 : f32 to vector<256x2048xf32>
    %le3A_291 = arith.cmpf ole, %concatenate3A, %le3A_290 : vector<256x2048xf32>
    %jit3A_292 = arith.constant 1.000000e+00 : f32
    %jit3A_293 = arith.constant 0.000000e+00 : f32
    %broadcast_in_dim3A_294 = vector.broadcast %jit3A_292 : f32 to vector<256x2048xf32>
    %broadcast_in_dim3A_295 = vector.broadcast %jit3A_293 : f32 to vector<256x2048xf32>
    %select_n3A_296 = arith.select %le3A_291, %broadcast_in_dim3A_294, %broadcast_in_dim3A_295 : vector<256x2048xi1>, vector<256x2048xf32>
    %reduce_sum3A_297 = arith.constant dense<0.000000e+00> : vector<256xf32>
    %reduce_sum3A_298 = vector.multi_reduction <add>, %select_n3A_296, %reduce_sum3A_297 [1] : vector<256x2048xf32> to vector<256xf32>
    %broadcast_in_dim3A_299 = vector.shape_cast %reduce_sum3A_298 : vector<256xf32> to vector<256x1xf32>
    %le3A_300 = arith.constant 1.600000e+01 : f32
    %le3A_301 = vector.broadcast %le3A_300 : f32 to vector<256x2048xf32>
    %le3A_302 = arith.cmpf ole, %concatenate3A, %le3A_301 : vector<256x2048xf32>
    %jit3A_303 = arith.constant 1.000000e+00 : f32
    %jit3A_304 = arith.constant 0.000000e+00 : f32
    %broadcast_in_dim3A_305 = vector.broadcast %jit3A_303 : f32 to vector<256x2048xf32>
    %broadcast_in_dim3A_306 = vector.broadcast %jit3A_304 : f32 to vector<256x2048xf32>
    %select_n3A_307 = arith.select %le3A_302, %broadcast_in_dim3A_305, %broadcast_in_dim3A_306 : vector<256x2048xi1>, vector<256x2048xf32>
    %reduce_sum3A_308 = arith.constant dense<0.000000e+00> : vector<256xf32>
    %reduce_sum3A_309 = vector.multi_reduction <add>, %select_n3A_307, %reduce_sum3A_308 [1] : vector<256x2048xf32> to vector<256xf32>
    %broadcast_in_dim3A_310 = vector.shape_cast %reduce_sum3A_309 : vector<256xf32> to vector<256x1xf32>
    %le3A_311 = arith.constant 1.700000e+01 : f32
    %le3A_312 = vector.broadcast %le3A_311 : f32 to vector<256x2048xf32>
    %le3A_313 = arith.cmpf ole, %concatenate3A, %le3A_312 : vector<256x2048xf32>
    %jit3A_314 = arith.constant 1.000000e+00 : f32
    %jit3A_315 = arith.constant 0.000000e+00 : f32
    %broadcast_in_dim3A_316 = vector.broadcast %jit3A_314 : f32 to vector<256x2048xf32>
    %broadcast_in_dim3A_317 = vector.broadcast %jit3A_315 : f32 to vector<256x2048xf32>
    %select_n3A_318 = arith.select %le3A_313, %broadcast_in_dim3A_316, %broadcast_in_dim3A_317 : vector<256x2048xi1>, vector<256x2048xf32>
    %reduce_sum3A_319 = arith.constant dense<0.000000e+00> : vector<256xf32>
    %reduce_sum3A_320 = vector.multi_reduction <add>, %select_n3A_318, %reduce_sum3A_319 [1] : vector<256x2048xf32> to vector<256xf32>
    %broadcast_in_dim3A_321 = vector.shape_cast %reduce_sum3A_320 : vector<256xf32> to vector<256x1xf32>
    %le3A_322 = arith.constant 1.800000e+01 : f32
    %le3A_323 = vector.broadcast %le3A_322 : f32 to vector<256x2048xf32>
    %le3A_324 = arith.cmpf ole, %concatenate3A, %le3A_323 : vector<256x2048xf32>
    %jit3A_325 = arith.constant 1.000000e+00 : f32
    %jit3A_326 = arith.constant 0.000000e+00 : f32
    %broadcast_in_dim3A_327 = vector.broadcast %jit3A_325 : f32 to vector<256x2048xf32>
    %broadcast_in_dim3A_328 = vector.broadcast %jit3A_326 : f32 to vector<256x2048xf32>
    %select_n3A_329 = arith.select %le3A_324, %broadcast_in_dim3A_327, %broadcast_in_dim3A_328 : vector<256x2048xi1>, vector<256x2048xf32>
    %reduce_sum3A_330 = arith.constant dense<0.000000e+00> : vector<256xf32>
    %reduce_sum3A_331 = vector.multi_reduction <add>, %select_n3A_329, %reduce_sum3A_330 [1] : vector<256x2048xf32> to vector<256xf32>
    %broadcast_in_dim3A_332 = vector.shape_cast %reduce_sum3A_331 : vector<256xf32> to vector<256x1xf32>
    %le3A_333 = arith.constant 1.900000e+01 : f32
    %le3A_334 = vector.broadcast %le3A_333 : f32 to vector<256x2048xf32>
    %le3A_335 = arith.cmpf ole, %concatenate3A, %le3A_334 : vector<256x2048xf32>
    %jit3A_336 = arith.constant 1.000000e+00 : f32
    %jit3A_337 = arith.constant 0.000000e+00 : f32
    %broadcast_in_dim3A_338 = vector.broadcast %jit3A_336 : f32 to vector<256x2048xf32>
    %broadcast_in_dim3A_339 = vector.broadcast %jit3A_337 : f32 to vector<256x2048xf32>
    %select_n3A_340 = arith.select %le3A_335, %broadcast_in_dim3A_338, %broadcast_in_dim3A_339 : vector<256x2048xi1>, vector<256x2048xf32>
    %reduce_sum3A_341 = arith.constant dense<0.000000e+00> : vector<256xf32>
    %reduce_sum3A_342 = vector.multi_reduction <add>, %select_n3A_340, %reduce_sum3A_341 [1] : vector<256x2048xf32> to vector<256xf32>
    %broadcast_in_dim3A_343 = vector.shape_cast %reduce_sum3A_342 : vector<256xf32> to vector<256x1xf32>
    %le3A_344 = arith.constant 2.000000e+01 : f32
    %le3A_345 = vector.broadcast %le3A_344 : f32 to vector<256x2048xf32>
    %le3A_346 = arith.cmpf ole, %concatenate3A, %le3A_345 : vector<256x2048xf32>
    %jit3A_347 = arith.constant 1.000000e+00 : f32
    %jit3A_348 = arith.constant 0.000000e+00 : f32
    %broadcast_in_dim3A_349 = vector.broadcast %jit3A_347 : f32 to vector<256x2048xf32>
    %broadcast_in_dim3A_350 = vector.broadcast %jit3A_348 : f32 to vector<256x2048xf32>
    %select_n3A_351 = arith.select %le3A_346, %broadcast_in_dim3A_349, %broadcast_in_dim3A_350 : vector<256x2048xi1>, vector<256x2048xf32>
    %reduce_sum3A_352 = arith.constant dense<0.000000e+00> : vector<256xf32>
    %reduce_sum3A_353 = vector.multi_reduction <add>, %select_n3A_351, %reduce_sum3A_352 [1] : vector<256x2048xf32> to vector<256xf32>
    %broadcast_in_dim3A_354 = vector.shape_cast %reduce_sum3A_353 : vector<256xf32> to vector<256x1xf32>
    %le3A_355 = arith.constant 2.100000e+01 : f32
    %le3A_356 = vector.broadcast %le3A_355 : f32 to vector<256x2048xf32>
    %le3A_357 = arith.cmpf ole, %concatenate3A, %le3A_356 : vector<256x2048xf32>
    %jit3A_358 = arith.constant 1.000000e+00 : f32
    %jit3A_359 = arith.constant 0.000000e+00 : f32
    %broadcast_in_dim3A_360 = vector.broadcast %jit3A_358 : f32 to vector<256x2048xf32>
    %broadcast_in_dim3A_361 = vector.broadcast %jit3A_359 : f32 to vector<256x2048xf32>
    %select_n3A_362 = arith.select %le3A_357, %broadcast_in_dim3A_360, %broadcast_in_dim3A_361 : vector<256x2048xi1>, vector<256x2048xf32>
    %reduce_sum3A_363 = arith.constant dense<0.000000e+00> : vector<256xf32>
    %reduce_sum3A_364 = vector.multi_reduction <add>, %select_n3A_362, %reduce_sum3A_363 [1] : vector<256x2048xf32> to vector<256xf32>
    %broadcast_in_dim3A_365 = vector.shape_cast %reduce_sum3A_364 : vector<256xf32> to vector<256x1xf32>
    %le3A_366 = arith.constant 2.200000e+01 : f32
    %le3A_367 = vector.broadcast %le3A_366 : f32 to vector<256x2048xf32>
    %le3A_368 = arith.cmpf ole, %concatenate3A, %le3A_367 : vector<256x2048xf32>
    %jit3A_369 = arith.constant 1.000000e+00 : f32
    %jit3A_370 = arith.constant 0.000000e+00 : f32
    %broadcast_in_dim3A_371 = vector.broadcast %jit3A_369 : f32 to vector<256x2048xf32>
    %broadcast_in_dim3A_372 = vector.broadcast %jit3A_370 : f32 to vector<256x2048xf32>
    %select_n3A_373 = arith.select %le3A_368, %broadcast_in_dim3A_371, %broadcast_in_dim3A_372 : vector<256x2048xi1>, vector<256x2048xf32>
    %reduce_sum3A_374 = arith.constant dense<0.000000e+00> : vector<256xf32>
    %reduce_sum3A_375 = vector.multi_reduction <add>, %select_n3A_373, %reduce_sum3A_374 [1] : vector<256x2048xf32> to vector<256xf32>
    %broadcast_in_dim3A_376 = vector.shape_cast %reduce_sum3A_375 : vector<256xf32> to vector<256x1xf32>
    %le3A_377 = arith.constant 2.300000e+01 : f32
    %le3A_378 = vector.broadcast %le3A_377 : f32 to vector<256x2048xf32>
    %le3A_379 = arith.cmpf ole, %concatenate3A, %le3A_378 : vector<256x2048xf32>
    %jit3A_380 = arith.constant 1.000000e+00 : f32
    %jit3A_381 = arith.constant 0.000000e+00 : f32
    %broadcast_in_dim3A_382 = vector.broadcast %jit3A_380 : f32 to vector<256x2048xf32>
    %broadcast_in_dim3A_383 = vector.broadcast %jit3A_381 : f32 to vector<256x2048xf32>
    %select_n3A_384 = arith.select %le3A_379, %broadcast_in_dim3A_382, %broadcast_in_dim3A_383 : vector<256x2048xi1>, vector<256x2048xf32>
    %reduce_sum3A_385 = arith.constant dense<0.000000e+00> : vector<256xf32>
    %reduce_sum3A_386 = vector.multi_reduction <add>, %select_n3A_384, %reduce_sum3A_385 [1] : vector<256x2048xf32> to vector<256xf32>
    %broadcast_in_dim3A_387 = vector.shape_cast %reduce_sum3A_386 : vector<256xf32> to vector<256x1xf32>
    %le3A_388 = arith.constant 2.400000e+01 : f32
    %le3A_389 = vector.broadcast %le3A_388 : f32 to vector<256x2048xf32>
    %le3A_390 = arith.cmpf ole, %concatenate3A, %le3A_389 : vector<256x2048xf32>
    %jit3A_391 = arith.constant 1.000000e+00 : f32
    %jit3A_392 = arith.constant 0.000000e+00 : f32
    %broadcast_in_dim3A_393 = vector.broadcast %jit3A_391 : f32 to vector<256x2048xf32>
    %broadcast_in_dim3A_394 = vector.broadcast %jit3A_392 : f32 to vector<256x2048xf32>
    %select_n3A_395 = arith.select %le3A_390, %broadcast_in_dim3A_393, %broadcast_in_dim3A_394 : vector<256x2048xi1>, vector<256x2048xf32>
    %reduce_sum3A_396 = arith.constant dense<0.000000e+00> : vector<256xf32>
    %reduce_sum3A_397 = vector.multi_reduction <add>, %select_n3A_395, %reduce_sum3A_396 [1] : vector<256x2048xf32> to vector<256xf32>
    %broadcast_in_dim3A_398 = vector.shape_cast %reduce_sum3A_397 : vector<256xf32> to vector<256x1xf32>
    %le3A_399 = arith.constant 2.500000e+01 : f32
    %le3A_400 = vector.broadcast %le3A_399 : f32 to vector<256x2048xf32>
    %le3A_401 = arith.cmpf ole, %concatenate3A, %le3A_400 : vector<256x2048xf32>
    %jit3A_402 = arith.constant 1.000000e+00 : f32
    %jit3A_403 = arith.constant 0.000000e+00 : f32
    %broadcast_in_dim3A_404 = vector.broadcast %jit3A_402 : f32 to vector<256x2048xf32>
    %broadcast_in_dim3A_405 = vector.broadcast %jit3A_403 : f32 to vector<256x2048xf32>
    %select_n3A_406 = arith.select %le3A_401, %broadcast_in_dim3A_404, %broadcast_in_dim3A_405 : vector<256x2048xi1>, vector<256x2048xf32>
    %reduce_sum3A_407 = arith.constant dense<0.000000e+00> : vector<256xf32>
    %reduce_sum3A_408 = vector.multi_reduction <add>, %select_n3A_406, %reduce_sum3A_407 [1] : vector<256x2048xf32> to vector<256xf32>
    %broadcast_in_dim3A_409 = vector.shape_cast %reduce_sum3A_408 : vector<256xf32> to vector<256x1xf32>
    %le3A_410 = arith.constant 2.600000e+01 : f32
    %le3A_411 = vector.broadcast %le3A_410 : f32 to vector<256x2048xf32>
    %le3A_412 = arith.cmpf ole, %concatenate3A, %le3A_411 : vector<256x2048xf32>
    %jit3A_413 = arith.constant 1.000000e+00 : f32
    %jit3A_414 = arith.constant 0.000000e+00 : f32
    %broadcast_in_dim3A_415 = vector.broadcast %jit3A_413 : f32 to vector<256x2048xf32>
    %broadcast_in_dim3A_416 = vector.broadcast %jit3A_414 : f32 to vector<256x2048xf32>
    %select_n3A_417 = arith.select %le3A_412, %broadcast_in_dim3A_415, %broadcast_in_dim3A_416 : vector<256x2048xi1>, vector<256x2048xf32>
    %reduce_sum3A_418 = arith.constant dense<0.000000e+00> : vector<256xf32>
    %reduce_sum3A_419 = vector.multi_reduction <add>, %select_n3A_417, %reduce_sum3A_418 [1] : vector<256x2048xf32> to vector<256xf32>
    %broadcast_in_dim3A_420 = vector.shape_cast %reduce_sum3A_419 : vector<256xf32> to vector<256x1xf32>
    %le3A_421 = arith.constant 2.700000e+01 : f32
    %le3A_422 = vector.broadcast %le3A_421 : f32 to vector<256x2048xf32>
    %le3A_423 = arith.cmpf ole, %concatenate3A, %le3A_422 : vector<256x2048xf32>
    %jit3A_424 = arith.constant 1.000000e+00 : f32
    %jit3A_425 = arith.constant 0.000000e+00 : f32
    %broadcast_in_dim3A_426 = vector.broadcast %jit3A_424 : f32 to vector<256x2048xf32>
    %broadcast_in_dim3A_427 = vector.broadcast %jit3A_425 : f32 to vector<256x2048xf32>
    %select_n3A_428 = arith.select %le3A_423, %broadcast_in_dim3A_426, %broadcast_in_dim3A_427 : vector<256x2048xi1>, vector<256x2048xf32>
    %reduce_sum3A_429 = arith.constant dense<0.000000e+00> : vector<256xf32>
    %reduce_sum3A_430 = vector.multi_reduction <add>, %select_n3A_428, %reduce_sum3A_429 [1] : vector<256x2048xf32> to vector<256xf32>
    %broadcast_in_dim3A_431 = vector.shape_cast %reduce_sum3A_430 : vector<256xf32> to vector<256x1xf32>
    %le3A_432 = arith.constant 2.800000e+01 : f32
    %le3A_433 = vector.broadcast %le3A_432 : f32 to vector<256x2048xf32>
    %le3A_434 = arith.cmpf ole, %concatenate3A, %le3A_433 : vector<256x2048xf32>
    %jit3A_435 = arith.constant 1.000000e+00 : f32
    %jit3A_436 = arith.constant 0.000000e+00 : f32
    %broadcast_in_dim3A_437 = vector.broadcast %jit3A_435 : f32 to vector<256x2048xf32>
    %broadcast_in_dim3A_438 = vector.broadcast %jit3A_436 : f32 to vector<256x2048xf32>
    %select_n3A_439 = arith.select %le3A_434, %broadcast_in_dim3A_437, %broadcast_in_dim3A_438 : vector<256x2048xi1>, vector<256x2048xf32>
    %reduce_sum3A_440 = arith.constant dense<0.000000e+00> : vector<256xf32>
    %reduce_sum3A_441 = vector.multi_reduction <add>, %select_n3A_439, %reduce_sum3A_440 [1] : vector<256x2048xf32> to vector<256xf32>
    %broadcast_in_dim3A_442 = vector.shape_cast %reduce_sum3A_441 : vector<256xf32> to vector<256x1xf32>
    %le3A_443 = arith.constant 2.900000e+01 : f32
    %le3A_444 = vector.broadcast %le3A_443 : f32 to vector<256x2048xf32>
    %le3A_445 = arith.cmpf ole, %concatenate3A, %le3A_444 : vector<256x2048xf32>
    %jit3A_446 = arith.constant 1.000000e+00 : f32
    %jit3A_447 = arith.constant 0.000000e+00 : f32
    %broadcast_in_dim3A_448 = vector.broadcast %jit3A_446 : f32 to vector<256x2048xf32>
    %broadcast_in_dim3A_449 = vector.broadcast %jit3A_447 : f32 to vector<256x2048xf32>
    %select_n3A_450 = arith.select %le3A_445, %broadcast_in_dim3A_448, %broadcast_in_dim3A_449 : vector<256x2048xi1>, vector<256x2048xf32>
    %reduce_sum3A_451 = arith.constant dense<0.000000e+00> : vector<256xf32>
    %reduce_sum3A_452 = vector.multi_reduction <add>, %select_n3A_450, %reduce_sum3A_451 [1] : vector<256x2048xf32> to vector<256xf32>
    %broadcast_in_dim3A_453 = vector.shape_cast %reduce_sum3A_452 : vector<256xf32> to vector<256x1xf32>
    %le3A_454 = arith.constant 3.000000e+01 : f32
    %le3A_455 = vector.broadcast %le3A_454 : f32 to vector<256x2048xf32>
    %le3A_456 = arith.cmpf ole, %concatenate3A, %le3A_455 : vector<256x2048xf32>
    %jit3A_457 = arith.constant 1.000000e+00 : f32
    %jit3A_458 = arith.constant 0.000000e+00 : f32
    %broadcast_in_dim3A_459 = vector.broadcast %jit3A_457 : f32 to vector<256x2048xf32>
    %broadcast_in_dim3A_460 = vector.broadcast %jit3A_458 : f32 to vector<256x2048xf32>
    %select_n3A_461 = arith.select %le3A_456, %broadcast_in_dim3A_459, %broadcast_in_dim3A_460 : vector<256x2048xi1>, vector<256x2048xf32>
    %reduce_sum3A_462 = arith.constant dense<0.000000e+00> : vector<256xf32>
    %reduce_sum3A_463 = vector.multi_reduction <add>, %select_n3A_461, %reduce_sum3A_462 [1] : vector<256x2048xf32> to vector<256xf32>
    %broadcast_in_dim3A_464 = vector.shape_cast %reduce_sum3A_463 : vector<256xf32> to vector<256x1xf32>
    %le3A_465 = arith.constant 3.100000e+01 : f32
    %le3A_466 = vector.broadcast %le3A_465 : f32 to vector<256x2048xf32>
    %le3A_467 = arith.cmpf ole, %concatenate3A, %le3A_466 : vector<256x2048xf32>
    %jit3A_468 = arith.constant 1.000000e+00 : f32
    %jit3A_469 = arith.constant 0.000000e+00 : f32
    %broadcast_in_dim3A_470 = vector.broadcast %jit3A_468 : f32 to vector<256x2048xf32>
    %broadcast_in_dim3A_471 = vector.broadcast %jit3A_469 : f32 to vector<256x2048xf32>
    %select_n3A_472 = arith.select %le3A_467, %broadcast_in_dim3A_470, %broadcast_in_dim3A_471 : vector<256x2048xi1>, vector<256x2048xf32>
    %reduce_sum3A_473 = arith.constant dense<0.000000e+00> : vector<256xf32>
    %reduce_sum3A_474 = vector.multi_reduction <add>, %select_n3A_472, %reduce_sum3A_473 [1] : vector<256x2048xf32> to vector<256xf32>
    %broadcast_in_dim3A_475 = vector.shape_cast %reduce_sum3A_474 : vector<256xf32> to vector<256x1xf32>
    %concatenate3A_476 = tpu.concatenate %broadcast_in_dim3A_134, %broadcast_in_dim3A_145, %broadcast_in_dim3A_156, %broadcast_in_dim3A_167, %broadcast_in_dim3A_178, %broadcast_in_dim3A_189, %broadcast_in_dim3A_200, %broadcast_in_dim3A_211, %broadcast_in_dim3A_222, %broadcast_in_dim3A_233, %broadcast_in_dim3A_244, %broadcast_in_dim3A_255, %broadcast_in_dim3A_266, %broadcast_in_dim3A_277, %broadcast_in_dim3A_288, %broadcast_in_dim3A_299, %broadcast_in_dim3A_310, %broadcast_in_dim3A_321, %broadcast_in_dim3A_332, %broadcast_in_dim3A_343, %broadcast_in_dim3A_354, %broadcast_in_dim3A_365, %broadcast_in_dim3A_376, %broadcast_in_dim3A_387, %broadcast_in_dim3A_398, %broadcast_in_dim3A_409, %broadcast_in_dim3A_420, %broadcast_in_dim3A_431, %broadcast_in_dim3A_442, %broadcast_in_dim3A_453, %broadcast_in_dim3A_464, %broadcast_in_dim3A_475 in 1 : vector<256x1xf32>, vector<256x1xf32>, vector<256x1xf32>, vector<256x1xf32>, vector<256x1xf32>, vector<256x1xf32>, vector<256x1xf32>, vector<256x1xf32>, vector<256x1xf32>, vector<256x1xf32>, vector<256x1xf32>, vector<256x1xf32>, vector<256x1xf32>, vector<256x1xf32>, vector<256x1xf32>, vector<256x1xf32>, vector<256x1xf32>, vector<256x1xf32>, vector<256x1xf32>, vector<256x1xf32>, vector<256x1xf32>, vector<256x1xf32>, vector<256x1xf32>, vector<256x1xf32>, vector<256x1xf32>, vector<256x1xf32>, vector<256x1xf32>, vector<256x1xf32>, vector<256x1xf32>, vector<256x1xf32>, vector<256x1xf32>, vector<256x1xf32> -> vector<256x32xf32>
    %slice3A_477 = vector.extract_strided_slice %concatenate3A_476 {offsets = [0, 0], sizes = [256, 1], strides = [1, 1]} : vector<256x32xf32> to vector<256x1xf32>
    %ge3A = arith.constant 2.048000e+03 : f32
    %ge3A_478 = vector.broadcast %ge3A : f32 to vector<256x32xf32>
    %ge3A_479 = arith.cmpf oge, %concatenate3A_476, %ge3A_478 : vector<256x32xf32>
    %broadcast_in_dim3A_480 = vector.shape_cast %slice3A_477 : vector<256x1xf32> to vector<256x1xf32>
    %broadcast_in_dim3A_481 = vector.broadcast %broadcast_in_dim3A_480 : vector<256x1xf32> to vector<256x32xf32>
    %select_n3A_482 = arith.select %ge3A_479, %broadcast_in_dim3A_481, %concatenate3A_476 : vector<256x32xi1>, vector<256x32xf32>
    %convert_element_type3A_483 = arith.fptosi %select_n3A_482 : vector<256x32xf32> to vector<256x32xi32>
    %mul3A_484 = arith.constant 2048 : i32
    %mul3A_485 = arith.muli %arg0, %mul3A_484 : i32
    %add3A_486 = vector.broadcast %mul3A_485 : i32 to vector<256x32xi32>
    %add3A_487 = arith.addi %convert_element_type3A_483, %add3A_486 : vector<256x32xi32>
    %swap3A = arith.constant 0 : index
    %swap3A_488 = arith.constant 0 : index
    %swap3A_489 = arith.constant 0 : index
    %swap3A_490 = vector.load %arg6[%swap3A, %swap3A_488, %swap3A_489] : memref<1x256x32xi32, #tpu.memory_space<vmem>>, vector<1x256x32xi32>
    %swap3A_491 = vector.shape_cast %swap3A_490 : vector<1x256x32xi32> to vector<256x32xi32>
    %swap3A_492 = vector.shape_cast %add3A_487 : vector<256x32xi32> to vector<1x256x32xi32>
    tpu.vector_store %arg6[%swap3A, %swap3A_488, %swap3A_489], %swap3A_492 {strides = array<i32>} : memref<1x256x32xi32, #tpu.memory_space<vmem>>, vector<1x256x32xi32>,
    return
  }
  func.func @transform_0(%arg0: i32, %arg1: i32) -> (i32, i32, i32) {
    %c0_i32 = arith.constant 0 : i32
    %c0_i32_0 = arith.constant 0 : i32
    return %arg0, %arg1, %c0_i32 : i32, i32, i32
  }
  func.func @transform_1(%arg0: i32, %arg1: i32) -> (i32, i32, i32) {
    %c0_i32 = arith.constant 0 : i32
    %c0_i32_0 = arith.constant 0 : i32
    %c0_i32_1 = arith.constant 0 : i32
    return %arg0, %c0_i32, %c0_i32_0 : i32, i32, i32
  }
  func.func @transform_2(%arg0: i32, %arg1: i32) -> (i32, i32, i32) {
    %c0_i32 = arith.constant 0 : i32
    %c0_i32_0 = arith.constant 0 : i32
    return %arg0, %arg1, %c0_i32 : i32, i32, i32
  }
  func.func @transform_3(%arg0: i32, %arg1: i32) -> (i32, i32, i32) {
    %c0_i32 = arith.constant 0 : i32
    %c0_i32_0 = arith.constant 0 : i32
    %c0_i32_1 = arith.constant 0 : i32
    return %arg0, %c0_i32, %c0_i32_0 : i32, i32, i32
  }
  func.func @transform_4(%arg0: i32, %arg1: i32) -> (i32, i32, i32) {
    %c0_i32 = arith.constant 0 : i32
    %c0_i32_0 = arith.constant 0 : i32
    return %arg0, %arg1, %c0_i32 : i32, i32, i32
  }
}

module attributes {stable_mosaic.version = 14 : i64} {
  func.func @_bq_kernel(%arg0: i32, %arg1: i32, %arg2: memref<1x128x8xf32, #tpu.memory_space<vmem>>, %arg3: memref<1x8x512xf32, #tpu.memory_space<vmem>>, %arg4: memref<1x128x1xf32, #tpu.memory_space<vmem>>, %arg5: memref<1x1x512xf32, #tpu.memory_space<vmem>>, %arg6: memref<1x128x24xi32, #tpu.memory_space<vmem>>) attributes {dimension_semantics = [#tpu.dimension_semantics<arbitrary>, #tpu.dimension_semantics<arbitrary>], iteration_bounds = array<i64: 8, 1>, scalar_prefetch = 0 : i64, scratch_operands = 0 : i64, tpu.core_type = #tpu.core_type<tc>, window_params = [{transform_indices = @transform_0, window_bounds = array<i64: 1, 128, 8>}, {transform_indices = @transform_1, window_bounds = array<i64: 1, 8, 512>}, {transform_indices = @transform_2, window_bounds = array<i64: 1, 128, 1>}, {transform_indices = @transform_3, window_bounds = array<i64: 1, 1, 512>}, {transform_indices = @transform_4, window_bounds = array<i64: 1, 128, 24>}]} {
    %get3A = arith.constant 0 : index
    %get3A_0 = arith.constant 0 : index
    %get3A_1 = arith.constant 0 : index
    %get3A_2 = vector.load %arg2[%get3A, %get3A_0, %get3A_1] : memref<1x128x8xf32, #tpu.memory_space<vmem>>, vector<1x128x8xf32>
    %get3A_3 = vector.shape_cast %get3A_2 : vector<1x128x8xf32> to vector<128x8xf32>
    %get3A_4 = arith.constant 0 : index
    %get3A_5 = arith.constant 0 : index
    %get3A_6 = arith.constant 0 : index
    %get3A_7 = vector.load %arg3[%get3A_4, %get3A_5, %get3A_6] : memref<1x8x512xf32, #tpu.memory_space<vmem>>, vector<1x8x512xf32>
    %get3A_8 = vector.shape_cast %get3A_7 : vector<1x8x512xf32> to vector<8x512xf32>
    %dot_general3A = arith.constant dense<0.000000e+00> : vector<128x512xf32>
    %dot_general3A_9 = tpu.matmul %get3A_3, %get3A_8, %dot_general3A {dimension_numbers = #tpu.dot_dimension_numbers<[1], [0], [0], [1], [0, 0, 1, 1], [], []>, transpose_lhs_hint = false} : vector<128x8xf32>, vector<8x512xf32>, vector<128x512xf32> -> vector<128x512xf32>
    %get3A_10 = arith.constant 0 : index
    %get3A_11 = arith.constant 0 : index
    %get3A_12 = arith.constant 0 : index
    %get3A_13 = vector.load %arg4[%get3A_10, %get3A_11, %get3A_12] : memref<1x128x1xf32, #tpu.memory_space<vmem>>, vector<1x128x1xf32>
    %get3A_14 = vector.shape_cast %get3A_13 : vector<1x128x1xf32> to vector<128x1xf32>
    %get3A_15 = arith.constant 0 : index
    %get3A_16 = arith.constant 0 : index
    %get3A_17 = arith.constant 0 : index
    %get3A_18 = vector.load %arg5[%get3A_15, %get3A_16, %get3A_17] : memref<1x1x512xf32, #tpu.memory_space<vmem>>, vector<1x1x512xf32>
    %get3A_19 = vector.shape_cast %get3A_18 : vector<1x1x512xf32> to vector<1x512xf32>
    %mul3A = arith.constant -2.000000e+00 : f32
    %mul3A_20 = vector.broadcast %mul3A : f32 to vector<128x512xf32>
    %mul3A_21 = arith.mulf %mul3A_20, %dot_general3A_9 : vector<128x512xf32>
    %add3A = vector.broadcast %get3A_14 : vector<128x1xf32> to vector<128x512xf32>
    %add3A_22 = arith.addf %mul3A_21, %add3A : vector<128x512xf32>
    %add3A_23 = vector.broadcast %get3A_19 : vector<1x512xf32> to vector<128x512xf32>
    %add3A_24 = arith.addf %add3A_22, %add3A_23 : vector<128x512xf32>
    %le3A = arith.constant 1.600000e-01 : f32
    %le3A_25 = vector.broadcast %le3A : f32 to vector<128x512xf32>
    %le3A_26 = arith.cmpf ole, %add3A_24, %le3A_25 : vector<128x512xf32>
    %convert_element_type3A = arith.extui %le3A_26 : vector<128x512xi1> to vector<128x512xi32>
    %convert_element_type3A_27 = arith.sitofp %convert_element_type3A : vector<128x512xi32> to vector<128x512xf32>
    %iota3A = tpu.iota {dimensions = array<i32: 0>} : vector<128x128xi32>
    %iota3A_28 = tpu.iota {dimensions = array<i32: 1>} : vector<128x128xi32>
    %le3A_29 = arith.cmpi sle, %iota3A, %iota3A_28 : vector<128x128xi32>
    %convert_element_type3A_30 = arith.extui %le3A_29 : vector<128x128xi1> to vector<128x128xi32>
    %convert_element_type3A_31 = arith.sitofp %convert_element_type3A_30 : vector<128x128xi32> to vector<128x128xf32>
    %broadcast_in_dim3A = arith.constant 0.000000e+00 : f32
    %broadcast_in_dim3A_32 = vector.broadcast %broadcast_in_dim3A : f32 to vector<128x1xf32>
    %slice3A = vector.extract_strided_slice %convert_element_type3A_27 {offsets = [0, 0], sizes = [128, 128], strides = [1, 1]} : vector<128x512xf32> to vector<128x128xf32>
    %dot_general3A_33 = arith.constant dense<0.000000e+00> : vector<128x128xf32>
    %dot_general3A_34 = tpu.matmul %slice3A, %convert_element_type3A_31, %dot_general3A_33 {dimension_numbers = #tpu.dot_dimension_numbers<[1], [0], [0], [1], [0, 0, 1, 1], [], []>, transpose_lhs_hint = false} : vector<128x128xf32>, vector<128x128xf32>, vector<128x128xf32> -> vector<128x128xf32>
    %add3A_35 = vector.broadcast %broadcast_in_dim3A_32 : vector<128x1xf32> to vector<128x128xf32>
    %add3A_36 = arith.addf %dot_general3A_34, %add3A_35 : vector<128x128xf32>
    %slice3A_37 = vector.extract_strided_slice %add3A_36 {offsets = [0, 127], sizes = [128, 1], strides = [1, 1]} : vector<128x128xf32> to vector<128x1xf32>
    %slice3A_38 = vector.extract_strided_slice %convert_element_type3A_27 {offsets = [0, 128], sizes = [128, 128], strides = [1, 1]} : vector<128x512xf32> to vector<128x128xf32>
    %dot_general3A_39 = arith.constant dense<0.000000e+00> : vector<128x128xf32>
    %dot_general3A_40 = tpu.matmul %slice3A_38, %convert_element_type3A_31, %dot_general3A_39 {dimension_numbers = #tpu.dot_dimension_numbers<[1], [0], [0], [1], [0, 0, 1, 1], [], []>, transpose_lhs_hint = false} : vector<128x128xf32>, vector<128x128xf32>, vector<128x128xf32> -> vector<128x128xf32>
    %add3A_41 = vector.broadcast %slice3A_37 : vector<128x1xf32> to vector<128x128xf32>
    %add3A_42 = arith.addf %dot_general3A_40, %add3A_41 : vector<128x128xf32>
    %slice3A_43 = vector.extract_strided_slice %add3A_42 {offsets = [0, 127], sizes = [128, 1], strides = [1, 1]} : vector<128x128xf32> to vector<128x1xf32>
    %slice3A_44 = vector.extract_strided_slice %convert_element_type3A_27 {offsets = [0, 256], sizes = [128, 128], strides = [1, 1]} : vector<128x512xf32> to vector<128x128xf32>
    %dot_general3A_45 = arith.constant dense<0.000000e+00> : vector<128x128xf32>
    %dot_general3A_46 = tpu.matmul %slice3A_44, %convert_element_type3A_31, %dot_general3A_45 {dimension_numbers = #tpu.dot_dimension_numbers<[1], [0], [0], [1], [0, 0, 1, 1], [], []>, transpose_lhs_hint = false} : vector<128x128xf32>, vector<128x128xf32>, vector<128x128xf32> -> vector<128x128xf32>
    %add3A_47 = vector.broadcast %slice3A_43 : vector<128x1xf32> to vector<128x128xf32>
    %add3A_48 = arith.addf %dot_general3A_46, %add3A_47 : vector<128x128xf32>
    %slice3A_49 = vector.extract_strided_slice %add3A_48 {offsets = [0, 127], sizes = [128, 1], strides = [1, 1]} : vector<128x128xf32> to vector<128x1xf32>
    %slice3A_50 = vector.extract_strided_slice %convert_element_type3A_27 {offsets = [0, 384], sizes = [128, 128], strides = [1, 1]} : vector<128x512xf32> to vector<128x128xf32>
    %dot_general3A_51 = arith.constant dense<0.000000e+00> : vector<128x128xf32>
    %dot_general3A_52 = tpu.matmul %slice3A_50, %convert_element_type3A_31, %dot_general3A_51 {dimension_numbers = #tpu.dot_dimension_numbers<[1], [0], [0], [1], [0, 0, 1, 1], [], []>, transpose_lhs_hint = false} : vector<128x128xf32>, vector<128x128xf32>, vector<128x128xf32> -> vector<128x128xf32>
    %add3A_53 = vector.broadcast %slice3A_49 : vector<128x1xf32> to vector<128x128xf32>
    %add3A_54 = arith.addf %dot_general3A_52, %add3A_53 : vector<128x128xf32>
    %concatenate3A = tpu.concatenate %add3A_36, %add3A_42, %add3A_48, %add3A_54 in 1 : vector<128x128xf32>, vector<128x128xf32>, vector<128x128xf32>, vector<128x128xf32> -> vector<128x512xf32>
    %le3A_55 = arith.constant 0.000000e+00 : f32
    %le3A_56 = vector.broadcast %le3A_55 : f32 to vector<128x512xf32>
    %le3A_57 = arith.cmpf ole, %concatenate3A, %le3A_56 : vector<128x512xf32>
    %jit3A = arith.constant 1.000000e+00 : f32
    %jit3A_58 = arith.constant 0.000000e+00 : f32
    %broadcast_in_dim3A_59 = vector.broadcast %jit3A : f32 to vector<128x512xf32>
    %broadcast_in_dim3A_60 = vector.broadcast %jit3A_58 : f32 to vector<128x512xf32>
    %select_n3A = arith.select %le3A_57, %broadcast_in_dim3A_59, %broadcast_in_dim3A_60 : vector<128x512xi1>, vector<128x512xf32>
    %reduce_sum3A = arith.constant dense<0.000000e+00> : vector<128xf32>
    %reduce_sum3A_61 = vector.multi_reduction <add>, %select_n3A, %reduce_sum3A [1] : vector<128x512xf32> to vector<128xf32>
    %broadcast_in_dim3A_62 = vector.shape_cast %reduce_sum3A_61 : vector<128xf32> to vector<128x1xf32>
    %le3A_63 = arith.constant 1.000000e+00 : f32
    %le3A_64 = vector.broadcast %le3A_63 : f32 to vector<128x512xf32>
    %le3A_65 = arith.cmpf ole, %concatenate3A, %le3A_64 : vector<128x512xf32>
    %jit3A_66 = arith.constant 1.000000e+00 : f32
    %jit3A_67 = arith.constant 0.000000e+00 : f32
    %broadcast_in_dim3A_68 = vector.broadcast %jit3A_66 : f32 to vector<128x512xf32>
    %broadcast_in_dim3A_69 = vector.broadcast %jit3A_67 : f32 to vector<128x512xf32>
    %select_n3A_70 = arith.select %le3A_65, %broadcast_in_dim3A_68, %broadcast_in_dim3A_69 : vector<128x512xi1>, vector<128x512xf32>
    %reduce_sum3A_71 = arith.constant dense<0.000000e+00> : vector<128xf32>
    %reduce_sum3A_72 = vector.multi_reduction <add>, %select_n3A_70, %reduce_sum3A_71 [1] : vector<128x512xf32> to vector<128xf32>
    %broadcast_in_dim3A_73 = vector.shape_cast %reduce_sum3A_72 : vector<128xf32> to vector<128x1xf32>
    %le3A_74 = arith.constant 2.000000e+00 : f32
    %le3A_75 = vector.broadcast %le3A_74 : f32 to vector<128x512xf32>
    %le3A_76 = arith.cmpf ole, %concatenate3A, %le3A_75 : vector<128x512xf32>
    %jit3A_77 = arith.constant 1.000000e+00 : f32
    %jit3A_78 = arith.constant 0.000000e+00 : f32
    %broadcast_in_dim3A_79 = vector.broadcast %jit3A_77 : f32 to vector<128x512xf32>
    %broadcast_in_dim3A_80 = vector.broadcast %jit3A_78 : f32 to vector<128x512xf32>
    %select_n3A_81 = arith.select %le3A_76, %broadcast_in_dim3A_79, %broadcast_in_dim3A_80 : vector<128x512xi1>, vector<128x512xf32>
    %reduce_sum3A_82 = arith.constant dense<0.000000e+00> : vector<128xf32>
    %reduce_sum3A_83 = vector.multi_reduction <add>, %select_n3A_81, %reduce_sum3A_82 [1] : vector<128x512xf32> to vector<128xf32>
    %broadcast_in_dim3A_84 = vector.shape_cast %reduce_sum3A_83 : vector<128xf32> to vector<128x1xf32>
    %le3A_85 = arith.constant 3.000000e+00 : f32
    %le3A_86 = vector.broadcast %le3A_85 : f32 to vector<128x512xf32>
    %le3A_87 = arith.cmpf ole, %concatenate3A, %le3A_86 : vector<128x512xf32>
    %jit3A_88 = arith.constant 1.000000e+00 : f32
    %jit3A_89 = arith.constant 0.000000e+00 : f32
    %broadcast_in_dim3A_90 = vector.broadcast %jit3A_88 : f32 to vector<128x512xf32>
    %broadcast_in_dim3A_91 = vector.broadcast %jit3A_89 : f32 to vector<128x512xf32>
    %select_n3A_92 = arith.select %le3A_87, %broadcast_in_dim3A_90, %broadcast_in_dim3A_91 : vector<128x512xi1>, vector<128x512xf32>
    %reduce_sum3A_93 = arith.constant dense<0.000000e+00> : vector<128xf32>
    %reduce_sum3A_94 = vector.multi_reduction <add>, %select_n3A_92, %reduce_sum3A_93 [1] : vector<128x512xf32> to vector<128xf32>
    %broadcast_in_dim3A_95 = vector.shape_cast %reduce_sum3A_94 : vector<128xf32> to vector<128x1xf32>
    %le3A_96 = arith.constant 4.000000e+00 : f32
    %le3A_97 = vector.broadcast %le3A_96 : f32 to vector<128x512xf32>
    %le3A_98 = arith.cmpf ole, %concatenate3A, %le3A_97 : vector<128x512xf32>
    %jit3A_99 = arith.constant 1.000000e+00 : f32
    %jit3A_100 = arith.constant 0.000000e+00 : f32
    %broadcast_in_dim3A_101 = vector.broadcast %jit3A_99 : f32 to vector<128x512xf32>
    %broadcast_in_dim3A_102 = vector.broadcast %jit3A_100 : f32 to vector<128x512xf32>
    %select_n3A_103 = arith.select %le3A_98, %broadcast_in_dim3A_101, %broadcast_in_dim3A_102 : vector<128x512xi1>, vector<128x512xf32>
    %reduce_sum3A_104 = arith.constant dense<0.000000e+00> : vector<128xf32>
    %reduce_sum3A_105 = vector.multi_reduction <add>, %select_n3A_103, %reduce_sum3A_104 [1] : vector<128x512xf32> to vector<128xf32>
    %broadcast_in_dim3A_106 = vector.shape_cast %reduce_sum3A_105 : vector<128xf32> to vector<128x1xf32>
    %le3A_107 = arith.constant 5.000000e+00 : f32
    %le3A_108 = vector.broadcast %le3A_107 : f32 to vector<128x512xf32>
    %le3A_109 = arith.cmpf ole, %concatenate3A, %le3A_108 : vector<128x512xf32>
    %jit3A_110 = arith.constant 1.000000e+00 : f32
    %jit3A_111 = arith.constant 0.000000e+00 : f32
    %broadcast_in_dim3A_112 = vector.broadcast %jit3A_110 : f32 to vector<128x512xf32>
    %broadcast_in_dim3A_113 = vector.broadcast %jit3A_111 : f32 to vector<128x512xf32>
    %select_n3A_114 = arith.select %le3A_109, %broadcast_in_dim3A_112, %broadcast_in_dim3A_113 : vector<128x512xi1>, vector<128x512xf32>
    %reduce_sum3A_115 = arith.constant dense<0.000000e+00> : vector<128xf32>
    %reduce_sum3A_116 = vector.multi_reduction <add>, %select_n3A_114, %reduce_sum3A_115 [1] : vector<128x512xf32> to vector<128xf32>
    %broadcast_in_dim3A_117 = vector.shape_cast %reduce_sum3A_116 : vector<128xf32> to vector<128x1xf32>
    %le3A_118 = arith.constant 6.000000e+00 : f32
    %le3A_119 = vector.broadcast %le3A_118 : f32 to vector<128x512xf32>
    %le3A_120 = arith.cmpf ole, %concatenate3A, %le3A_119 : vector<128x512xf32>
    %jit3A_121 = arith.constant 1.000000e+00 : f32
    %jit3A_122 = arith.constant 0.000000e+00 : f32
    %broadcast_in_dim3A_123 = vector.broadcast %jit3A_121 : f32 to vector<128x512xf32>
    %broadcast_in_dim3A_124 = vector.broadcast %jit3A_122 : f32 to vector<128x512xf32>
    %select_n3A_125 = arith.select %le3A_120, %broadcast_in_dim3A_123, %broadcast_in_dim3A_124 : vector<128x512xi1>, vector<128x512xf32>
    %reduce_sum3A_126 = arith.constant dense<0.000000e+00> : vector<128xf32>
    %reduce_sum3A_127 = vector.multi_reduction <add>, %select_n3A_125, %reduce_sum3A_126 [1] : vector<128x512xf32> to vector<128xf32>
    %broadcast_in_dim3A_128 = vector.shape_cast %reduce_sum3A_127 : vector<128xf32> to vector<128x1xf32>
    %le3A_129 = arith.constant 7.000000e+00 : f32
    %le3A_130 = vector.broadcast %le3A_129 : f32 to vector<128x512xf32>
    %le3A_131 = arith.cmpf ole, %concatenate3A, %le3A_130 : vector<128x512xf32>
    %jit3A_132 = arith.constant 1.000000e+00 : f32
    %jit3A_133 = arith.constant 0.000000e+00 : f32
    %broadcast_in_dim3A_134 = vector.broadcast %jit3A_132 : f32 to vector<128x512xf32>
    %broadcast_in_dim3A_135 = vector.broadcast %jit3A_133 : f32 to vector<128x512xf32>
    %select_n3A_136 = arith.select %le3A_131, %broadcast_in_dim3A_134, %broadcast_in_dim3A_135 : vector<128x512xi1>, vector<128x512xf32>
    %reduce_sum3A_137 = arith.constant dense<0.000000e+00> : vector<128xf32>
    %reduce_sum3A_138 = vector.multi_reduction <add>, %select_n3A_136, %reduce_sum3A_137 [1] : vector<128x512xf32> to vector<128xf32>
    %broadcast_in_dim3A_139 = vector.shape_cast %reduce_sum3A_138 : vector<128xf32> to vector<128x1xf32>
    %le3A_140 = arith.constant 8.000000e+00 : f32
    %le3A_141 = vector.broadcast %le3A_140 : f32 to vector<128x512xf32>
    %le3A_142 = arith.cmpf ole, %concatenate3A, %le3A_141 : vector<128x512xf32>
    %jit3A_143 = arith.constant 1.000000e+00 : f32
    %jit3A_144 = arith.constant 0.000000e+00 : f32
    %broadcast_in_dim3A_145 = vector.broadcast %jit3A_143 : f32 to vector<128x512xf32>
    %broadcast_in_dim3A_146 = vector.broadcast %jit3A_144 : f32 to vector<128x512xf32>
    %select_n3A_147 = arith.select %le3A_142, %broadcast_in_dim3A_145, %broadcast_in_dim3A_146 : vector<128x512xi1>, vector<128x512xf32>
    %reduce_sum3A_148 = arith.constant dense<0.000000e+00> : vector<128xf32>
    %reduce_sum3A_149 = vector.multi_reduction <add>, %select_n3A_147, %reduce_sum3A_148 [1] : vector<128x512xf32> to vector<128xf32>
    %broadcast_in_dim3A_150 = vector.shape_cast %reduce_sum3A_149 : vector<128xf32> to vector<128x1xf32>
    %le3A_151 = arith.constant 9.000000e+00 : f32
    %le3A_152 = vector.broadcast %le3A_151 : f32 to vector<128x512xf32>
    %le3A_153 = arith.cmpf ole, %concatenate3A, %le3A_152 : vector<128x512xf32>
    %jit3A_154 = arith.constant 1.000000e+00 : f32
    %jit3A_155 = arith.constant 0.000000e+00 : f32
    %broadcast_in_dim3A_156 = vector.broadcast %jit3A_154 : f32 to vector<128x512xf32>
    %broadcast_in_dim3A_157 = vector.broadcast %jit3A_155 : f32 to vector<128x512xf32>
    %select_n3A_158 = arith.select %le3A_153, %broadcast_in_dim3A_156, %broadcast_in_dim3A_157 : vector<128x512xi1>, vector<128x512xf32>
    %reduce_sum3A_159 = arith.constant dense<0.000000e+00> : vector<128xf32>
    %reduce_sum3A_160 = vector.multi_reduction <add>, %select_n3A_158, %reduce_sum3A_159 [1] : vector<128x512xf32> to vector<128xf32>
    %broadcast_in_dim3A_161 = vector.shape_cast %reduce_sum3A_160 : vector<128xf32> to vector<128x1xf32>
    %le3A_162 = arith.constant 1.000000e+01 : f32
    %le3A_163 = vector.broadcast %le3A_162 : f32 to vector<128x512xf32>
    %le3A_164 = arith.cmpf ole, %concatenate3A, %le3A_163 : vector<128x512xf32>
    %jit3A_165 = arith.constant 1.000000e+00 : f32
    %jit3A_166 = arith.constant 0.000000e+00 : f32
    %broadcast_in_dim3A_167 = vector.broadcast %jit3A_165 : f32 to vector<128x512xf32>
    %broadcast_in_dim3A_168 = vector.broadcast %jit3A_166 : f32 to vector<128x512xf32>
    %select_n3A_169 = arith.select %le3A_164, %broadcast_in_dim3A_167, %broadcast_in_dim3A_168 : vector<128x512xi1>, vector<128x512xf32>
    %reduce_sum3A_170 = arith.constant dense<0.000000e+00> : vector<128xf32>
    %reduce_sum3A_171 = vector.multi_reduction <add>, %select_n3A_169, %reduce_sum3A_170 [1] : vector<128x512xf32> to vector<128xf32>
    %broadcast_in_dim3A_172 = vector.shape_cast %reduce_sum3A_171 : vector<128xf32> to vector<128x1xf32>
    %le3A_173 = arith.constant 1.100000e+01 : f32
    %le3A_174 = vector.broadcast %le3A_173 : f32 to vector<128x512xf32>
    %le3A_175 = arith.cmpf ole, %concatenate3A, %le3A_174 : vector<128x512xf32>
    %jit3A_176 = arith.constant 1.000000e+00 : f32
    %jit3A_177 = arith.constant 0.000000e+00 : f32
    %broadcast_in_dim3A_178 = vector.broadcast %jit3A_176 : f32 to vector<128x512xf32>
    %broadcast_in_dim3A_179 = vector.broadcast %jit3A_177 : f32 to vector<128x512xf32>
    %select_n3A_180 = arith.select %le3A_175, %broadcast_in_dim3A_178, %broadcast_in_dim3A_179 : vector<128x512xi1>, vector<128x512xf32>
    %reduce_sum3A_181 = arith.constant dense<0.000000e+00> : vector<128xf32>
    %reduce_sum3A_182 = vector.multi_reduction <add>, %select_n3A_180, %reduce_sum3A_181 [1] : vector<128x512xf32> to vector<128xf32>
    %broadcast_in_dim3A_183 = vector.shape_cast %reduce_sum3A_182 : vector<128xf32> to vector<128x1xf32>
    %le3A_184 = arith.constant 1.200000e+01 : f32
    %le3A_185 = vector.broadcast %le3A_184 : f32 to vector<128x512xf32>
    %le3A_186 = arith.cmpf ole, %concatenate3A, %le3A_185 : vector<128x512xf32>
    %jit3A_187 = arith.constant 1.000000e+00 : f32
    %jit3A_188 = arith.constant 0.000000e+00 : f32
    %broadcast_in_dim3A_189 = vector.broadcast %jit3A_187 : f32 to vector<128x512xf32>
    %broadcast_in_dim3A_190 = vector.broadcast %jit3A_188 : f32 to vector<128x512xf32>
    %select_n3A_191 = arith.select %le3A_186, %broadcast_in_dim3A_189, %broadcast_in_dim3A_190 : vector<128x512xi1>, vector<128x512xf32>
    %reduce_sum3A_192 = arith.constant dense<0.000000e+00> : vector<128xf32>
    %reduce_sum3A_193 = vector.multi_reduction <add>, %select_n3A_191, %reduce_sum3A_192 [1] : vector<128x512xf32> to vector<128xf32>
    %broadcast_in_dim3A_194 = vector.shape_cast %reduce_sum3A_193 : vector<128xf32> to vector<128x1xf32>
    %le3A_195 = arith.constant 1.300000e+01 : f32
    %le3A_196 = vector.broadcast %le3A_195 : f32 to vector<128x512xf32>
    %le3A_197 = arith.cmpf ole, %concatenate3A, %le3A_196 : vector<128x512xf32>
    %jit3A_198 = arith.constant 1.000000e+00 : f32
    %jit3A_199 = arith.constant 0.000000e+00 : f32
    %broadcast_in_dim3A_200 = vector.broadcast %jit3A_198 : f32 to vector<128x512xf32>
    %broadcast_in_dim3A_201 = vector.broadcast %jit3A_199 : f32 to vector<128x512xf32>
    %select_n3A_202 = arith.select %le3A_197, %broadcast_in_dim3A_200, %broadcast_in_dim3A_201 : vector<128x512xi1>, vector<128x512xf32>
    %reduce_sum3A_203 = arith.constant dense<0.000000e+00> : vector<128xf32>
    %reduce_sum3A_204 = vector.multi_reduction <add>, %select_n3A_202, %reduce_sum3A_203 [1] : vector<128x512xf32> to vector<128xf32>
    %broadcast_in_dim3A_205 = vector.shape_cast %reduce_sum3A_204 : vector<128xf32> to vector<128x1xf32>
    %le3A_206 = arith.constant 1.400000e+01 : f32
    %le3A_207 = vector.broadcast %le3A_206 : f32 to vector<128x512xf32>
    %le3A_208 = arith.cmpf ole, %concatenate3A, %le3A_207 : vector<128x512xf32>
    %jit3A_209 = arith.constant 1.000000e+00 : f32
    %jit3A_210 = arith.constant 0.000000e+00 : f32
    %broadcast_in_dim3A_211 = vector.broadcast %jit3A_209 : f32 to vector<128x512xf32>
    %broadcast_in_dim3A_212 = vector.broadcast %jit3A_210 : f32 to vector<128x512xf32>
    %select_n3A_213 = arith.select %le3A_208, %broadcast_in_dim3A_211, %broadcast_in_dim3A_212 : vector<128x512xi1>, vector<128x512xf32>
    %reduce_sum3A_214 = arith.constant dense<0.000000e+00> : vector<128xf32>
    %reduce_sum3A_215 = vector.multi_reduction <add>, %select_n3A_213, %reduce_sum3A_214 [1] : vector<128x512xf32> to vector<128xf32>
    %broadcast_in_dim3A_216 = vector.shape_cast %reduce_sum3A_215 : vector<128xf32> to vector<128x1xf32>
    %le3A_217 = arith.constant 1.500000e+01 : f32
    %le3A_218 = vector.broadcast %le3A_217 : f32 to vector<128x512xf32>
    %le3A_219 = arith.cmpf ole, %concatenate3A, %le3A_218 : vector<128x512xf32>
    %jit3A_220 = arith.constant 1.000000e+00 : f32
    %jit3A_221 = arith.constant 0.000000e+00 : f32
    %broadcast_in_dim3A_222 = vector.broadcast %jit3A_220 : f32 to vector<128x512xf32>
    %broadcast_in_dim3A_223 = vector.broadcast %jit3A_221 : f32 to vector<128x512xf32>
    %select_n3A_224 = arith.select %le3A_219, %broadcast_in_dim3A_222, %broadcast_in_dim3A_223 : vector<128x512xi1>, vector<128x512xf32>
    %reduce_sum3A_225 = arith.constant dense<0.000000e+00> : vector<128xf32>
    %reduce_sum3A_226 = vector.multi_reduction <add>, %select_n3A_224, %reduce_sum3A_225 [1] : vector<128x512xf32> to vector<128xf32>
    %broadcast_in_dim3A_227 = vector.shape_cast %reduce_sum3A_226 : vector<128xf32> to vector<128x1xf32>
    %le3A_228 = arith.constant 1.600000e+01 : f32
    %le3A_229 = vector.broadcast %le3A_228 : f32 to vector<128x512xf32>
    %le3A_230 = arith.cmpf ole, %concatenate3A, %le3A_229 : vector<128x512xf32>
    %jit3A_231 = arith.constant 1.000000e+00 : f32
    %jit3A_232 = arith.constant 0.000000e+00 : f32
    %broadcast_in_dim3A_233 = vector.broadcast %jit3A_231 : f32 to vector<128x512xf32>
    %broadcast_in_dim3A_234 = vector.broadcast %jit3A_232 : f32 to vector<128x512xf32>
    %select_n3A_235 = arith.select %le3A_230, %broadcast_in_dim3A_233, %broadcast_in_dim3A_234 : vector<128x512xi1>, vector<128x512xf32>
    %reduce_sum3A_236 = arith.constant dense<0.000000e+00> : vector<128xf32>
    %reduce_sum3A_237 = vector.multi_reduction <add>, %select_n3A_235, %reduce_sum3A_236 [1] : vector<128x512xf32> to vector<128xf32>
    %broadcast_in_dim3A_238 = vector.shape_cast %reduce_sum3A_237 : vector<128xf32> to vector<128x1xf32>
    %le3A_239 = arith.constant 1.700000e+01 : f32
    %le3A_240 = vector.broadcast %le3A_239 : f32 to vector<128x512xf32>
    %le3A_241 = arith.cmpf ole, %concatenate3A, %le3A_240 : vector<128x512xf32>
    %jit3A_242 = arith.constant 1.000000e+00 : f32
    %jit3A_243 = arith.constant 0.000000e+00 : f32
    %broadcast_in_dim3A_244 = vector.broadcast %jit3A_242 : f32 to vector<128x512xf32>
    %broadcast_in_dim3A_245 = vector.broadcast %jit3A_243 : f32 to vector<128x512xf32>
    %select_n3A_246 = arith.select %le3A_241, %broadcast_in_dim3A_244, %broadcast_in_dim3A_245 : vector<128x512xi1>, vector<128x512xf32>
    %reduce_sum3A_247 = arith.constant dense<0.000000e+00> : vector<128xf32>
    %reduce_sum3A_248 = vector.multi_reduction <add>, %select_n3A_246, %reduce_sum3A_247 [1] : vector<128x512xf32> to vector<128xf32>
    %broadcast_in_dim3A_249 = vector.shape_cast %reduce_sum3A_248 : vector<128xf32> to vector<128x1xf32>
    %le3A_250 = arith.constant 1.800000e+01 : f32
    %le3A_251 = vector.broadcast %le3A_250 : f32 to vector<128x512xf32>
    %le3A_252 = arith.cmpf ole, %concatenate3A, %le3A_251 : vector<128x512xf32>
    %jit3A_253 = arith.constant 1.000000e+00 : f32
    %jit3A_254 = arith.constant 0.000000e+00 : f32
    %broadcast_in_dim3A_255 = vector.broadcast %jit3A_253 : f32 to vector<128x512xf32>
    %broadcast_in_dim3A_256 = vector.broadcast %jit3A_254 : f32 to vector<128x512xf32>
    %select_n3A_257 = arith.select %le3A_252, %broadcast_in_dim3A_255, %broadcast_in_dim3A_256 : vector<128x512xi1>, vector<128x512xf32>
    %reduce_sum3A_258 = arith.constant dense<0.000000e+00> : vector<128xf32>
    %reduce_sum3A_259 = vector.multi_reduction <add>, %select_n3A_257, %reduce_sum3A_258 [1] : vector<128x512xf32> to vector<128xf32>
    %broadcast_in_dim3A_260 = vector.shape_cast %reduce_sum3A_259 : vector<128xf32> to vector<128x1xf32>
    %le3A_261 = arith.constant 1.900000e+01 : f32
    %le3A_262 = vector.broadcast %le3A_261 : f32 to vector<128x512xf32>
    %le3A_263 = arith.cmpf ole, %concatenate3A, %le3A_262 : vector<128x512xf32>
    %jit3A_264 = arith.constant 1.000000e+00 : f32
    %jit3A_265 = arith.constant 0.000000e+00 : f32
    %broadcast_in_dim3A_266 = vector.broadcast %jit3A_264 : f32 to vector<128x512xf32>
    %broadcast_in_dim3A_267 = vector.broadcast %jit3A_265 : f32 to vector<128x512xf32>
    %select_n3A_268 = arith.select %le3A_263, %broadcast_in_dim3A_266, %broadcast_in_dim3A_267 : vector<128x512xi1>, vector<128x512xf32>
    %reduce_sum3A_269 = arith.constant dense<0.000000e+00> : vector<128xf32>
    %reduce_sum3A_270 = vector.multi_reduction <add>, %select_n3A_268, %reduce_sum3A_269 [1] : vector<128x512xf32> to vector<128xf32>
    %broadcast_in_dim3A_271 = vector.shape_cast %reduce_sum3A_270 : vector<128xf32> to vector<128x1xf32>
    %concatenate3A_272 = tpu.concatenate %broadcast_in_dim3A_62, %broadcast_in_dim3A_73, %broadcast_in_dim3A_84, %broadcast_in_dim3A_95, %broadcast_in_dim3A_106, %broadcast_in_dim3A_117, %broadcast_in_dim3A_128, %broadcast_in_dim3A_139, %broadcast_in_dim3A_150, %broadcast_in_dim3A_161, %broadcast_in_dim3A_172, %broadcast_in_dim3A_183, %broadcast_in_dim3A_194, %broadcast_in_dim3A_205, %broadcast_in_dim3A_216, %broadcast_in_dim3A_227, %broadcast_in_dim3A_238, %broadcast_in_dim3A_249, %broadcast_in_dim3A_260, %broadcast_in_dim3A_271 in 1 : vector<128x1xf32>, vector<128x1xf32>, vector<128x1xf32>, vector<128x1xf32>, vector<128x1xf32>, vector<128x1xf32>, vector<128x1xf32>, vector<128x1xf32>, vector<128x1xf32>, vector<128x1xf32>, vector<128x1xf32>, vector<128x1xf32>, vector<128x1xf32>, vector<128x1xf32>, vector<128x1xf32>, vector<128x1xf32>, vector<128x1xf32>, vector<128x1xf32>, vector<128x1xf32>, vector<128x1xf32> -> vector<128x20xf32>
    %slice3A_273 = vector.extract_strided_slice %concatenate3A_272 {offsets = [0, 0], sizes = [128, 1], strides = [1, 1]} : vector<128x20xf32> to vector<128x1xf32>
    %ge3A = arith.constant 5.120000e+02 : f32
    %ge3A_274 = vector.broadcast %ge3A : f32 to vector<128x20xf32>
    %ge3A_275 = arith.cmpf oge, %concatenate3A_272, %ge3A_274 : vector<128x20xf32>
    %broadcast_in_dim3A_276 = vector.shape_cast %slice3A_273 : vector<128x1xf32> to vector<128x1xf32>
    %broadcast_in_dim3A_277 = vector.broadcast %broadcast_in_dim3A_276 : vector<128x1xf32> to vector<128x20xf32>
    %select_n3A_278 = arith.select %ge3A_275, %broadcast_in_dim3A_277, %concatenate3A_272 : vector<128x20xi1>, vector<128x20xf32>
    %broadcast_in_dim3A_279 = arith.constant 0.000000e+00 : f32
    %broadcast_in_dim3A_280 = vector.broadcast %broadcast_in_dim3A_279 : f32 to vector<128x4xf32>
    %concatenate3A_281 = tpu.concatenate %select_n3A_278, %broadcast_in_dim3A_280 in 1 : vector<128x20xf32>, vector<128x4xf32> -> vector<128x24xf32>
    %convert_element_type3A_282 = arith.fptosi %concatenate3A_281 : vector<128x24xf32> to vector<128x24xi32>
    %mul3A_283 = arith.constant 512 : i32
    %mul3A_284 = arith.muli %arg0, %mul3A_283 : i32
    %add3A_285 = vector.broadcast %mul3A_284 : i32 to vector<128x24xi32>
    %add3A_286 = arith.addi %convert_element_type3A_282, %add3A_285 : vector<128x24xi32>
    %swap3A = arith.constant 0 : index
    %swap3A_287 = arith.constant 0 : index
    %swap3A_288 = arith.constant 0 : index
    %swap3A_289 = vector.load %arg6[%swap3A, %swap3A_287, %swap3A_288] : memref<1x128x24xi32, #tpu.memory_space<vmem>>, vector<1x128x24xi32>
    %swap3A_290 = vector.shape_cast %swap3A_289 : vector<1x128x24xi32> to vector<128x24xi32>
    %swap3A_291 = vector.shape_cast %add3A_286 : vector<128x24xi32> to vector<1x128x24xi32>
    tpu.vector_store %arg6[%swap3A, %swap3A_287, %swap3A_288], %swap3A_291 {strides = array<i32>} : memref<1x128x24xi32, #tpu.memory_space<vmem>>, vector<1x128x24xi32>,
    return
  }
  func.func @transform_0(%arg0: i32, %arg1: i32) -> (i32, i32, i32) {
    %c0_i32 = arith.constant 0 : i32
    %c0_i32_0 = arith.constant 0 : i32
    return %arg0, %arg1, %c0_i32 : i32, i32, i32
  }
  func.func @transform_1(%arg0: i32, %arg1: i32) -> (i32, i32, i32) {
    %c0_i32 = arith.constant 0 : i32
    %c0_i32_0 = arith.constant 0 : i32
    %c0_i32_1 = arith.constant 0 : i32
    return %arg0, %c0_i32, %c0_i32_0 : i32, i32, i32
  }
  func.func @transform_2(%arg0: i32, %arg1: i32) -> (i32, i32, i32) {
    %c0_i32 = arith.constant 0 : i32
    %c0_i32_0 = arith.constant 0 : i32
    return %arg0, %arg1, %c0_i32 : i32, i32, i32
  }
  func.func @transform_3(%arg0: i32, %arg1: i32) -> (i32, i32, i32) {
    %c0_i32 = arith.constant 0 : i32
    %c0_i32_0 = arith.constant 0 : i32
    %c0_i32_1 = arith.constant 0 : i32
    return %arg0, %c0_i32, %c0_i32_0 : i32, i32, i32
  }
  func.func @transform_4(%arg0: i32, %arg1: i32) -> (i32, i32, i32) {
    %c0_i32 = arith.constant 0 : i32
    %c0_i32_0 = arith.constant 0 : i32
    return %arg0, %arg1, %c0_i32 : i32, i32, i32
  }
}

module attributes {stable_mosaic.version = 14 : i64} {
  func.func @_pool_kernel(%arg0: i32, %arg1: i32, %arg2: memref<1x256x32x72xf32, #tpu.memory_space<vmem>>, %arg3: memref<1x256x8xf32, #tpu.memory_space<vmem>>, %arg4: memref<70x64xf32, #tpu.memory_space<vmem>>, %arg5: memref<1x64xf32, #tpu.memory_space<vmem>>, %arg6: memref<64x64xf32, #tpu.memory_space<vmem>>, %arg7: memref<1x64xf32, #tpu.memory_space<vmem>>, %arg8: memref<1x256x64xf32, #tpu.memory_space<vmem>>, %arg9: memref<1x256x64xf32, #tpu.memory_space<vmem>>) attributes {dimension_semantics = [#tpu.dimension_semantics<arbitrary>, #tpu.dimension_semantics<arbitrary>], iteration_bounds = array<i64: 8, 2>, scalar_prefetch = 0 : i64, scratch_operands = 0 : i64, tpu.core_type = #tpu.core_type<tc>, window_params = [{transform_indices = @transform_0, window_bounds = array<i64: 1, 256, 32, 72>}, {transform_indices = @transform_1, window_bounds = array<i64: 1, 256, 8>}, {pipeline_mode = #tpu.pipeline_mode<synchronous>, transform_indices = @transform_2, window_bounds = array<i64: 70, 64>}, {pipeline_mode = #tpu.pipeline_mode<synchronous>, transform_indices = @transform_3, window_bounds = array<i64: 1, 64>}, {pipeline_mode = #tpu.pipeline_mode<synchronous>, transform_indices = @transform_4, window_bounds = array<i64: 64, 64>}, {pipeline_mode = #tpu.pipeline_mode<synchronous>, transform_indices = @transform_5, window_bounds = array<i64: 1, 64>}, {transform_indices = @transform_6, window_bounds = array<i64: 1, 256, 64>}, {transform_indices = @transform_7, window_bounds = array<i64: 1, 256, 64>}]} {
    %get3A = arith.constant 0 : index
    %get3A_0 = arith.constant 0 : index
    %get3A_1 = arith.constant 0 : index
    %get3A_2 = arith.constant 0 : index
    %get3A_3 = vector.load %arg2[%get3A, %get3A_0, %get3A_1, %get3A_2] : memref<1x256x32x72xf32, #tpu.memory_space<vmem>>, vector<1x256x32x72xf32>
    %get3A_4 = vector.shape_cast %get3A_3 : vector<1x256x32x72xf32> to vector<256x32x72xf32>
    %get3A_5 = arith.constant 0 : index
    %get3A_6 = arith.constant 0 : index
    %get3A_7 = arith.constant 0 : index
    %get3A_8 = vector.load %arg3[%get3A_5, %get3A_6, %get3A_7] : memref<1x256x8xf32, #tpu.memory_space<vmem>>, vector<1x256x8xf32>
    %get3A_9 = vector.shape_cast %get3A_8 : vector<1x256x8xf32> to vector<256x8xf32>
    %slice3A = vector.extract_strided_slice %get3A_4 {offsets = [0, 0, 0], sizes = [256, 32, 3], strides = [1, 1, 1]} : vector<256x32x72xf32> to vector<256x32x3xf32>
    %slice3A_10 = vector.extract_strided_slice %get3A_9 {offsets = [0, 0], sizes = [256, 3], strides = [1, 1]} : vector<256x8xf32> to vector<256x3xf32>
    %broadcast_in_dim3A = vector.shape_cast %slice3A_10 : vector<256x3xf32> to vector<256x1x3xf32>
    %sub3A = vector.broadcast %broadcast_in_dim3A : vector<256x1x3xf32> to vector<256x32x3xf32>
    %sub3A_11 = arith.subf %slice3A, %sub3A : vector<256x32x3xf32>
    %slice3A_12 = vector.extract_strided_slice %get3A_4 {offsets = [0, 0, 8], sizes = [256, 32, 64], strides = [1, 1, 1]} : vector<256x32x72xf32> to vector<256x32x64xf32>
    %concatenate3A = tpu.concatenate %sub3A_11, %slice3A, %slice3A_12 in 2 : vector<256x32x3xf32>, vector<256x32x3xf32>, vector<256x32x64xf32> -> vector<256x32x70xf32>
    %reshape3A = vector.shape_cast %concatenate3A : vector<256x32x70xf32> to vector<8192x70xf32>
    %get3A_13 = arith.constant 0 : index
    %get3A_14 = arith.constant 0 : index
    %get3A_15 = vector.load %arg4[%get3A_13, %get3A_14] : memref<70x64xf32, #tpu.memory_space<vmem>>, vector<70x64xf32>
    %dot_general3A = arith.constant dense<0.000000e+00> : vector<8192x64xf32>
    %dot_general3A_16 = tpu.matmul %reshape3A, %get3A_15, %dot_general3A {dimension_numbers = #tpu.dot_dimension_numbers<[1], [0], [0], [1], [0, 0, 1, 1], [], []>, transpose_lhs_hint = false} : vector<8192x70xf32>, vector<70x64xf32>, vector<8192x64xf32> -> vector<8192x64xf32>
    %get3A_17 = arith.constant 0 : index
    %get3A_18 = arith.constant 0 : index
    %get3A_19 = vector.load %arg5[%get3A_17, %get3A_18] : memref<1x64xf32, #tpu.memory_space<vmem>>, vector<1x64xf32>
    %add3A = vector.broadcast %get3A_19 : vector<1x64xf32> to vector<8192x64xf32>
    %add3A_20 = arith.addf %dot_general3A_16, %add3A : vector<8192x64xf32>
    %max3A = arith.constant 0.000000e+00 : f32
    %max3A_21 = vector.broadcast %max3A : f32 to vector<8192x64xf32>
    %max3A_22 = arith.maximumf %add3A_20, %max3A_21 : vector<8192x64xf32>
    %get3A_23 = arith.constant 0 : index
    %get3A_24 = arith.constant 0 : index
    %get3A_25 = vector.load %arg6[%get3A_23, %get3A_24] : memref<64x64xf32, #tpu.memory_space<vmem>>, vector<64x64xf32>
    %dot_general3A_26 = arith.constant dense<0.000000e+00> : vector<8192x64xf32>
    %dot_general3A_27 = tpu.matmul %max3A_22, %get3A_25, %dot_general3A_26 {dimension_numbers = #tpu.dot_dimension_numbers<[1], [0], [0], [1], [0, 0, 1, 1], [], []>, transpose_lhs_hint = false} : vector<8192x64xf32>, vector<64x64xf32>, vector<8192x64xf32> -> vector<8192x64xf32>
    %get3A_28 = arith.constant 0 : index
    %get3A_29 = arith.constant 0 : index
    %get3A_30 = vector.load %arg7[%get3A_28, %get3A_29] : memref<1x64xf32, #tpu.memory_space<vmem>>, vector<1x64xf32>
    %add3A_31 = vector.broadcast %get3A_30 : vector<1x64xf32> to vector<8192x64xf32>
    %add3A_32 = arith.addf %dot_general3A_27, %add3A_31 : vector<8192x64xf32>
    %max3A_33 = arith.constant 0.000000e+00 : f32
    %max3A_34 = vector.broadcast %max3A_33 : f32 to vector<8192x64xf32>
    %max3A_35 = arith.maximumf %add3A_32, %max3A_34 : vector<8192x64xf32>
    %reshape3A_36 = vector.shape_cast %max3A_35 : vector<8192x64xf32> to vector<256x32x64xf32>
    %slice3A_37 = vector.extract_strided_slice %reshape3A_36 {offsets = [0, 0, 0], sizes = [256, 1, 64], strides = [1, 1, 1]} : vector<256x32x64xf32> to vector<256x1x64xf32>
    %squeeze3A = vector.shape_cast %slice3A_37 : vector<256x1x64xf32> to vector<256x64xf32>
    %slice3A_38 = vector.extract_strided_slice %reshape3A_36 {offsets = [0, 0, 0], sizes = [256, 1, 64], strides = [1, 1, 1]} : vector<256x32x64xf32> to vector<256x1x64xf32>
    %squeeze3A_39 = vector.shape_cast %slice3A_38 : vector<256x1x64xf32> to vector<256x64xf32>
    %slice3A_40 = vector.extract_strided_slice %reshape3A_36 {offsets = [0, 1, 0], sizes = [256, 1, 64], strides = [1, 1, 1]} : vector<256x32x64xf32> to vector<256x1x64xf32>
    %squeeze3A_41 = vector.shape_cast %slice3A_40 : vector<256x1x64xf32> to vector<256x64xf32>
    %max3A_42 = arith.maximumf %squeeze3A, %squeeze3A_41 : vector<256x64xf32>
    %slice3A_43 = vector.extract_strided_slice %reshape3A_36 {offsets = [0, 1, 0], sizes = [256, 1, 64], strides = [1, 1, 1]} : vector<256x32x64xf32> to vector<256x1x64xf32>
    %squeeze3A_44 = vector.shape_cast %slice3A_43 : vector<256x1x64xf32> to vector<256x64xf32>
    %add3A_45 = arith.addf %squeeze3A_39, %squeeze3A_44 : vector<256x64xf32>
    %slice3A_46 = vector.extract_strided_slice %reshape3A_36 {offsets = [0, 2, 0], sizes = [256, 1, 64], strides = [1, 1, 1]} : vector<256x32x64xf32> to vector<256x1x64xf32>
    %squeeze3A_47 = vector.shape_cast %slice3A_46 : vector<256x1x64xf32> to vector<256x64xf32>
    %max3A_48 = arith.maximumf %max3A_42, %squeeze3A_47 : vector<256x64xf32>
    %slice3A_49 = vector.extract_strided_slice %reshape3A_36 {offsets = [0, 2, 0], sizes = [256, 1, 64], strides = [1, 1, 1]} : vector<256x32x64xf32> to vector<256x1x64xf32>
    %squeeze3A_50 = vector.shape_cast %slice3A_49 : vector<256x1x64xf32> to vector<256x64xf32>
    %add3A_51 = arith.addf %add3A_45, %squeeze3A_50 : vector<256x64xf32>
    %slice3A_52 = vector.extract_strided_slice %reshape3A_36 {offsets = [0, 3, 0], sizes = [256, 1, 64], strides = [1, 1, 1]} : vector<256x32x64xf32> to vector<256x1x64xf32>
    %squeeze3A_53 = vector.shape_cast %slice3A_52 : vector<256x1x64xf32> to vector<256x64xf32>
    %max3A_54 = arith.maximumf %max3A_48, %squeeze3A_53 : vector<256x64xf32>
    %slice3A_55 = vector.extract_strided_slice %reshape3A_36 {offsets = [0, 3, 0], sizes = [256, 1, 64], strides = [1, 1, 1]} : vector<256x32x64xf32> to vector<256x1x64xf32>
    %squeeze3A_56 = vector.shape_cast %slice3A_55 : vector<256x1x64xf32> to vector<256x64xf32>
    %add3A_57 = arith.addf %add3A_51, %squeeze3A_56 : vector<256x64xf32>
    %slice3A_58 = vector.extract_strided_slice %reshape3A_36 {offsets = [0, 4, 0], sizes = [256, 1, 64], strides = [1, 1, 1]} : vector<256x32x64xf32> to vector<256x1x64xf32>
    %squeeze3A_59 = vector.shape_cast %slice3A_58 : vector<256x1x64xf32> to vector<256x64xf32>
    %max3A_60 = arith.maximumf %max3A_54, %squeeze3A_59 : vector<256x64xf32>
    %slice3A_61 = vector.extract_strided_slice %reshape3A_36 {offsets = [0, 4, 0], sizes = [256, 1, 64], strides = [1, 1, 1]} : vector<256x32x64xf32> to vector<256x1x64xf32>
    %squeeze3A_62 = vector.shape_cast %slice3A_61 : vector<256x1x64xf32> to vector<256x64xf32>
    %add3A_63 = arith.addf %add3A_57, %squeeze3A_62 : vector<256x64xf32>
    %slice3A_64 = vector.extract_strided_slice %reshape3A_36 {offsets = [0, 5, 0], sizes = [256, 1, 64], strides = [1, 1, 1]} : vector<256x32x64xf32> to vector<256x1x64xf32>
    %squeeze3A_65 = vector.shape_cast %slice3A_64 : vector<256x1x64xf32> to vector<256x64xf32>
    %max3A_66 = arith.maximumf %max3A_60, %squeeze3A_65 : vector<256x64xf32>
    %slice3A_67 = vector.extract_strided_slice %reshape3A_36 {offsets = [0, 5, 0], sizes = [256, 1, 64], strides = [1, 1, 1]} : vector<256x32x64xf32> to vector<256x1x64xf32>
    %squeeze3A_68 = vector.shape_cast %slice3A_67 : vector<256x1x64xf32> to vector<256x64xf32>
    %add3A_69 = arith.addf %add3A_63, %squeeze3A_68 : vector<256x64xf32>
    %slice3A_70 = vector.extract_strided_slice %reshape3A_36 {offsets = [0, 6, 0], sizes = [256, 1, 64], strides = [1, 1, 1]} : vector<256x32x64xf32> to vector<256x1x64xf32>
    %squeeze3A_71 = vector.shape_cast %slice3A_70 : vector<256x1x64xf32> to vector<256x64xf32>
    %max3A_72 = arith.maximumf %max3A_66, %squeeze3A_71 : vector<256x64xf32>
    %slice3A_73 = vector.extract_strided_slice %reshape3A_36 {offsets = [0, 6, 0], sizes = [256, 1, 64], strides = [1, 1, 1]} : vector<256x32x64xf32> to vector<256x1x64xf32>
    %squeeze3A_74 = vector.shape_cast %slice3A_73 : vector<256x1x64xf32> to vector<256x64xf32>
    %add3A_75 = arith.addf %add3A_69, %squeeze3A_74 : vector<256x64xf32>
    %slice3A_76 = vector.extract_strided_slice %reshape3A_36 {offsets = [0, 7, 0], sizes = [256, 1, 64], strides = [1, 1, 1]} : vector<256x32x64xf32> to vector<256x1x64xf32>
    %squeeze3A_77 = vector.shape_cast %slice3A_76 : vector<256x1x64xf32> to vector<256x64xf32>
    %max3A_78 = arith.maximumf %max3A_72, %squeeze3A_77 : vector<256x64xf32>
    %slice3A_79 = vector.extract_strided_slice %reshape3A_36 {offsets = [0, 7, 0], sizes = [256, 1, 64], strides = [1, 1, 1]} : vector<256x32x64xf32> to vector<256x1x64xf32>
    %squeeze3A_80 = vector.shape_cast %slice3A_79 : vector<256x1x64xf32> to vector<256x64xf32>
    %add3A_81 = arith.addf %add3A_75, %squeeze3A_80 : vector<256x64xf32>
    %slice3A_82 = vector.extract_strided_slice %reshape3A_36 {offsets = [0, 8, 0], sizes = [256, 1, 64], strides = [1, 1, 1]} : vector<256x32x64xf32> to vector<256x1x64xf32>
    %squeeze3A_83 = vector.shape_cast %slice3A_82 : vector<256x1x64xf32> to vector<256x64xf32>
    %max3A_84 = arith.maximumf %max3A_78, %squeeze3A_83 : vector<256x64xf32>
    %slice3A_85 = vector.extract_strided_slice %reshape3A_36 {offsets = [0, 8, 0], sizes = [256, 1, 64], strides = [1, 1, 1]} : vector<256x32x64xf32> to vector<256x1x64xf32>
    %squeeze3A_86 = vector.shape_cast %slice3A_85 : vector<256x1x64xf32> to vector<256x64xf32>
    %add3A_87 = arith.addf %add3A_81, %squeeze3A_86 : vector<256x64xf32>
    %slice3A_88 = vector.extract_strided_slice %reshape3A_36 {offsets = [0, 9, 0], sizes = [256, 1, 64], strides = [1, 1, 1]} : vector<256x32x64xf32> to vector<256x1x64xf32>
    %squeeze3A_89 = vector.shape_cast %slice3A_88 : vector<256x1x64xf32> to vector<256x64xf32>
    %max3A_90 = arith.maximumf %max3A_84, %squeeze3A_89 : vector<256x64xf32>
    %slice3A_91 = vector.extract_strided_slice %reshape3A_36 {offsets = [0, 9, 0], sizes = [256, 1, 64], strides = [1, 1, 1]} : vector<256x32x64xf32> to vector<256x1x64xf32>
    %squeeze3A_92 = vector.shape_cast %slice3A_91 : vector<256x1x64xf32> to vector<256x64xf32>
    %add3A_93 = arith.addf %add3A_87, %squeeze3A_92 : vector<256x64xf32>
    %slice3A_94 = vector.extract_strided_slice %reshape3A_36 {offsets = [0, 10, 0], sizes = [256, 1, 64], strides = [1, 1, 1]} : vector<256x32x64xf32> to vector<256x1x64xf32>
    %squeeze3A_95 = vector.shape_cast %slice3A_94 : vector<256x1x64xf32> to vector<256x64xf32>
    %max3A_96 = arith.maximumf %max3A_90, %squeeze3A_95 : vector<256x64xf32>
    %slice3A_97 = vector.extract_strided_slice %reshape3A_36 {offsets = [0, 10, 0], sizes = [256, 1, 64], strides = [1, 1, 1]} : vector<256x32x64xf32> to vector<256x1x64xf32>
    %squeeze3A_98 = vector.shape_cast %slice3A_97 : vector<256x1x64xf32> to vector<256x64xf32>
    %add3A_99 = arith.addf %add3A_93, %squeeze3A_98 : vector<256x64xf32>
    %slice3A_100 = vector.extract_strided_slice %reshape3A_36 {offsets = [0, 11, 0], sizes = [256, 1, 64], strides = [1, 1, 1]} : vector<256x32x64xf32> to vector<256x1x64xf32>
    %squeeze3A_101 = vector.shape_cast %slice3A_100 : vector<256x1x64xf32> to vector<256x64xf32>
    %max3A_102 = arith.maximumf %max3A_96, %squeeze3A_101 : vector<256x64xf32>
    %slice3A_103 = vector.extract_strided_slice %reshape3A_36 {offsets = [0, 11, 0], sizes = [256, 1, 64], strides = [1, 1, 1]} : vector<256x32x64xf32> to vector<256x1x64xf32>
    %squeeze3A_104 = vector.shape_cast %slice3A_103 : vector<256x1x64xf32> to vector<256x64xf32>
    %add3A_105 = arith.addf %add3A_99, %squeeze3A_104 : vector<256x64xf32>
    %slice3A_106 = vector.extract_strided_slice %reshape3A_36 {offsets = [0, 12, 0], sizes = [256, 1, 64], strides = [1, 1, 1]} : vector<256x32x64xf32> to vector<256x1x64xf32>
    %squeeze3A_107 = vector.shape_cast %slice3A_106 : vector<256x1x64xf32> to vector<256x64xf32>
    %max3A_108 = arith.maximumf %max3A_102, %squeeze3A_107 : vector<256x64xf32>
    %slice3A_109 = vector.extract_strided_slice %reshape3A_36 {offsets = [0, 12, 0], sizes = [256, 1, 64], strides = [1, 1, 1]} : vector<256x32x64xf32> to vector<256x1x64xf32>
    %squeeze3A_110 = vector.shape_cast %slice3A_109 : vector<256x1x64xf32> to vector<256x64xf32>
    %add3A_111 = arith.addf %add3A_105, %squeeze3A_110 : vector<256x64xf32>
    %slice3A_112 = vector.extract_strided_slice %reshape3A_36 {offsets = [0, 13, 0], sizes = [256, 1, 64], strides = [1, 1, 1]} : vector<256x32x64xf32> to vector<256x1x64xf32>
    %squeeze3A_113 = vector.shape_cast %slice3A_112 : vector<256x1x64xf32> to vector<256x64xf32>
    %max3A_114 = arith.maximumf %max3A_108, %squeeze3A_113 : vector<256x64xf32>
    %slice3A_115 = vector.extract_strided_slice %reshape3A_36 {offsets = [0, 13, 0], sizes = [256, 1, 64], strides = [1, 1, 1]} : vector<256x32x64xf32> to vector<256x1x64xf32>
    %squeeze3A_116 = vector.shape_cast %slice3A_115 : vector<256x1x64xf32> to vector<256x64xf32>
    %add3A_117 = arith.addf %add3A_111, %squeeze3A_116 : vector<256x64xf32>
    %slice3A_118 = vector.extract_strided_slice %reshape3A_36 {offsets = [0, 14, 0], sizes = [256, 1, 64], strides = [1, 1, 1]} : vector<256x32x64xf32> to vector<256x1x64xf32>
    %squeeze3A_119 = vector.shape_cast %slice3A_118 : vector<256x1x64xf32> to vector<256x64xf32>
    %max3A_120 = arith.maximumf %max3A_114, %squeeze3A_119 : vector<256x64xf32>
    %slice3A_121 = vector.extract_strided_slice %reshape3A_36 {offsets = [0, 14, 0], sizes = [256, 1, 64], strides = [1, 1, 1]} : vector<256x32x64xf32> to vector<256x1x64xf32>
    %squeeze3A_122 = vector.shape_cast %slice3A_121 : vector<256x1x64xf32> to vector<256x64xf32>
    %add3A_123 = arith.addf %add3A_117, %squeeze3A_122 : vector<256x64xf32>
    %slice3A_124 = vector.extract_strided_slice %reshape3A_36 {offsets = [0, 15, 0], sizes = [256, 1, 64], strides = [1, 1, 1]} : vector<256x32x64xf32> to vector<256x1x64xf32>
    %squeeze3A_125 = vector.shape_cast %slice3A_124 : vector<256x1x64xf32> to vector<256x64xf32>
    %max3A_126 = arith.maximumf %max3A_120, %squeeze3A_125 : vector<256x64xf32>
    %slice3A_127 = vector.extract_strided_slice %reshape3A_36 {offsets = [0, 15, 0], sizes = [256, 1, 64], strides = [1, 1, 1]} : vector<256x32x64xf32> to vector<256x1x64xf32>
    %squeeze3A_128 = vector.shape_cast %slice3A_127 : vector<256x1x64xf32> to vector<256x64xf32>
    %add3A_129 = arith.addf %add3A_123, %squeeze3A_128 : vector<256x64xf32>
    %slice3A_130 = vector.extract_strided_slice %reshape3A_36 {offsets = [0, 16, 0], sizes = [256, 1, 64], strides = [1, 1, 1]} : vector<256x32x64xf32> to vector<256x1x64xf32>
    %squeeze3A_131 = vector.shape_cast %slice3A_130 : vector<256x1x64xf32> to vector<256x64xf32>
    %max3A_132 = arith.maximumf %max3A_126, %squeeze3A_131 : vector<256x64xf32>
    %slice3A_133 = vector.extract_strided_slice %reshape3A_36 {offsets = [0, 16, 0], sizes = [256, 1, 64], strides = [1, 1, 1]} : vector<256x32x64xf32> to vector<256x1x64xf32>
    %squeeze3A_134 = vector.shape_cast %slice3A_133 : vector<256x1x64xf32> to vector<256x64xf32>
    %add3A_135 = arith.addf %add3A_129, %squeeze3A_134 : vector<256x64xf32>
    %slice3A_136 = vector.extract_strided_slice %reshape3A_36 {offsets = [0, 17, 0], sizes = [256, 1, 64], strides = [1, 1, 1]} : vector<256x32x64xf32> to vector<256x1x64xf32>
    %squeeze3A_137 = vector.shape_cast %slice3A_136 : vector<256x1x64xf32> to vector<256x64xf32>
    %max3A_138 = arith.maximumf %max3A_132, %squeeze3A_137 : vector<256x64xf32>
    %slice3A_139 = vector.extract_strided_slice %reshape3A_36 {offsets = [0, 17, 0], sizes = [256, 1, 64], strides = [1, 1, 1]} : vector<256x32x64xf32> to vector<256x1x64xf32>
    %squeeze3A_140 = vector.shape_cast %slice3A_139 : vector<256x1x64xf32> to vector<256x64xf32>
    %add3A_141 = arith.addf %add3A_135, %squeeze3A_140 : vector<256x64xf32>
    %slice3A_142 = vector.extract_strided_slice %reshape3A_36 {offsets = [0, 18, 0], sizes = [256, 1, 64], strides = [1, 1, 1]} : vector<256x32x64xf32> to vector<256x1x64xf32>
    %squeeze3A_143 = vector.shape_cast %slice3A_142 : vector<256x1x64xf32> to vector<256x64xf32>
    %max3A_144 = arith.maximumf %max3A_138, %squeeze3A_143 : vector<256x64xf32>
    %slice3A_145 = vector.extract_strided_slice %reshape3A_36 {offsets = [0, 18, 0], sizes = [256, 1, 64], strides = [1, 1, 1]} : vector<256x32x64xf32> to vector<256x1x64xf32>
    %squeeze3A_146 = vector.shape_cast %slice3A_145 : vector<256x1x64xf32> to vector<256x64xf32>
    %add3A_147 = arith.addf %add3A_141, %squeeze3A_146 : vector<256x64xf32>
    %slice3A_148 = vector.extract_strided_slice %reshape3A_36 {offsets = [0, 19, 0], sizes = [256, 1, 64], strides = [1, 1, 1]} : vector<256x32x64xf32> to vector<256x1x64xf32>
    %squeeze3A_149 = vector.shape_cast %slice3A_148 : vector<256x1x64xf32> to vector<256x64xf32>
    %max3A_150 = arith.maximumf %max3A_144, %squeeze3A_149 : vector<256x64xf32>
    %slice3A_151 = vector.extract_strided_slice %reshape3A_36 {offsets = [0, 19, 0], sizes = [256, 1, 64], strides = [1, 1, 1]} : vector<256x32x64xf32> to vector<256x1x64xf32>
    %squeeze3A_152 = vector.shape_cast %slice3A_151 : vector<256x1x64xf32> to vector<256x64xf32>
    %add3A_153 = arith.addf %add3A_147, %squeeze3A_152 : vector<256x64xf32>
    %slice3A_154 = vector.extract_strided_slice %reshape3A_36 {offsets = [0, 20, 0], sizes = [256, 1, 64], strides = [1, 1, 1]} : vector<256x32x64xf32> to vector<256x1x64xf32>
    %squeeze3A_155 = vector.shape_cast %slice3A_154 : vector<256x1x64xf32> to vector<256x64xf32>
    %max3A_156 = arith.maximumf %max3A_150, %squeeze3A_155 : vector<256x64xf32>
    %slice3A_157 = vector.extract_strided_slice %reshape3A_36 {offsets = [0, 20, 0], sizes = [256, 1, 64], strides = [1, 1, 1]} : vector<256x32x64xf32> to vector<256x1x64xf32>
    %squeeze3A_158 = vector.shape_cast %slice3A_157 : vector<256x1x64xf32> to vector<256x64xf32>
    %add3A_159 = arith.addf %add3A_153, %squeeze3A_158 : vector<256x64xf32>
    %slice3A_160 = vector.extract_strided_slice %reshape3A_36 {offsets = [0, 21, 0], sizes = [256, 1, 64], strides = [1, 1, 1]} : vector<256x32x64xf32> to vector<256x1x64xf32>
    %squeeze3A_161 = vector.shape_cast %slice3A_160 : vector<256x1x64xf32> to vector<256x64xf32>
    %max3A_162 = arith.maximumf %max3A_156, %squeeze3A_161 : vector<256x64xf32>
    %slice3A_163 = vector.extract_strided_slice %reshape3A_36 {offsets = [0, 21, 0], sizes = [256, 1, 64], strides = [1, 1, 1]} : vector<256x32x64xf32> to vector<256x1x64xf32>
    %squeeze3A_164 = vector.shape_cast %slice3A_163 : vector<256x1x64xf32> to vector<256x64xf32>
    %add3A_165 = arith.addf %add3A_159, %squeeze3A_164 : vector<256x64xf32>
    %slice3A_166 = vector.extract_strided_slice %reshape3A_36 {offsets = [0, 22, 0], sizes = [256, 1, 64], strides = [1, 1, 1]} : vector<256x32x64xf32> to vector<256x1x64xf32>
    %squeeze3A_167 = vector.shape_cast %slice3A_166 : vector<256x1x64xf32> to vector<256x64xf32>
    %max3A_168 = arith.maximumf %max3A_162, %squeeze3A_167 : vector<256x64xf32>
    %slice3A_169 = vector.extract_strided_slice %reshape3A_36 {offsets = [0, 22, 0], sizes = [256, 1, 64], strides = [1, 1, 1]} : vector<256x32x64xf32> to vector<256x1x64xf32>
    %squeeze3A_170 = vector.shape_cast %slice3A_169 : vector<256x1x64xf32> to vector<256x64xf32>
    %add3A_171 = arith.addf %add3A_165, %squeeze3A_170 : vector<256x64xf32>
    %slice3A_172 = vector.extract_strided_slice %reshape3A_36 {offsets = [0, 23, 0], sizes = [256, 1, 64], strides = [1, 1, 1]} : vector<256x32x64xf32> to vector<256x1x64xf32>
    %squeeze3A_173 = vector.shape_cast %slice3A_172 : vector<256x1x64xf32> to vector<256x64xf32>
    %max3A_174 = arith.maximumf %max3A_168, %squeeze3A_173 : vector<256x64xf32>
    %slice3A_175 = vector.extract_strided_slice %reshape3A_36 {offsets = [0, 23, 0], sizes = [256, 1, 64], strides = [1, 1, 1]} : vector<256x32x64xf32> to vector<256x1x64xf32>
    %squeeze3A_176 = vector.shape_cast %slice3A_175 : vector<256x1x64xf32> to vector<256x64xf32>
    %add3A_177 = arith.addf %add3A_171, %squeeze3A_176 : vector<256x64xf32>
    %slice3A_178 = vector.extract_strided_slice %reshape3A_36 {offsets = [0, 24, 0], sizes = [256, 1, 64], strides = [1, 1, 1]} : vector<256x32x64xf32> to vector<256x1x64xf32>
    %squeeze3A_179 = vector.shape_cast %slice3A_178 : vector<256x1x64xf32> to vector<256x64xf32>
    %max3A_180 = arith.maximumf %max3A_174, %squeeze3A_179 : vector<256x64xf32>
    %slice3A_181 = vector.extract_strided_slice %reshape3A_36 {offsets = [0, 24, 0], sizes = [256, 1, 64], strides = [1, 1, 1]} : vector<256x32x64xf32> to vector<256x1x64xf32>
    %squeeze3A_182 = vector.shape_cast %slice3A_181 : vector<256x1x64xf32> to vector<256x64xf32>
    %add3A_183 = arith.addf %add3A_177, %squeeze3A_182 : vector<256x64xf32>
    %slice3A_184 = vector.extract_strided_slice %reshape3A_36 {offsets = [0, 25, 0], sizes = [256, 1, 64], strides = [1, 1, 1]} : vector<256x32x64xf32> to vector<256x1x64xf32>
    %squeeze3A_185 = vector.shape_cast %slice3A_184 : vector<256x1x64xf32> to vector<256x64xf32>
    %max3A_186 = arith.maximumf %max3A_180, %squeeze3A_185 : vector<256x64xf32>
    %slice3A_187 = vector.extract_strided_slice %reshape3A_36 {offsets = [0, 25, 0], sizes = [256, 1, 64], strides = [1, 1, 1]} : vector<256x32x64xf32> to vector<256x1x64xf32>
    %squeeze3A_188 = vector.shape_cast %slice3A_187 : vector<256x1x64xf32> to vector<256x64xf32>
    %add3A_189 = arith.addf %add3A_183, %squeeze3A_188 : vector<256x64xf32>
    %slice3A_190 = vector.extract_strided_slice %reshape3A_36 {offsets = [0, 26, 0], sizes = [256, 1, 64], strides = [1, 1, 1]} : vector<256x32x64xf32> to vector<256x1x64xf32>
    %squeeze3A_191 = vector.shape_cast %slice3A_190 : vector<256x1x64xf32> to vector<256x64xf32>
    %max3A_192 = arith.maximumf %max3A_186, %squeeze3A_191 : vector<256x64xf32>
    %slice3A_193 = vector.extract_strided_slice %reshape3A_36 {offsets = [0, 26, 0], sizes = [256, 1, 64], strides = [1, 1, 1]} : vector<256x32x64xf32> to vector<256x1x64xf32>
    %squeeze3A_194 = vector.shape_cast %slice3A_193 : vector<256x1x64xf32> to vector<256x64xf32>
    %add3A_195 = arith.addf %add3A_189, %squeeze3A_194 : vector<256x64xf32>
    %slice3A_196 = vector.extract_strided_slice %reshape3A_36 {offsets = [0, 27, 0], sizes = [256, 1, 64], strides = [1, 1, 1]} : vector<256x32x64xf32> to vector<256x1x64xf32>
    %squeeze3A_197 = vector.shape_cast %slice3A_196 : vector<256x1x64xf32> to vector<256x64xf32>
    %max3A_198 = arith.maximumf %max3A_192, %squeeze3A_197 : vector<256x64xf32>
    %slice3A_199 = vector.extract_strided_slice %reshape3A_36 {offsets = [0, 27, 0], sizes = [256, 1, 64], strides = [1, 1, 1]} : vector<256x32x64xf32> to vector<256x1x64xf32>
    %squeeze3A_200 = vector.shape_cast %slice3A_199 : vector<256x1x64xf32> to vector<256x64xf32>
    %add3A_201 = arith.addf %add3A_195, %squeeze3A_200 : vector<256x64xf32>
    %slice3A_202 = vector.extract_strided_slice %reshape3A_36 {offsets = [0, 28, 0], sizes = [256, 1, 64], strides = [1, 1, 1]} : vector<256x32x64xf32> to vector<256x1x64xf32>
    %squeeze3A_203 = vector.shape_cast %slice3A_202 : vector<256x1x64xf32> to vector<256x64xf32>
    %max3A_204 = arith.maximumf %max3A_198, %squeeze3A_203 : vector<256x64xf32>
    %slice3A_205 = vector.extract_strided_slice %reshape3A_36 {offsets = [0, 28, 0], sizes = [256, 1, 64], strides = [1, 1, 1]} : vector<256x32x64xf32> to vector<256x1x64xf32>
    %squeeze3A_206 = vector.shape_cast %slice3A_205 : vector<256x1x64xf32> to vector<256x64xf32>
    %add3A_207 = arith.addf %add3A_201, %squeeze3A_206 : vector<256x64xf32>
    %slice3A_208 = vector.extract_strided_slice %reshape3A_36 {offsets = [0, 29, 0], sizes = [256, 1, 64], strides = [1, 1, 1]} : vector<256x32x64xf32> to vector<256x1x64xf32>
    %squeeze3A_209 = vector.shape_cast %slice3A_208 : vector<256x1x64xf32> to vector<256x64xf32>
    %max3A_210 = arith.maximumf %max3A_204, %squeeze3A_209 : vector<256x64xf32>
    %slice3A_211 = vector.extract_strided_slice %reshape3A_36 {offsets = [0, 29, 0], sizes = [256, 1, 64], strides = [1, 1, 1]} : vector<256x32x64xf32> to vector<256x1x64xf32>
    %squeeze3A_212 = vector.shape_cast %slice3A_211 : vector<256x1x64xf32> to vector<256x64xf32>
    %add3A_213 = arith.addf %add3A_207, %squeeze3A_212 : vector<256x64xf32>
    %slice3A_214 = vector.extract_strided_slice %reshape3A_36 {offsets = [0, 30, 0], sizes = [256, 1, 64], strides = [1, 1, 1]} : vector<256x32x64xf32> to vector<256x1x64xf32>
    %squeeze3A_215 = vector.shape_cast %slice3A_214 : vector<256x1x64xf32> to vector<256x64xf32>
    %max3A_216 = arith.maximumf %max3A_210, %squeeze3A_215 : vector<256x64xf32>
    %slice3A_217 = vector.extract_strided_slice %reshape3A_36 {offsets = [0, 30, 0], sizes = [256, 1, 64], strides = [1, 1, 1]} : vector<256x32x64xf32> to vector<256x1x64xf32>
    %squeeze3A_218 = vector.shape_cast %slice3A_217 : vector<256x1x64xf32> to vector<256x64xf32>
    %add3A_219 = arith.addf %add3A_213, %squeeze3A_218 : vector<256x64xf32>
    %slice3A_220 = vector.extract_strided_slice %reshape3A_36 {offsets = [0, 31, 0], sizes = [256, 1, 64], strides = [1, 1, 1]} : vector<256x32x64xf32> to vector<256x1x64xf32>
    %squeeze3A_221 = vector.shape_cast %slice3A_220 : vector<256x1x64xf32> to vector<256x64xf32>
    %max3A_222 = arith.maximumf %max3A_216, %squeeze3A_221 : vector<256x64xf32>
    %slice3A_223 = vector.extract_strided_slice %reshape3A_36 {offsets = [0, 31, 0], sizes = [256, 1, 64], strides = [1, 1, 1]} : vector<256x32x64xf32> to vector<256x1x64xf32>
    %squeeze3A_224 = vector.shape_cast %slice3A_223 : vector<256x1x64xf32> to vector<256x64xf32>
    %add3A_225 = arith.addf %add3A_219, %squeeze3A_224 : vector<256x64xf32>
    %swap3A = arith.constant 0 : index
    %swap3A_226 = arith.constant 0 : index
    %swap3A_227 = arith.constant 0 : index
    %swap3A_228 = vector.load %arg8[%swap3A, %swap3A_226, %swap3A_227] : memref<1x256x64xf32, #tpu.memory_space<vmem>>, vector<1x256x64xf32>
    %swap3A_229 = vector.shape_cast %swap3A_228 : vector<1x256x64xf32> to vector<256x64xf32>
    %swap3A_230 = vector.shape_cast %max3A_222 : vector<256x64xf32> to vector<1x256x64xf32>
    tpu.vector_store %arg8[%swap3A, %swap3A_226, %swap3A_227], %swap3A_230 {strides = array<i32>} : memref<1x256x64xf32, #tpu.memory_space<vmem>>, vector<1x256x64xf32>,
    %div3A = arith.constant 3.200000e+01 : f32
    %div3A_231 = vector.broadcast %div3A : f32 to vector<256x64xf32>
    %div3A_232 = arith.divf %add3A_225, %div3A_231 : vector<256x64xf32>
    %swap3A_233 = arith.constant 0 : index
    %swap3A_234 = arith.constant 0 : index
    %swap3A_235 = arith.constant 0 : index
    %swap3A_236 = vector.load %arg9[%swap3A_233, %swap3A_234, %swap3A_235] : memref<1x256x64xf32, #tpu.memory_space<vmem>>, vector<1x256x64xf32>
    %swap3A_237 = vector.shape_cast %swap3A_236 : vector<1x256x64xf32> to vector<256x64xf32>
    %swap3A_238 = vector.shape_cast %div3A_232 : vector<256x64xf32> to vector<1x256x64xf32>
    tpu.vector_store %arg9[%swap3A_233, %swap3A_234, %swap3A_235], %swap3A_238 {strides = array<i32>} : memref<1x256x64xf32, #tpu.memory_space<vmem>>, vector<1x256x64xf32>,
    return
  }
  func.func @transform_0(%arg0: i32, %arg1: i32) -> (i32, i32, i32, i32) {
    %c0_i32 = arith.constant 0 : i32
    %c0_i32_0 = arith.constant 0 : i32
    %c0_i32_1 = arith.constant 0 : i32
    return %arg0, %arg1, %c0_i32, %c0_i32_0 : i32, i32, i32, i32
  }
  func.func @transform_1(%arg0: i32, %arg1: i32) -> (i32, i32, i32) {
    %c0_i32 = arith.constant 0 : i32
    %c0_i32_0 = arith.constant 0 : i32
    return %arg0, %arg1, %c0_i32 : i32, i32, i32
  }
  func.func @transform_2(%arg0: i32, %arg1: i32) -> (i32, i32) {
    %c0_i32 = arith.constant 0 : i32
    %c0_i32_0 = arith.constant 0 : i32
    %c0_i32_1 = arith.constant 0 : i32
    return %c0_i32, %c0_i32_0 : i32, i32
  }
  func.func @transform_3(%arg0: i32, %arg1: i32) -> (i32, i32) {
    %c0_i32 = arith.constant 0 : i32
    %c0_i32_0 = arith.constant 0 : i32
    %c0_i32_1 = arith.constant 0 : i32
    return %c0_i32, %c0_i32_0 : i32, i32
  }
  func.func @transform_4(%arg0: i32, %arg1: i32) -> (i32, i32) {
    %c0_i32 = arith.constant 0 : i32
    %c0_i32_0 = arith.constant 0 : i32
    %c0_i32_1 = arith.constant 0 : i32
    return %c0_i32, %c0_i32_0 : i32, i32
  }
  func.func @transform_5(%arg0: i32, %arg1: i32) -> (i32, i32) {
    %c0_i32 = arith.constant 0 : i32
    %c0_i32_0 = arith.constant 0 : i32
    %c0_i32_1 = arith.constant 0 : i32
    return %c0_i32, %c0_i32_0 : i32, i32
  }
  func.func @transform_6(%arg0: i32, %arg1: i32) -> (i32, i32, i32) {
    %c0_i32 = arith.constant 0 : i32
    %c0_i32_0 = arith.constant 0 : i32
    return %arg0, %arg1, %c0_i32 : i32, i32, i32
  }
  func.func @transform_7(%arg0: i32, %arg1: i32) -> (i32, i32, i32) {
    %c0_i32 = arith.constant 0 : i32
    %c0_i32_0 = arith.constant 0 : i32
    return %arg0, %arg1, %c0_i32 : i32, i32, i32
  }
}

module attributes {stable_mosaic.version = 14 : i64} {
  func.func @_pool_kernel(%arg0: i32, %arg1: i32, %arg2: memref<1x128x24x136xf32, #tpu.memory_space<vmem>>, %arg3: memref<1x128x8xf32, #tpu.memory_space<vmem>>, %arg4: memref<134x128xf32, #tpu.memory_space<vmem>>, %arg5: memref<1x128xf32, #tpu.memory_space<vmem>>, %arg6: memref<128x256xf32, #tpu.memory_space<vmem>>, %arg7: memref<1x256xf32, #tpu.memory_space<vmem>>, %arg8: memref<1x128x256xf32, #tpu.memory_space<vmem>>, %arg9: memref<1x128x256xf32, #tpu.memory_space<vmem>>) attributes {dimension_semantics = [#tpu.dimension_semantics<arbitrary>, #tpu.dimension_semantics<arbitrary>], iteration_bounds = array<i64: 8, 1>, scalar_prefetch = 0 : i64, scratch_operands = 0 : i64, tpu.core_type = #tpu.core_type<tc>, window_params = [{transform_indices = @transform_0, window_bounds = array<i64: 1, 128, 24, 136>}, {transform_indices = @transform_1, window_bounds = array<i64: 1, 128, 8>}, {pipeline_mode = #tpu.pipeline_mode<synchronous>, transform_indices = @transform_2, window_bounds = array<i64: 134, 128>}, {pipeline_mode = #tpu.pipeline_mode<synchronous>, transform_indices = @transform_3, window_bounds = array<i64: 1, 128>}, {pipeline_mode = #tpu.pipeline_mode<synchronous>, transform_indices = @transform_4, window_bounds = array<i64: 128, 256>}, {pipeline_mode = #tpu.pipeline_mode<synchronous>, transform_indices = @transform_5, window_bounds = array<i64: 1, 256>}, {transform_indices = @transform_6, window_bounds = array<i64: 1, 128, 256>}, {transform_indices = @transform_7, window_bounds = array<i64: 1, 128, 256>}]} {
    %get3A = arith.constant 0 : index
    %get3A_0 = arith.constant 0 : index
    %get3A_1 = arith.constant 0 : index
    %get3A_2 = arith.constant 0 : index
    %get3A_3 = vector.load %arg2[%get3A, %get3A_0, %get3A_1, %get3A_2] : memref<1x128x24x136xf32, #tpu.memory_space<vmem>>, vector<1x128x24x136xf32>
    %get3A_4 = vector.shape_cast %get3A_3 : vector<1x128x24x136xf32> to vector<128x24x136xf32>
    %get3A_5 = arith.constant 0 : index
    %get3A_6 = arith.constant 0 : index
    %get3A_7 = arith.constant 0 : index
    %get3A_8 = vector.load %arg3[%get3A_5, %get3A_6, %get3A_7] : memref<1x128x8xf32, #tpu.memory_space<vmem>>, vector<1x128x8xf32>
    %get3A_9 = vector.shape_cast %get3A_8 : vector<1x128x8xf32> to vector<128x8xf32>
    %slice3A = vector.extract_strided_slice %get3A_4 {offsets = [0, 0, 0], sizes = [128, 24, 3], strides = [1, 1, 1]} : vector<128x24x136xf32> to vector<128x24x3xf32>
    %slice3A_10 = vector.extract_strided_slice %get3A_9 {offsets = [0, 0], sizes = [128, 3], strides = [1, 1]} : vector<128x8xf32> to vector<128x3xf32>
    %broadcast_in_dim3A = vector.shape_cast %slice3A_10 : vector<128x3xf32> to vector<128x1x3xf32>
    %sub3A = vector.broadcast %broadcast_in_dim3A : vector<128x1x3xf32> to vector<128x24x3xf32>
    %sub3A_11 = arith.subf %slice3A, %sub3A : vector<128x24x3xf32>
    %slice3A_12 = vector.extract_strided_slice %get3A_4 {offsets = [0, 0, 8], sizes = [128, 24, 128], strides = [1, 1, 1]} : vector<128x24x136xf32> to vector<128x24x128xf32>
    %concatenate3A = tpu.concatenate %sub3A_11, %slice3A, %slice3A_12 in 2 : vector<128x24x3xf32>, vector<128x24x3xf32>, vector<128x24x128xf32> -> vector<128x24x134xf32>
    %reshape3A = vector.shape_cast %concatenate3A : vector<128x24x134xf32> to vector<3072x134xf32>
    %get3A_13 = arith.constant 0 : index
    %get3A_14 = arith.constant 0 : index
    %get3A_15 = vector.load %arg4[%get3A_13, %get3A_14] : memref<134x128xf32, #tpu.memory_space<vmem>>, vector<134x128xf32>
    %dot_general3A = arith.constant dense<0.000000e+00> : vector<3072x128xf32>
    %dot_general3A_16 = tpu.matmul %reshape3A, %get3A_15, %dot_general3A {dimension_numbers = #tpu.dot_dimension_numbers<[1], [0], [0], [1], [0, 0, 1, 1], [], []>, transpose_lhs_hint = false} : vector<3072x134xf32>, vector<134x128xf32>, vector<3072x128xf32> -> vector<3072x128xf32>
    %get3A_17 = arith.constant 0 : index
    %get3A_18 = arith.constant 0 : index
    %get3A_19 = vector.load %arg5[%get3A_17, %get3A_18] : memref<1x128xf32, #tpu.memory_space<vmem>>, vector<1x128xf32>
    %add3A = vector.broadcast %get3A_19 : vector<1x128xf32> to vector<3072x128xf32>
    %add3A_20 = arith.addf %dot_general3A_16, %add3A : vector<3072x128xf32>
    %max3A = arith.constant 0.000000e+00 : f32
    %max3A_21 = vector.broadcast %max3A : f32 to vector<3072x128xf32>
    %max3A_22 = arith.maximumf %add3A_20, %max3A_21 : vector<3072x128xf32>
    %get3A_23 = arith.constant 0 : index
    %get3A_24 = arith.constant 0 : index
    %get3A_25 = vector.load %arg6[%get3A_23, %get3A_24] : memref<128x256xf32, #tpu.memory_space<vmem>>, vector<128x256xf32>
    %dot_general3A_26 = arith.constant dense<0.000000e+00> : vector<3072x256xf32>
    %dot_general3A_27 = tpu.matmul %max3A_22, %get3A_25, %dot_general3A_26 {dimension_numbers = #tpu.dot_dimension_numbers<[1], [0], [0], [1], [0, 0, 1, 1], [], []>, transpose_lhs_hint = false} : vector<3072x128xf32>, vector<128x256xf32>, vector<3072x256xf32> -> vector<3072x256xf32>
    %get3A_28 = arith.constant 0 : index
    %get3A_29 = arith.constant 0 : index
    %get3A_30 = vector.load %arg7[%get3A_28, %get3A_29] : memref<1x256xf32, #tpu.memory_space<vmem>>, vector<1x256xf32>
    %add3A_31 = vector.broadcast %get3A_30 : vector<1x256xf32> to vector<3072x256xf32>
    %add3A_32 = arith.addf %dot_general3A_27, %add3A_31 : vector<3072x256xf32>
    %max3A_33 = arith.constant 0.000000e+00 : f32
    %max3A_34 = vector.broadcast %max3A_33 : f32 to vector<3072x256xf32>
    %max3A_35 = arith.maximumf %add3A_32, %max3A_34 : vector<3072x256xf32>
    %reshape3A_36 = vector.shape_cast %max3A_35 : vector<3072x256xf32> to vector<128x24x256xf32>
    %slice3A_37 = vector.extract_strided_slice %reshape3A_36 {offsets = [0, 0, 0], sizes = [128, 1, 256], strides = [1, 1, 1]} : vector<128x24x256xf32> to vector<128x1x256xf32>
    %squeeze3A = vector.shape_cast %slice3A_37 : vector<128x1x256xf32> to vector<128x256xf32>
    %slice3A_38 = vector.extract_strided_slice %reshape3A_36 {offsets = [0, 0, 0], sizes = [128, 1, 256], strides = [1, 1, 1]} : vector<128x24x256xf32> to vector<128x1x256xf32>
    %squeeze3A_39 = vector.shape_cast %slice3A_38 : vector<128x1x256xf32> to vector<128x256xf32>
    %slice3A_40 = vector.extract_strided_slice %reshape3A_36 {offsets = [0, 1, 0], sizes = [128, 1, 256], strides = [1, 1, 1]} : vector<128x24x256xf32> to vector<128x1x256xf32>
    %squeeze3A_41 = vector.shape_cast %slice3A_40 : vector<128x1x256xf32> to vector<128x256xf32>
    %max3A_42 = arith.maximumf %squeeze3A, %squeeze3A_41 : vector<128x256xf32>
    %slice3A_43 = vector.extract_strided_slice %reshape3A_36 {offsets = [0, 1, 0], sizes = [128, 1, 256], strides = [1, 1, 1]} : vector<128x24x256xf32> to vector<128x1x256xf32>
    %squeeze3A_44 = vector.shape_cast %slice3A_43 : vector<128x1x256xf32> to vector<128x256xf32>
    %add3A_45 = arith.addf %squeeze3A_39, %squeeze3A_44 : vector<128x256xf32>
    %slice3A_46 = vector.extract_strided_slice %reshape3A_36 {offsets = [0, 2, 0], sizes = [128, 1, 256], strides = [1, 1, 1]} : vector<128x24x256xf32> to vector<128x1x256xf32>
    %squeeze3A_47 = vector.shape_cast %slice3A_46 : vector<128x1x256xf32> to vector<128x256xf32>
    %max3A_48 = arith.maximumf %max3A_42, %squeeze3A_47 : vector<128x256xf32>
    %slice3A_49 = vector.extract_strided_slice %reshape3A_36 {offsets = [0, 2, 0], sizes = [128, 1, 256], strides = [1, 1, 1]} : vector<128x24x256xf32> to vector<128x1x256xf32>
    %squeeze3A_50 = vector.shape_cast %slice3A_49 : vector<128x1x256xf32> to vector<128x256xf32>
    %add3A_51 = arith.addf %add3A_45, %squeeze3A_50 : vector<128x256xf32>
    %slice3A_52 = vector.extract_strided_slice %reshape3A_36 {offsets = [0, 3, 0], sizes = [128, 1, 256], strides = [1, 1, 1]} : vector<128x24x256xf32> to vector<128x1x256xf32>
    %squeeze3A_53 = vector.shape_cast %slice3A_52 : vector<128x1x256xf32> to vector<128x256xf32>
    %max3A_54 = arith.maximumf %max3A_48, %squeeze3A_53 : vector<128x256xf32>
    %slice3A_55 = vector.extract_strided_slice %reshape3A_36 {offsets = [0, 3, 0], sizes = [128, 1, 256], strides = [1, 1, 1]} : vector<128x24x256xf32> to vector<128x1x256xf32>
    %squeeze3A_56 = vector.shape_cast %slice3A_55 : vector<128x1x256xf32> to vector<128x256xf32>
    %add3A_57 = arith.addf %add3A_51, %squeeze3A_56 : vector<128x256xf32>
    %slice3A_58 = vector.extract_strided_slice %reshape3A_36 {offsets = [0, 4, 0], sizes = [128, 1, 256], strides = [1, 1, 1]} : vector<128x24x256xf32> to vector<128x1x256xf32>
    %squeeze3A_59 = vector.shape_cast %slice3A_58 : vector<128x1x256xf32> to vector<128x256xf32>
    %max3A_60 = arith.maximumf %max3A_54, %squeeze3A_59 : vector<128x256xf32>
    %slice3A_61 = vector.extract_strided_slice %reshape3A_36 {offsets = [0, 4, 0], sizes = [128, 1, 256], strides = [1, 1, 1]} : vector<128x24x256xf32> to vector<128x1x256xf32>
    %squeeze3A_62 = vector.shape_cast %slice3A_61 : vector<128x1x256xf32> to vector<128x256xf32>
    %add3A_63 = arith.addf %add3A_57, %squeeze3A_62 : vector<128x256xf32>
    %slice3A_64 = vector.extract_strided_slice %reshape3A_36 {offsets = [0, 5, 0], sizes = [128, 1, 256], strides = [1, 1, 1]} : vector<128x24x256xf32> to vector<128x1x256xf32>
    %squeeze3A_65 = vector.shape_cast %slice3A_64 : vector<128x1x256xf32> to vector<128x256xf32>
    %max3A_66 = arith.maximumf %max3A_60, %squeeze3A_65 : vector<128x256xf32>
    %slice3A_67 = vector.extract_strided_slice %reshape3A_36 {offsets = [0, 5, 0], sizes = [128, 1, 256], strides = [1, 1, 1]} : vector<128x24x256xf32> to vector<128x1x256xf32>
    %squeeze3A_68 = vector.shape_cast %slice3A_67 : vector<128x1x256xf32> to vector<128x256xf32>
    %add3A_69 = arith.addf %add3A_63, %squeeze3A_68 : vector<128x256xf32>
    %slice3A_70 = vector.extract_strided_slice %reshape3A_36 {offsets = [0, 6, 0], sizes = [128, 1, 256], strides = [1, 1, 1]} : vector<128x24x256xf32> to vector<128x1x256xf32>
    %squeeze3A_71 = vector.shape_cast %slice3A_70 : vector<128x1x256xf32> to vector<128x256xf32>
    %max3A_72 = arith.maximumf %max3A_66, %squeeze3A_71 : vector<128x256xf32>
    %slice3A_73 = vector.extract_strided_slice %reshape3A_36 {offsets = [0, 6, 0], sizes = [128, 1, 256], strides = [1, 1, 1]} : vector<128x24x256xf32> to vector<128x1x256xf32>
    %squeeze3A_74 = vector.shape_cast %slice3A_73 : vector<128x1x256xf32> to vector<128x256xf32>
    %add3A_75 = arith.addf %add3A_69, %squeeze3A_74 : vector<128x256xf32>
    %slice3A_76 = vector.extract_strided_slice %reshape3A_36 {offsets = [0, 7, 0], sizes = [128, 1, 256], strides = [1, 1, 1]} : vector<128x24x256xf32> to vector<128x1x256xf32>
    %squeeze3A_77 = vector.shape_cast %slice3A_76 : vector<128x1x256xf32> to vector<128x256xf32>
    %max3A_78 = arith.maximumf %max3A_72, %squeeze3A_77 : vector<128x256xf32>
    %slice3A_79 = vector.extract_strided_slice %reshape3A_36 {offsets = [0, 7, 0], sizes = [128, 1, 256], strides = [1, 1, 1]} : vector<128x24x256xf32> to vector<128x1x256xf32>
    %squeeze3A_80 = vector.shape_cast %slice3A_79 : vector<128x1x256xf32> to vector<128x256xf32>
    %add3A_81 = arith.addf %add3A_75, %squeeze3A_80 : vector<128x256xf32>
    %slice3A_82 = vector.extract_strided_slice %reshape3A_36 {offsets = [0, 8, 0], sizes = [128, 1, 256], strides = [1, 1, 1]} : vector<128x24x256xf32> to vector<128x1x256xf32>
    %squeeze3A_83 = vector.shape_cast %slice3A_82 : vector<128x1x256xf32> to vector<128x256xf32>
    %max3A_84 = arith.maximumf %max3A_78, %squeeze3A_83 : vector<128x256xf32>
    %slice3A_85 = vector.extract_strided_slice %reshape3A_36 {offsets = [0, 8, 0], sizes = [128, 1, 256], strides = [1, 1, 1]} : vector<128x24x256xf32> to vector<128x1x256xf32>
    %squeeze3A_86 = vector.shape_cast %slice3A_85 : vector<128x1x256xf32> to vector<128x256xf32>
    %add3A_87 = arith.addf %add3A_81, %squeeze3A_86 : vector<128x256xf32>
    %slice3A_88 = vector.extract_strided_slice %reshape3A_36 {offsets = [0, 9, 0], sizes = [128, 1, 256], strides = [1, 1, 1]} : vector<128x24x256xf32> to vector<128x1x256xf32>
    %squeeze3A_89 = vector.shape_cast %slice3A_88 : vector<128x1x256xf32> to vector<128x256xf32>
    %max3A_90 = arith.maximumf %max3A_84, %squeeze3A_89 : vector<128x256xf32>
    %slice3A_91 = vector.extract_strided_slice %reshape3A_36 {offsets = [0, 9, 0], sizes = [128, 1, 256], strides = [1, 1, 1]} : vector<128x24x256xf32> to vector<128x1x256xf32>
    %squeeze3A_92 = vector.shape_cast %slice3A_91 : vector<128x1x256xf32> to vector<128x256xf32>
    %add3A_93 = arith.addf %add3A_87, %squeeze3A_92 : vector<128x256xf32>
    %slice3A_94 = vector.extract_strided_slice %reshape3A_36 {offsets = [0, 10, 0], sizes = [128, 1, 256], strides = [1, 1, 1]} : vector<128x24x256xf32> to vector<128x1x256xf32>
    %squeeze3A_95 = vector.shape_cast %slice3A_94 : vector<128x1x256xf32> to vector<128x256xf32>
    %max3A_96 = arith.maximumf %max3A_90, %squeeze3A_95 : vector<128x256xf32>
    %slice3A_97 = vector.extract_strided_slice %reshape3A_36 {offsets = [0, 10, 0], sizes = [128, 1, 256], strides = [1, 1, 1]} : vector<128x24x256xf32> to vector<128x1x256xf32>
    %squeeze3A_98 = vector.shape_cast %slice3A_97 : vector<128x1x256xf32> to vector<128x256xf32>
    %add3A_99 = arith.addf %add3A_93, %squeeze3A_98 : vector<128x256xf32>
    %slice3A_100 = vector.extract_strided_slice %reshape3A_36 {offsets = [0, 11, 0], sizes = [128, 1, 256], strides = [1, 1, 1]} : vector<128x24x256xf32> to vector<128x1x256xf32>
    %squeeze3A_101 = vector.shape_cast %slice3A_100 : vector<128x1x256xf32> to vector<128x256xf32>
    %max3A_102 = arith.maximumf %max3A_96, %squeeze3A_101 : vector<128x256xf32>
    %slice3A_103 = vector.extract_strided_slice %reshape3A_36 {offsets = [0, 11, 0], sizes = [128, 1, 256], strides = [1, 1, 1]} : vector<128x24x256xf32> to vector<128x1x256xf32>
    %squeeze3A_104 = vector.shape_cast %slice3A_103 : vector<128x1x256xf32> to vector<128x256xf32>
    %add3A_105 = arith.addf %add3A_99, %squeeze3A_104 : vector<128x256xf32>
    %slice3A_106 = vector.extract_strided_slice %reshape3A_36 {offsets = [0, 12, 0], sizes = [128, 1, 256], strides = [1, 1, 1]} : vector<128x24x256xf32> to vector<128x1x256xf32>
    %squeeze3A_107 = vector.shape_cast %slice3A_106 : vector<128x1x256xf32> to vector<128x256xf32>
    %max3A_108 = arith.maximumf %max3A_102, %squeeze3A_107 : vector<128x256xf32>
    %slice3A_109 = vector.extract_strided_slice %reshape3A_36 {offsets = [0, 12, 0], sizes = [128, 1, 256], strides = [1, 1, 1]} : vector<128x24x256xf32> to vector<128x1x256xf32>
    %squeeze3A_110 = vector.shape_cast %slice3A_109 : vector<128x1x256xf32> to vector<128x256xf32>
    %add3A_111 = arith.addf %add3A_105, %squeeze3A_110 : vector<128x256xf32>
    %slice3A_112 = vector.extract_strided_slice %reshape3A_36 {offsets = [0, 13, 0], sizes = [128, 1, 256], strides = [1, 1, 1]} : vector<128x24x256xf32> to vector<128x1x256xf32>
    %squeeze3A_113 = vector.shape_cast %slice3A_112 : vector<128x1x256xf32> to vector<128x256xf32>
    %max3A_114 = arith.maximumf %max3A_108, %squeeze3A_113 : vector<128x256xf32>
    %slice3A_115 = vector.extract_strided_slice %reshape3A_36 {offsets = [0, 13, 0], sizes = [128, 1, 256], strides = [1, 1, 1]} : vector<128x24x256xf32> to vector<128x1x256xf32>
    %squeeze3A_116 = vector.shape_cast %slice3A_115 : vector<128x1x256xf32> to vector<128x256xf32>
    %add3A_117 = arith.addf %add3A_111, %squeeze3A_116 : vector<128x256xf32>
    %slice3A_118 = vector.extract_strided_slice %reshape3A_36 {offsets = [0, 14, 0], sizes = [128, 1, 256], strides = [1, 1, 1]} : vector<128x24x256xf32> to vector<128x1x256xf32>
    %squeeze3A_119 = vector.shape_cast %slice3A_118 : vector<128x1x256xf32> to vector<128x256xf32>
    %max3A_120 = arith.maximumf %max3A_114, %squeeze3A_119 : vector<128x256xf32>
    %slice3A_121 = vector.extract_strided_slice %reshape3A_36 {offsets = [0, 14, 0], sizes = [128, 1, 256], strides = [1, 1, 1]} : vector<128x24x256xf32> to vector<128x1x256xf32>
    %squeeze3A_122 = vector.shape_cast %slice3A_121 : vector<128x1x256xf32> to vector<128x256xf32>
    %add3A_123 = arith.addf %add3A_117, %squeeze3A_122 : vector<128x256xf32>
    %slice3A_124 = vector.extract_strided_slice %reshape3A_36 {offsets = [0, 15, 0], sizes = [128, 1, 256], strides = [1, 1, 1]} : vector<128x24x256xf32> to vector<128x1x256xf32>
    %squeeze3A_125 = vector.shape_cast %slice3A_124 : vector<128x1x256xf32> to vector<128x256xf32>
    %max3A_126 = arith.maximumf %max3A_120, %squeeze3A_125 : vector<128x256xf32>
    %slice3A_127 = vector.extract_strided_slice %reshape3A_36 {offsets = [0, 15, 0], sizes = [128, 1, 256], strides = [1, 1, 1]} : vector<128x24x256xf32> to vector<128x1x256xf32>
    %squeeze3A_128 = vector.shape_cast %slice3A_127 : vector<128x1x256xf32> to vector<128x256xf32>
    %add3A_129 = arith.addf %add3A_123, %squeeze3A_128 : vector<128x256xf32>
    %slice3A_130 = vector.extract_strided_slice %reshape3A_36 {offsets = [0, 16, 0], sizes = [128, 1, 256], strides = [1, 1, 1]} : vector<128x24x256xf32> to vector<128x1x256xf32>
    %squeeze3A_131 = vector.shape_cast %slice3A_130 : vector<128x1x256xf32> to vector<128x256xf32>
    %max3A_132 = arith.maximumf %max3A_126, %squeeze3A_131 : vector<128x256xf32>
    %slice3A_133 = vector.extract_strided_slice %reshape3A_36 {offsets = [0, 16, 0], sizes = [128, 1, 256], strides = [1, 1, 1]} : vector<128x24x256xf32> to vector<128x1x256xf32>
    %squeeze3A_134 = vector.shape_cast %slice3A_133 : vector<128x1x256xf32> to vector<128x256xf32>
    %add3A_135 = arith.addf %add3A_129, %squeeze3A_134 : vector<128x256xf32>
    %slice3A_136 = vector.extract_strided_slice %reshape3A_36 {offsets = [0, 17, 0], sizes = [128, 1, 256], strides = [1, 1, 1]} : vector<128x24x256xf32> to vector<128x1x256xf32>
    %squeeze3A_137 = vector.shape_cast %slice3A_136 : vector<128x1x256xf32> to vector<128x256xf32>
    %max3A_138 = arith.maximumf %max3A_132, %squeeze3A_137 : vector<128x256xf32>
    %slice3A_139 = vector.extract_strided_slice %reshape3A_36 {offsets = [0, 17, 0], sizes = [128, 1, 256], strides = [1, 1, 1]} : vector<128x24x256xf32> to vector<128x1x256xf32>
    %squeeze3A_140 = vector.shape_cast %slice3A_139 : vector<128x1x256xf32> to vector<128x256xf32>
    %add3A_141 = arith.addf %add3A_135, %squeeze3A_140 : vector<128x256xf32>
    %slice3A_142 = vector.extract_strided_slice %reshape3A_36 {offsets = [0, 18, 0], sizes = [128, 1, 256], strides = [1, 1, 1]} : vector<128x24x256xf32> to vector<128x1x256xf32>
    %squeeze3A_143 = vector.shape_cast %slice3A_142 : vector<128x1x256xf32> to vector<128x256xf32>
    %max3A_144 = arith.maximumf %max3A_138, %squeeze3A_143 : vector<128x256xf32>
    %slice3A_145 = vector.extract_strided_slice %reshape3A_36 {offsets = [0, 18, 0], sizes = [128, 1, 256], strides = [1, 1, 1]} : vector<128x24x256xf32> to vector<128x1x256xf32>
    %squeeze3A_146 = vector.shape_cast %slice3A_145 : vector<128x1x256xf32> to vector<128x256xf32>
    %add3A_147 = arith.addf %add3A_141, %squeeze3A_146 : vector<128x256xf32>
    %slice3A_148 = vector.extract_strided_slice %reshape3A_36 {offsets = [0, 19, 0], sizes = [128, 1, 256], strides = [1, 1, 1]} : vector<128x24x256xf32> to vector<128x1x256xf32>
    %squeeze3A_149 = vector.shape_cast %slice3A_148 : vector<128x1x256xf32> to vector<128x256xf32>
    %max3A_150 = arith.maximumf %max3A_144, %squeeze3A_149 : vector<128x256xf32>
    %slice3A_151 = vector.extract_strided_slice %reshape3A_36 {offsets = [0, 19, 0], sizes = [128, 1, 256], strides = [1, 1, 1]} : vector<128x24x256xf32> to vector<128x1x256xf32>
    %squeeze3A_152 = vector.shape_cast %slice3A_151 : vector<128x1x256xf32> to vector<128x256xf32>
    %add3A_153 = arith.addf %add3A_147, %squeeze3A_152 : vector<128x256xf32>
    %swap3A = arith.constant 0 : index
    %swap3A_154 = arith.constant 0 : index
    %swap3A_155 = arith.constant 0 : index
    %swap3A_156 = vector.load %arg8[%swap3A, %swap3A_154, %swap3A_155] : memref<1x128x256xf32, #tpu.memory_space<vmem>>, vector<1x128x256xf32>
    %swap3A_157 = vector.shape_cast %swap3A_156 : vector<1x128x256xf32> to vector<128x256xf32>
    %swap3A_158 = vector.shape_cast %max3A_150 : vector<128x256xf32> to vector<1x128x256xf32>
    tpu.vector_store %arg8[%swap3A, %swap3A_154, %swap3A_155], %swap3A_158 {strides = array<i32>} : memref<1x128x256xf32, #tpu.memory_space<vmem>>, vector<1x128x256xf32>,
    %div3A = arith.constant 2.000000e+01 : f32
    %div3A_159 = vector.broadcast %div3A : f32 to vector<128x256xf32>
    %div3A_160 = arith.divf %add3A_153, %div3A_159 : vector<128x256xf32>
    %swap3A_161 = arith.constant 0 : index
    %swap3A_162 = arith.constant 0 : index
    %swap3A_163 = arith.constant 0 : index
    %swap3A_164 = vector.load %arg9[%swap3A_161, %swap3A_162, %swap3A_163] : memref<1x128x256xf32, #tpu.memory_space<vmem>>, vector<1x128x256xf32>
    %swap3A_165 = vector.shape_cast %swap3A_164 : vector<1x128x256xf32> to vector<128x256xf32>
    %swap3A_166 = vector.shape_cast %div3A_160 : vector<128x256xf32> to vector<1x128x256xf32>
    tpu.vector_store %arg9[%swap3A_161, %swap3A_162, %swap3A_163], %swap3A_166 {strides = array<i32>} : memref<1x128x256xf32, #tpu.memory_space<vmem>>, vector<1x128x256xf32>,
    return
  }
  func.func @transform_0(%arg0: i32, %arg1: i32) -> (i32, i32, i32, i32) {
    %c0_i32 = arith.constant 0 : i32
    %c0_i32_0 = arith.constant 0 : i32
    %c0_i32_1 = arith.constant 0 : i32
    return %arg0, %arg1, %c0_i32, %c0_i32_0 : i32, i32, i32, i32
  }
  func.func @transform_1(%arg0: i32, %arg1: i32) -> (i32, i32, i32) {
    %c0_i32 = arith.constant 0 : i32
    %c0_i32_0 = arith.constant 0 : i32
    return %arg0, %arg1, %c0_i32 : i32, i32, i32
  }
  func.func @transform_2(%arg0: i32, %arg1: i32) -> (i32, i32) {
    %c0_i32 = arith.constant 0 : i32
    %c0_i32_0 = arith.constant 0 : i32
    %c0_i32_1 = arith.constant 0 : i32
    return %c0_i32, %c0_i32_0 : i32, i32
  }
  func.func @transform_3(%arg0: i32, %arg1: i32) -> (i32, i32) {
    %c0_i32 = arith.constant 0 : i32
    %c0_i32_0 = arith.constant 0 : i32
    %c0_i32_1 = arith.constant 0 : i32
    return %c0_i32, %c0_i32_0 : i32, i32
  }
  func.func @transform_4(%arg0: i32, %arg1: i32) -> (i32, i32) {
    %c0_i32 = arith.constant 0 : i32
    %c0_i32_0 = arith.constant 0 : i32
    %c0_i32_1 = arith.constant 0 : i32
    return %c0_i32, %c0_i32_0 : i32, i32
  }
  func.func @transform_5(%arg0: i32, %arg1: i32) -> (i32, i32) {
    %c0_i32 = arith.constant 0 : i32
    %c0_i32_0 = arith.constant 0 : i32
    %c0_i32_1 = arith.constant 0 : i32
    return %c0_i32, %c0_i32_0 : i32, i32
  }
  func.func @transform_6(%arg0: i32, %arg1: i32) -> (i32, i32, i32) {
    %c0_i32 = arith.constant 0 : i32
    %c0_i32_0 = arith.constant 0 : i32
    return %arg0, %arg1, %c0_i32 : i32, i32, i32
  }
  func.func @transform_7(%arg0: i32, %arg1: i32) -> (i32, i32, i32) {
    %c0_i32 = arith.constant 0 : i32
    %c0_i32_0 = arith.constant 0 : i32
    return %arg0, %arg1, %c0_i32 : i32, i32, i32
  }
}

module attributes {stable_mosaic.version = 14 : i64} {
  func.func @_dense_relu_kernel(%arg0: i32, %arg1: memref<1024x518xf32, #tpu.memory_space<vmem>>, %arg2: memref<518x1024xf32, #tpu.memory_space<vmem>>, %arg3: memref<1x1024xf32, #tpu.memory_space<vmem>>, %arg4: memref<1024x1024xf32, #tpu.memory_space<vmem>>) attributes {dimension_semantics = [#tpu.dimension_semantics<arbitrary>], iteration_bounds = array<i64: 1>, scalar_prefetch = 0 : i64, scratch_operands = 0 : i64, tpu.core_type = #tpu.core_type<tc>, window_params = [{transform_indices = @transform_0, window_bounds = array<i64: 1024, 518>}, {pipeline_mode = #tpu.pipeline_mode<synchronous>, transform_indices = @transform_1, window_bounds = array<i64: 518, 1024>}, {pipeline_mode = #tpu.pipeline_mode<synchronous>, transform_indices = @transform_2, window_bounds = array<i64: 1, 1024>}, {transform_indices = @transform_3, window_bounds = array<i64: 1024, 1024>}]} {
    %get3A = arith.constant 0 : index
    %get3A_0 = arith.constant 0 : index
    %get3A_1 = vector.load %arg1[%get3A, %get3A_0] : memref<1024x518xf32, #tpu.memory_space<vmem>>, vector<1024x518xf32>
    %get3A_2 = arith.constant 0 : index
    %get3A_3 = arith.constant 0 : index
    %get3A_4 = vector.load %arg2[%get3A_2, %get3A_3] : memref<518x1024xf32, #tpu.memory_space<vmem>>, vector<518x1024xf32>
    %dot_general3A = arith.constant dense<0.000000e+00> : vector<1024x1024xf32>
    %dot_general3A_5 = tpu.matmul %get3A_1, %get3A_4, %dot_general3A {dimension_numbers = #tpu.dot_dimension_numbers<[1], [0], [0], [1], [0, 0, 1, 1], [], []>, transpose_lhs_hint = false} : vector<1024x518xf32>, vector<518x1024xf32>, vector<1024x1024xf32> -> vector<1024x1024xf32>
    %get3A_6 = arith.constant 0 : index
    %get3A_7 = arith.constant 0 : index
    %get3A_8 = vector.load %arg3[%get3A_6, %get3A_7] : memref<1x1024xf32, #tpu.memory_space<vmem>>, vector<1x1024xf32>
    %add3A = vector.broadcast %get3A_8 : vector<1x1024xf32> to vector<1024x1024xf32>
    %add3A_9 = arith.addf %dot_general3A_5, %add3A : vector<1024x1024xf32>
    %max3A = arith.constant 0.000000e+00 : f32
    %max3A_10 = vector.broadcast %max3A : f32 to vector<1024x1024xf32>
    %max3A_11 = arith.maximumf %add3A_9, %max3A_10 : vector<1024x1024xf32>
    %swap3A = arith.constant 0 : index
    %swap3A_12 = arith.constant 0 : index
    %swap3A_13 = vector.load %arg4[%swap3A, %swap3A_12] : memref<1024x1024xf32, #tpu.memory_space<vmem>>, vector<1024x1024xf32>
    tpu.vector_store %arg4[%swap3A, %swap3A_12], %max3A_11 {strides = array<i32>} : memref<1024x1024xf32, #tpu.memory_space<vmem>>, vector<1024x1024xf32>,
    return
  }
  func.func @transform_0(%arg0: i32) -> (i32, i32) {
    %c0_i32 = arith.constant 0 : i32
    %c0_i32_0 = arith.constant 0 : i32
    return %arg0, %c0_i32 : i32, i32
  }
  func.func @transform_1(%arg0: i32) -> (i32, i32) {
    %c0_i32 = arith.constant 0 : i32
    %c0_i32_0 = arith.constant 0 : i32
    %c0_i32_1 = arith.constant 0 : i32
    return %c0_i32, %c0_i32_0 : i32, i32
  }
  func.func @transform_2(%arg0: i32) -> (i32, i32) {
    %c0_i32 = arith.constant 0 : i32
    %c0_i32_0 = arith.constant 0 : i32
    %c0_i32_1 = arith.constant 0 : i32
    return %c0_i32, %c0_i32_0 : i32, i32
  }
  func.func @transform_3(%arg0: i32) -> (i32, i32) {
    %c0_i32 = arith.constant 0 : i32
    %c0_i32_0 = arith.constant 0 : i32
    return %arg0, %c0_i32 : i32, i32
  }
}

</mosaic_0001>

<sc_bundles>
// kernel: gather_offload_async_start
scs
__scs_entry_jumppad:
0x0: {  	(pc) =	sbr.rel $0x88, $3  }
0x1: {  	(tag) =	ssettag $0x0;
	lr =	simm.s32 $0x1  }
0x2: {  	[smem:$0x3F88] =	sst lr;
	_ =	strace $0xD0000000  }
0x3: {  	_ = 	snop  }
0x4: {  	_ = 	snop  }
0x5: {  	_ = 	snop  }
0x6: {  	_ = 	snop  }
0x7: {  	_ = 	snop  }
__scs_overlays_trampoline_lowered:
0x8: {  	[smem:$0x3F97] =	sst s0  }
0x9: {  	[smem:$0x3F98] =	sst s1  }
0xa: {  	[smem:$0x3F99] =	sst s2  }
0xb: {  	[smem:$0x3F9A] =	sst s3  }
0xc: {  	[smem:$0x3F9B] =	sst s4  }
0xd: {  	[smem:$0x3F9C] =	sst s5  }
0xe: {  	[smem:$0x3F9D] =	sst s6  }
0xf: {  	[smem:$0x3F9E] =	sst s7  }
0x10: {  	[smem:$0x3F9F] =	sst s8  }
0x11: {  	[smem:$0x3FA0] =	sst s9;
	s0 =	simm.s32 @!p0 $0x0  }
0x12: {  	s1 =	sld [smem:$0x3F86];
	s0 =	simm.s32 @p0 $0x1  }
0x13: {  	[smem:$0x3FA1] =	sst s0;
	s0 =	simm.s32 @!p1 $0x0  }
0x14: {  	s2 =	sld [smem:$0x3F85];
	s0 =	simm.s32 @p1 $0x1  }
0x15: {  	[smem:$0x3FA2] =	sst s0;
	s0 =	simm.s32 @!p2 $0x0  }
0x16: {  	s3 =	sld [smem:$0x3FDB];
	s0 =	simm.s32 @p2 $0x1  }
0x17: {  	s4 =	simm.s32 $0x1BF5;
	[smem:$0x3FA4] =	sst s0  }
0x18: {  	s0 =	sld [smem:$0x3F87];
	_ =	swait.ge [sflag:s4], $0x0  }
0x19: {  	s7 =	sld [smem:$0x3F88]  }
0x1a: {  	s8 =	sadd.s32 $0xFFFFE003, lr  }
0x1b: {  	s9 =	sadd.s32 $0xFFFFFEF7, lr;
	s5 =	simm.s32 $0xFFFFFFFF;
	p2 =	slt.u32 s8, $0xFFFFF086  }
0x1c: {  	p1 =	slt.u32 s9, $0xF7A;
	s5 =	simm.s32 @!p2 $0x0  }
0x1d: {  	s5 =	simm.s32 @p1 $0x1;
	p0 =	seq.s32 s7, s2  }
0x1e: {  	s7 =	smul.u32 @!p0 $0xF7A, s2;
	p2 =	seq.s32 @!p0 s5, $0x0  }
0x1f: {  	s9 =	smul.u32 $0xF7A, s1;
	s8 =	simm.s32 @!p0 $0x1BF5;
	p2 =	por !p2, p0  }
0x20: {  	[sflag:s8] =	ssyncset.s32 @!p0 $0xFFFFF086;
	s6 =	sadd.s32 @!p0 s3, s7;
	s7 =	simm.s32 @!p0 $0x108  }
0x21: {  	s3 =	sadd.s32 s3, s9;
	s6 =	sadd.s32 @!p0 $0x88, s6;
	s7 =	simm.s32 @p2 $0x1082  }
0x22: {  	[simem:s7], [sflag:s8] =	dma.local @!p0 [hbm:s6], $0xF7A  }
0x23: {  	s9 =	sor.u32 $0xD0000000, s2;
	s6 =	simm.s32 $0x108;
	_ =	swait.ge @!p0 [sflag:s8], $0x0  }
0x24: {  	s3 =	sadd.s32 $0x88, s3;
	s6 =	simm.s32 @!p1 $0x1082;
	[sflag:s4] =	ssyncset.s32 $0xFFFFF086  }
0x25: {  	[simem:s6], [sflag:s4] =	dma.local [hbm:s3], $0xF7A  }
0x26: {  	[smem:$0x3F88] =	sst s1;
	(tag) =	ssettag s2;
	_ =	strace s9  }
0x27: {  	s1 =	sld [smem:$0x3F98]  }
0x28: {  	s2 =	sld [smem:$0x3F99]  }
0x29: {  	s4 =	sld [smem:$0x3F9B]  }
0x2a: {  	p0 =	seq.s32 s5, $0x0;
	s5 =	sld [smem:$0x3F9C]  }
0x2b: {  	s6 =	sld [smem:$0x3F9D]  }
0x2c: {  	s7 =	sld [smem:$0x3F9E]  }
0x2d: {  	s3 =	simm.s32 $0x108;
	s8 =	sld [smem:$0x3F9F]  }
0x2e: {  	s3 =	simm.s32 @!p0 $0x1082;
	s9 =	sld [smem:$0x3FA0]  }
0x2f: {  	lr =	sadd.s32 s0, s3;
	s0 =	sld [smem:$0x3F97]  }
0x30: {  	s3 =	sld [smem:$0x3F9A]  }
0x31: {  	[smem:$0x3FA3] =	sst s10  }
0x32: {  	s10 =	sld [smem:$0x3FA1];
	_ =	sdelay $0x3  }
0x33: {  	p0 =	seq.s32 s10, $0x1;
	s10 =	sld [smem:$0x3FA3];
	_ =	sdelay $0x3  }
0x34: {  	[smem:$0x3FA3] =	sst s10  }
0x35: {  	s10 =	sld [smem:$0x3FA2];
	_ =	sdelay $0x3  }
0x36: {  	p1 =	seq.s32 s10, $0x1;
	s10 =	sld [smem:$0x3FA3];
	_ =	sdelay $0x3  }
0x37: {  	[smem:$0x3FA3] =	sst s10  }
0x38: {  	s10 =	sld [smem:$0x3FA4]  }
0x39: {  	_ = 	snop;
	(pc) =	sbr.ind lr, $3  }
0x3a: {  	_ = 	snop  }
0x3b: {  	_ = 	snop  }
0x3c: {  	p2 =	seq.s32 s10, $0x1;
	s10 =	sld [smem:$0x3FA3]  }
0x3d: {  	_ =	shalt  }
0x3e: {  	_ =	shalt  }
0x3f: {  	_ =	shalt  }
0x40: {  	_ =	shalt  }
0x41: {  	_ =	shalt  }
0x42: {  	_ =	shalt  }
0x43: {  	_ =	shalt  }
0x44: {  	_ =	shalt  }
0x45: {  	_ =	shalt  }
0x46: {  	_ =	shalt  }
0x47: {  	_ =	shalt  }
0x48: {  	_ =	shalt  }
0x49: {  	_ =	shalt  }
0x4a: {  	_ =	shalt  }
0x4b: {  	_ =	shalt  }
0x4c: {  	_ =	shalt  }
0x4d: {  	_ =	shalt  }
0x4e: {  	_ =	shalt  }
0x4f: {  	_ =	shalt  }
0x50: {  	_ =	shalt  }
0x51: {  	_ =	shalt  }
0x52: {  	_ =	shalt  }
0x53: {  	_ =	shalt  }
0x54: {  	_ =	shalt  }
0x55: {  	_ =	shalt  }
0x56: {  	_ =	shalt  }
0x57: {  	_ =	shalt  }
0x58: {  	_ =	shalt  }
0x59: {  	_ =	shalt  }
0x5a: {  	_ =	shalt  }
0x5b: {  	_ =	shalt  }
0x5c: {  	_ =	shalt  }
0x5d: {  	_ =	shalt  }
0x5e: {  	_ =	shalt  }
0x5f: {  	_ =	shalt  }
0x60: {  	_ =	shalt  }
0x61: {  	_ =	shalt  }
0x62: {  	_ =	shalt  }
0x63: {  	_ =	shalt  }
0x64: {  	_ =	shalt  }
0x65: {  	_ =	shalt  }
0x66: {  	_ =	shalt  }
0x67: {  	_ =	shalt  }
0x68: {  	_ =	shalt  }
0x69: {  	_ =	shalt  }
0x6a: {  	_ =	shalt  }
0x6b: {  	_ =	shalt  }
0x6c: {  	_ =	shalt  }
0x6d: {  	_ =	shalt  }
0x6e: {  	_ =	shalt  }
0x6f: {  	_ =	shalt  }
0x70: {  	_ =	shalt  }
0x71: {  	_ =	shalt  }
0x72: {  	_ =	shalt  }
0x73: {  	_ =	shalt  }
0x74: {  	_ =	shalt  }
0x75: {  	_ =	shalt  }
0x76: {  	_ =	shalt  }
0x77: {  	_ =	shalt  }
0x78: {  	_ =	shalt  }
0x79: {  	_ =	shalt  }
0x7a: {  	_ =	shalt  }
0x7b: {  	_ =	shalt  }
0x7c: {  	_ =	shalt  }
0x7d: {  	_ =	shalt  }
0x7e: {  	_ =	shalt  }
0x7f: {  	_ =	shalt  }
0x80: {  	_ =	shalt  }
0x81: {  	_ =	shalt  }
0x82: {  	_ =	shalt  }
0x83: {  	_ =	shalt  }
0x84: {  	_ =	shalt  }
0x85: {  	_ =	shalt  }
0x86: {  	_ =	shalt  }
0x87: {  	_ =	shalt  }
.Lfunc_end0:
.L_simem_size_0:
called_computation_lowered:
.L_overlay_start_0:
0x88: {  	s2 =	sld [smem:$0x3FD9]  }
0x89: {  	s3 =	sld [smem:$0x3FFE];
	_ =	sdelay $0x1  }
0x8a: {  	s1 =	srdreg.scid  }
0x8b: {  	s0 =	sand.u32 $0x1, s1  }
0x8c: {  	s16 =	sshll.u32 s0, $0xA;
	s2 =	sadd.s32 s3, s2  }
0x8d: {  	s2 =	sadd.s32 s2, s16  }
0x8e: {  	[smem:$0x3FAF] =	sst s2  }
0x8f: {  	_ = 	snop  }
0x90: {  	(tm) =	ssettm $0x1  }
0x91: {  	s17 =	sld [smem:$0x3FFB];
	_ =	sdelay $0x3  }
0x92: {  	_ =	strace s17  }
0x93: {  	s2 =	sld [smem:$0x3FFC];
	_ =	sdelay $0x3  }
0x94: {  	_ =	strace s2  }
0x95: {  	s2 =	sld [smem:$0x3FFD];
	_ =	sdelay $0x3  }
0x96: {  	_ =	strace s2  }
0x97: {  	_ =	strace $0x8FFFFFFF  }
0x98: {  	s18 =	sld [smem:$0x3FDB];
	_ =	sdelay $0x1  }
0x99: {  	s19 =	simm.s32 $_scs_section_size  }
0x9a: {  	s4 =	simm.s32 $_size__tile_overlayer_lowered;
	s5 =	simm.s32 $_tile_overlayer_lowered  }
0x9b: {  	s22 =	simm.s32 $0x1BFF;
	s21 =	sshll.u32 s5, $0x1;
	s2 =	sadd.s32 s19, s18  }
0x9c: {  	s6 =	simm.s32 $0x0;
	s20 =	sshll.u32 s4, $0x1;
	s4 =	sadd.s32 s21, s2  }
0x9d: {  	[timem:s6], [sflag:s22] =	dma.local [hbm:s4], s20  }
0x9e: {  	_ =	swait.ge [sflag:s22], s20  }
0x9f: {  	s3 =	ssub.s32 $0x0, s20;
	[sflag:s22] =	ssyncset.done $0x0  }
0xa0: {  	[sflag:s22] =	ssyncadd.s32 s3;
	_ =	sdelay $0x1  }
0xa1: {  	s23 =	simm.s32 $0x1B8B  }
0xa2: {  	_ =	swait.ge [sflag:s23], $0x1  }
0xa3: {  	[sflag:s23] =	ssyncset.done $0x0  }
0xa4: {  	s25 =	simm.s32 $0x1B8E;
	s24 =	sld [smem:$0x3FFE];
	[sflag:s23] =	ssyncadd.s32 $0xFFFFFFFF  }
0xa5: {  	s26 =	simm.s32 $execute0_lowered;
	[smem:$0x3FD2] =	sst s25  }
0xa6: {  	s4 =	sshll.u32 s26, $0x1;
	_ =	strace $0x80000046;
	[dreg:$0x1] =	wrdreg $0xFFFFFFFF  }
0xa7: {  	s28 =	simm.s32 $_size_execute0_lowered;
	s2 =	sadd.s32 s2, s4;
	[dreg:$0x0] =	wrdreg $0x0  }
0xa8: {  	s4 =	sshll.u32 s28, $0x1;
	[dreg:$0x2] =	wrdreg s2  }
0xa9: {  	[dreg:$0x3] =	wrdreg s4  }
0xaa: {  	[dreg:$0x4] =	wrdreg $0xC0  }
0xab: {  	_ =	task [dreg:s6], $0x5FFFF  }
0xac: {  	[dreg:$0x1] =	wrdreg $0xFFFFFFFF  }
0xad: {  	[dreg:$0x0] =	wrdreg $0x60  }
0xae: {  	[dreg:$0x2] =	wrdreg s24  }
0xaf: {  	[dreg:$0x3] =	wrdreg $0x9  }
0xb0: {  	_ =	task.clear_ibuf [dreg:s6], $0x4FFFF;
	_ =	strace $0x90000046  }
0xb1: {  	s29 =	simm.s32 $0x9;
	_ =	strace $0x80000048  }
0xb2: {  	_ =	swait.ge [sflag:s29], $0x1  }
0xb3: {  	[sflag:s29] =	ssyncadd.s32 $0xFFFFFFFF  }
0xb4: {  	_ =	strace $0x90000048  }
0xb5: {  	_ =	sfence  }
0xb6: {  	s30 =	sld [smem:$0x0];
	_ =	sdelay $0x2  }
0xb7: {  	s31 =	sshll.u32 s1, $0xD;
	s1 =	sshrl.u32 s1, $0x2  }
0xb8: {  	s3 =	sand.u32 $0x4000, s31;
	s1 =	sadd.s32 s1, s30  }
0xb9: {  	s0 =	sor.u32 s3, s0;
	s1 =	sshll.u32 s1, $0x11  }
0xba: {  	s0 =	sor.u32 s1, s0  }
0xbb: {  	s0 =	sadd.s32 $0x8F2B, s0  }
0xbc: {  	[sflag:s0] =	ssyncadd.remote.s32 $0x1  }
0xbd: {  	_ =	sfence.sel $0xFFFF  }
0xbe: {  	[dreg:$0x0] =	wrdreg $0xFFFFFFFF;
	(pc) =	sbr.abs _section_cstart, $3  }
0xbf: {  	[dreg:$0x1] =	wrdreg $0xFFFFFFFF  }
0xc0: {  	_ =	task.clear_ibuf [dreg:s6], $0x2FFFF;
	_ =	strace $0x9FFFFFFF  }
0xc1: {  	(tm) =	ssettm $0x7FFFFFFF  }
tec
execute0_lowered:
.L_overlay_start_1:
0x0: {  	(tag) =	ssettag $0x1  }
0x1: {  	s7 =	rddreg [dreg:$0x0]  }
0x2: {  	s0 =	rddreg [dreg:$0x1];
	_ =	strace $0x80000047  }
0x3: {  	s1 =	srdreg.scid;
	s4 =	simm.s32 $0x1;
	s9 =	simm.s32 $0x3  }
0x4: {  	s12 =	simm.s32 $0x0;
	s10 =	simm.s32 $0x0;
	s5 =	sshll.u32 s1, $0x4  }
.Ltmp0:
0x5: {  	s1 =	stileid.u32;
	s5 =	sand.u32 $0x10, s5;
	(pc) =	sbr.rel .LBB2_1-.Ltmp0, $4  }
0x6: {  	s2 =	sadd.s32 $0x48800, s7;
	s3 =	sadd.s32 $0x89000, s7;
	s6 =	sor.u32 s1, s5  }
0x7: {  	[sflag:s4] =	ssyncpa.u1 $0x0;
	s5 =	simm.s32 $0x2;
	s6 =	sshll.u32 s6, $0x7  }
0x8: {  	s7 =	sadd.s32 $0x89200, s7;
	[sflag:s5] =	ssyncpa.u1 $0x0;
	s8 =	sadd.s32 $0x80, s6  }
0x9: {  	vm0 =	vmmov $0xff;
	vm1 =	vcmask $0x3F20;
	[sflag:s9] =	ssyncpa.u1 $0x0;
	s9 =	simm.s32 $0x80;
	s11 =	smov.u32 s6  }
.LBB2_9:
0xa: {  	p0 =	seq.s32 s10, $0x2  }
.Ltmp1:
0xb: {  	_ = 	snop;
	(pc) =	sbr.rel @p0 .LBB2_11-.Ltmp1, $1  }
0xc: {  	_ =	sdelay $0x3  }
.LBB2_10:
0xd: {  	s12 =	sadd.s32 $0x80, s11  }
0xe: {  	s13 =	smov.u32 s6;
	p0 =	slt.s32 s12, s8  }
0xf: {  	s13 =	smov.u32 @p0 s12  }
0x10: {  	s10 =	sadd.s32 $0x1, s10;
	s12 =	smov.u32 s11;
	s11 =	smov.u32 s13  }
.LBB2_1:
0x11: {  	p0 =	sne.s32 s10, $0x0  }
.Ltmp2:
0x12: {  	_ = 	snop;
	(pc) =	sbr.rel @!p0 .LBB2_2-.Ltmp2, $1  }
0x13: {  	_ =	sdelay $0x3  }
0x14: {  	s13 =	sand.u32 $0x1, s10  }
0x15: {  	p0 =	seq.s32 s13, $0x0  }
.Ltmp3:
0x16: {  	_ = 	snop;
	(pc) =	sbr.rel @p0 .LBB2_9-.Ltmp3, $1  }
0x17: {  	_ =	sdelay $0x3  }
0x18: {  	_ =	swait.ge [sflag:s5], $0x80  }
0x19: {  	[sflag:s5] =	ssyncset.done $0x0  }
0x1a: {  	s13 =	simm.s32 $0x0;
	[sflag:s5] =	ssyncadd.s32 $0xFFFFFF80  }
0x1b: {  	v0 =	vld.msk [tilespmem:s13+$0x80 ss:$0x1], $0xffff;
	_ =	sdelay $0x4  }
0x1c: {  	vm2 =	vgt.s32 v0, $0x0  }
0x1d: {  	v0 =	vnsel vm2, $0x0, v0  }
0x1e: {  	v0 =	vmin.u32 v0, $0x3FFF  }
0x1f: {  	v0 =	vshll.u32 v0, $0x4;
	_ =	sdelay $0x3  }
0x20: {  	s13 =	simm.s32 $0x4100  }
0x21: {  	[tilespmem:s13], [sflag:$0x1] =	stream.indirect_vreg.gather [hbm:s2], $0x80, v0, vm0, $0x38;
	[tilespmem:$0x8100] =	vst v63  }
0x22: {  	s14 =	simm.s32 $0x4500;
	s31 =	simm.s32 $0x10  }
0x23: {  	[tilespmem:s14], [sflag:$0x1] =	stream.indirect_vreg.gather [hbm:s2], $0x80, v0, vm1, $0x38;
	[tilespmem:$0x8100] =	vst v63  }
0x24: {  	s14 =	simm.s32 $0x80;
	v0 =	vld.msk [tilespmem:s31+$0x80 ss:$0x1], $0xffff  }
.LBB2_5:
0x25: {  	p0 =	sne.s32 s14, $0x1C0;
	_ =	sdelay $0x4  }
0x26: {  	vm2 =	vgt.s32 v0, $0x0  }
0x27: {  	v0 =	vnsel vm2, $0x0, v0  }
0x28: {  	v0 =	vmin.u32 v0, $0x3FFF  }
0x29: {  	v0 =	vshll.u32 v0, $0x4;
	_ =	sdelay $0x3  }
.Ltmp4:
0x2a: {  	s13 =	sadd.s32 $0x800, s13;
	(pc) =	sbr.rel @p0 .LBB2_5-.Ltmp4, $4  }
0x2b: {  	[tilespmem:s13], [sflag:$0x1] =	stream.indirect_vreg.gather [hbm:s2], $0x80, v0, vm0, $0x38;
	[tilespmem:$0x8100] =	vst v63  }
0x2c: {  	s15 =	sshra.s32 s14, $0x2;
	s16 =	sadd.s32 $0x400, s13  }
0x2d: {  	[tilespmem:s16], [sflag:$0x1] =	stream.indirect_vreg.gather [hbm:s2], $0x80, v0, vm1, $0x38;
	[tilespmem:$0x8100] =	vst v63  }
0x2e: {  	s14 =	sadd.s32 $0x40, s14;
	v0 =	vld.msk [tilespmem:s15+$0x80 ss:$0x1], $0xffff  }
0x2f: {  	_ =	sdelay $0x3  }
0x30: {  	vm2 =	vgt.s32 v0, $0x0  }
0x31: {  	v0 =	vnsel vm2, $0x0, v0  }
0x32: {  	v0 =	vmin.u32 v0, $0x3FFF  }
0x33: {  	v0 =	vshll.u32 v0, $0x4;
	_ =	sdelay $0x3  }
0x34: {  	s13 =	sadd.s32 $0x800, s13  }
0x35: {  	[tilespmem:s13], [sflag:$0x1] =	stream.indirect_vreg.gather [hbm:s2], $0x80, v0, vm0, $0x38;
	[tilespmem:$0x8100] =	vst v63  }
0x36: {  	s13 =	sadd.s32 $0x400, s13  }
0x37: {  	[tilespmem:s13], [sflag:$0x1] =	stream.indirect_vreg.gather [hbm:s2], $0x80, v0, vm1, $0x38;
	[tilespmem:$0x8100] =	vst v63  }
0x38: {  	s12 =	sshll.u32 s12, $0x4;
	s14 =	simm.s32 $0x80;
	_ =	swait.ge [sflag:s4], $0x4000  }
0x39: {  	s15 =	simm.s32 $0x4500;
	s12 =	sadd.s32 s12, s7;
	[sflag:s4] =	ssyncset.done $0x0  }
0x3a: {  	s16 =	sadd.s32 $0x0, s12;
	s13 =	simm.s32 $0x4100;
	[sflag:s4] =	ssyncadd.s32 $0xFFFFC000  }
.LBB2_7:
0x3b: {  	[hbm:s16] =	stream.linear.scatter [tilespmem:s13], [sflag:$0x3], $0x400, $0x38;
	[tilespmem:$0x8100] =	vst v63  }
0x3c: {  	s16 =	smov.u32 s14;
	s13 =	smov.u32 s15;
	p0 =	sne.s32 s14, $0x780  }
.Ltmp5:
0x3d: {  	s14 =	sadd.s32 $0x80, s14;
	(pc) =	sbr.rel @p0 .LBB2_7-.Ltmp5, $2  }
0x3e: {  	_ =	sdelay $0x2  }
0x3f: {  	s15 =	sadd.s32 $0x400, s15;
	s16 =	sadd.s32 s16, s12  }
.Ltmp6:
0x40: {  	(pc) =	sbr.rel .LBB2_9-.Ltmp6, $2  }
0x41: {  	_ =	sdelay $0x2  }
0x42: {  	[hbm:s16] =	stream.linear.scatter [tilespmem:s13], [sflag:$0x3], $0x400, $0x38;
	[tilespmem:$0x8100] =	vst v63  }
.LBB2_2:
.Ltmp7:
0x43: {  	(pc) =	sbr.rel .LBB2_10-.Ltmp7, $4  }
0x44: {  	_ = 	snop  }
0x45: {  	s12 =	sshrl.u32 s11, $0x3  }
0x46: {  	s13 =	sand.u32 $0x7, s11;
	s12 =	sadd.s32 s3, s12  }
0x47: {  	[tilespmem:s9], [sflag:$0x2] =	stream.linear.gather [hbm4b:s12+s13], $0x80, $0x38;
	[tilespmem:$0x8100] =	vst v63  }
.LBB2_11:
0x48: {  	s2 =	simm.s32 $0x3  }
0x49: {  	_ =	swait.ge [sflag:s2], $0x4000  }
0x4a: {  	[sflag:s2] =	ssyncset.done $0x0  }
0x4b: {  	[sflag:s2] =	ssyncadd.s32 $0xFFFFC000  }
0x4c: {  	_ =	sfence.sel $0x180000  }
0x4d: {  	s3 =	simm.s32 $0x2;
	[bflag:$0x0] =	sbarrier.arrive $0xFFFF  }
0x4e: {  	[sflag:s3] =	ssyncpa.u1 $0x1  }
0x4f: {  	s31 =	simm.s32 $0x1;
	[sflag:s2] =	ssyncpa.u1 $0x1  }
0x50: {  	[sflag:s31] =	ssyncpa.u1 $0x1  }
0x51: {  	p0 =	sne.s32 s1, $0x0;
	_ =	strace $0x90000047  }
0x52: {  	s0 =	sadd.s32 @!p0 $0x100000, s0;
	[bflag:$0x2] =	sbarrier.arrive $0xFFFF  }
0x53: {  	[sflag:s0] =	ssyncadd.tile.s32 @!p0 $0x1;
	_ =	shalt  }
.Lfunc_end2:
_tile_overlayer_lowered:
.L_overlay_start_2:
0x54: {  	(tag) =	ssettag $0x2  }
0x55: {  	s0 =	rddreg [dreg:$0x0];
	s2 =	stileid.u32  }
0x56: {  	s1 =	rddreg [dreg:$0x1];
	p0 =	sne.s32 s2, $0x0  }
0x57: {  	s3 =	rddreg [dreg:$0x2];
	[bflag:$0x3] =	sbarrier.arrive $0xFFFF;
	s2 =	simm.s32 @!p0 $0x1C01  }
0x58: {  	[timem:s3], [sflag:s2] =	dma.local @!p0 [hbm:s0], s1  }
0x59: {  	s0 =	simm.s32 @!p0 $0x1  }
0x5a: {  	_ =	swait.ge @!p0 [sflag:s0], s1  }
0x5b: {  	s1 =	ssub.s32 @!p0 $0x0, s1;
	[sflag:s0] =	ssyncset.done @!p0 $0x0  }
0x5c: {  	[sflag:s0] =	ssyncadd.s32 @!p0 s1  }
0x5d: {  	[bflag:$0x3] =	sbarrier.arrive $0xFFFF  }
0x5e: {  	_ =	shalt  }

</sc_bundles>
